<compile_context>
chip_gen: v7x
topology: tpu7x:2x2x1
jax: 0.10.2.dev20260603
libtpu: 0.0.44.dev20260713+nightly
codegen_flags: <defaults>
</compile_context>

<pallas_src>
import functools

import jax
import jax.numpy as jnp
from jax import lax
from jax.experimental import pallas as pl
from jax.experimental.pallas import tpu as pltpu
from jax.experimental.pallas import tpu_sc as plsc

_NH = 16
_S = 2048
_E = 2 * _S - 1
_NC = 2
_NS = 16
_TW = 4096
_CW = 4224


def _sc_toeplitz():
    mesh = plsc.VectorSubcoreMesh(core_axis_name="c", subcore_axis_name="s")

    @functools.partial(
        pl.kernel,
        mesh=mesh,
        out_type=jax.ShapeDtypeStruct((_NH, _S, _S), jnp.float32),
        scratch_types=[
            pltpu.VMEM((_CW,), jnp.float32),
            pltpu.VMEM((2, 8, _TW), jnp.float32),
            pltpu.SemaphoreType.DMA,
        ],
    )
    def k(embp_hbm, out_hbm, colv, buf, sem_f):
        wid = lax.axis_index("s") * _NC + lax.axis_index("c")
        h = wid // 2
        parity = wid % 2
        qoff = 1 - parity

        pltpu.sync_copy(
            embp_hbm.at[pl.ds(pl.multiple_of(h * _CW, 8), _CW)], colv
        )

        def asm_chunk(qi, b, s):
            q = 2 * qi + qoff
            for r in range(8):
                base = 8 * q + (7 - r)
                for v in range(8):
                    m = 128 * s + 16 * v
                    buf[b, r, pl.ds(m, 16)] = colv[pl.ds(base + m, 16)]

        def assemble(qi, b):
            def cp(s2, c):
                asm_chunk(qi, b, s2)
                return c

            lax.fori_loop(0, _TW // 128, cp, 0)

        def fire_block(qi, b, kk):
            q = 2 * qi + qoff
            i0 = 15 - q
            t = 15 - kk
            pltpu.make_async_copy(
                buf.at[b, :, pl.ds(pl.multiple_of(128 * t, 128), _S)],
                out_hbm.at[
                    h, pl.ds(pl.multiple_of(8 * (i0 + 16 * kk), 8), 8), :
                ],
                sem_f,
            ).start()

        def fire_batch(qi, b):
            def fire(kk, c):
                fire_block(qi, b, kk)
                return c

            lax.fori_loop(0, 16, fire, 0)

        def drain_batch():
            def dr(kk, c):
                pltpu.make_async_copy(
                    buf.at[0, :, pl.ds(0, _S)],
                    out_hbm.at[h, pl.ds(0, 8), :],
                    sem_f,
                ).wait()
                return c

            lax.fori_loop(0, 16, dr, 0)

        def warm(s2, c):
            asm_chunk(0, 0, 30 - s2)

            @pl.when(s2 >= 15)
            def _():
                fire_block(0, 0, s2 - 15)

            return c

        lax.fori_loop(0, 31, warm, 0)

        def steady(qi, c):
            b = lax.rem(qi, 2)
            assemble(qi, b)
            fire_batch(qi, b)
            drain_batch()
            return c

        lax.fori_loop(1, 8, steady, 0)
        drain_batch()

    return k


_KERNEL = _sc_toeplitz()


def kernel(q_len, k_len, embedding):
    embp = jnp.pad(embedding.T, ((0, 0), (0, _CW - _E)))
    out = _KERNEL(embp.reshape(_NH * _CW))
    return out[None]

# --- scband reference (transcript-rebuilt; emitter-appended) ---
"""Pipeline reference for scband-relative-position-bias-57475252355151 (READ-ONLY COPY).

The authoritative reference and input builder live on the scoring server;
editing this copy changes nothing except your own understanding.
"""

import jax, jax.numpy as jnp
import numpy as np

NUM_HEADS = 16
MAX_DISTANCE = 2048

def setup_inputs(seed: int = 0) -> dict:
    key = jax.random.key(seed)
    embedding = jax.random.normal(key, (2 * MAX_DISTANCE - 1, NUM_HEADS), dtype=jnp.float32) * 0.02
    return {"q_len": 2048, "k_len": 2048, "embedding": embedding}

def reference(q_len, k_len, embedding):
    Q = (embedding.shape[0] + 1) // 2
    K = (embedding.shape[0] + 1) // 2
    context_position = (jnp.arange(Q) + (q_len - Q))[:, None]
    memory_position = (jnp.arange(K) + (k_len - K))[None, :]
    relative_position = memory_position - context_position
    relative_position = jnp.clip(relative_position, -MAX_DISTANCE + 1, MAX_DISTANCE - 1)
    relative_position = relative_position + MAX_DISTANCE - 1
    values = jnp.take(embedding, relative_position, axis=0)  # [q_len, k_len, num_heads]
    return jnp.transpose(values, (2, 0, 1))[None, :, :, :]  # [1, num_heads, q_len, k_len]

if __name__ == "__main__":
    import jax
    _d = setup_inputs()
    print(jax.jit(kernel)(*tuple(_d.values())))

</pallas_src>

<mosaic_0001>
#map = affine_map<(d0, d1) -> (0)>
#map1 = affine_map<(d0, d1) -> (0, 0, 0)>
module attributes {stable_mosaic.version = 14 : i64} {
  func.func @k(%arg0: i32, %arg1: i32, %arg2: memref<67584xf32, #tpu.memory_space<hbm>>, %arg3: memref<16x2048x2048xf32, #tpu.memory_space<hbm>>, %arg4: memref<4224xf32, #tpu.memory_space<vmem>>, %arg5: memref<2x8x4096xf32, #tpu.memory_space<vmem>>, %arg6: memref<!tpu.dma_semaphore, #tpu.memory_space<semaphore_mem>>) attributes {dimension_semantics = [#tpu.dimension_semantics<core_parallel>, #tpu.dimension_semantics<subcore_parallel>], iteration_bounds = array<i64: 2, 16>, scalar_prefetch = 0 : i64, scratch_operands = 3 : i64, tpu.core_type = #tpu.core_type<sc_vector_subcore>, window_params = [{transform_indices = #map}, {transform_indices = #map1}]} {
    %mul3A = arith.constant 2 : i32
    %mul3A_0 = arith.muli %arg1, %mul3A : i32
    %add3A = arith.addi %mul3A_0, %arg0 : i32
    %jit3A = arith.constant 2 : i32
    %div3A = arith.divsi %add3A, %jit3A : i32
    %sign3A = arith.constant 0 : i32
    %sign3A_1 = arith.cmpi sgt, %add3A, %sign3A : i32
    %sign3A_2 = arith.extui %sign3A_1 : i1 to i32
    %sign3A_3 = arith.constant 0 : i32
    %sign3A_4 = arith.cmpi slt, %add3A, %sign3A_3 : i32
    %sign3A_5 = arith.extui %sign3A_4 : i1 to i32
    %sign3A_6 = arith.subi %sign3A_2, %sign3A_5 : i32
    %sign3A_7 = arith.constant 0 : i32
    %sign3A_8 = arith.cmpi sgt, %jit3A, %sign3A_7 : i32
    %sign3A_9 = arith.extui %sign3A_8 : i1 to i32
    %sign3A_10 = arith.constant 0 : i32
    %sign3A_11 = arith.cmpi slt, %jit3A, %sign3A_10 : i32
    %sign3A_12 = arith.extui %sign3A_11 : i1 to i32
    %sign3A_13 = arith.subi %sign3A_9, %sign3A_12 : i32
    %ne3A = arith.cmpi ne, %sign3A_6, %sign3A_13 : i32
    %rem3A = arith.remsi %add3A, %jit3A : i32
    %ne3A_14 = arith.constant 0 : i32
    %ne3A_15 = arith.cmpi ne, %rem3A, %ne3A_14 : i32
    %and3A = arith.andi %ne3A, %ne3A_15 : i1
    %sub3A = arith.constant 1 : i32
    %sub3A_16 = arith.subi %div3A, %sub3A : i32
    %select_n3A = arith.select %and3A, %sub3A_16, %div3A : i32
    %jit3A_17 = arith.constant 2 : i32
    %eq3A = arith.constant 0 : i32
    %eq3A_18 = arith.cmpi eq, %jit3A_17, %eq3A : i32
    %jit3A_19 = arith.constant 1 : i32
    %select_n3A_20 = arith.select %eq3A_18, %jit3A_19, %jit3A_17 : i32
    %rem3A_21 = arith.remsi %add3A, %select_n3A_20 : i32
    %ne3A_22 = arith.constant 0 : i32
    %ne3A_23 = arith.cmpi ne, %rem3A_21, %ne3A_22 : i32
    %lt3A = arith.constant 0 : i32
    %lt3A_24 = arith.cmpi slt, %rem3A_21, %lt3A : i32
    %lt3A_25 = arith.constant 0 : i32
    %lt3A_26 = arith.cmpi slt, %select_n3A_20, %lt3A_25 : i32
    %ne3A_27 = arith.xori %lt3A_24, %lt3A_26 : i1
    %and3A_28 = arith.andi %ne3A_27, %ne3A_23 : i1
    %add3A_29 = arith.addi %rem3A_21, %select_n3A_20 : i32
    %select_n3A_30 = arith.select %and3A_28, %add3A_29, %rem3A_21 : i32
    %sub3A_31 = arith.constant 1 : i32
    %sub3A_32 = arith.subi %sub3A_31, %select_n3A_30 : i32
    %mul3A_33 = arith.constant 4224 : i32
    %mul3A_34 = arith.muli %select_n3A, %mul3A_33 : i32
    %multiple_of3A = tpu.assume_multiple %mul3A_34, 8 : i32
    "tpu.region"() ({
      %run_scoped3A = tpu.sem_alloc : memref<!tpu.dma_semaphore, #tpu.memory_space<semaphore_mem>>
      %dma_start3A = tpu.memref_slice %arg2[%multiple_of3A] : memref<67584xf32, #tpu.memory_space<hbm>> -> memref<4224xf32, #tpu.memory_space<hbm>>
      %dma_start3A_52 = tpu.memref_slice %arg2[%multiple_of3A] : memref<67584xf32, #tpu.memory_space<hbm>> -> memref<4224xf32, #tpu.memory_space<hbm>>
      tpu.enqueue_dma source(%dma_start3A_52 : memref<4224xf32, #tpu.memory_space<hbm>>) target(%arg4 : memref<4224xf32, #tpu.memory_space<vmem>>) target_semaphore(%run_scoped3A : memref<!tpu.dma_semaphore, #tpu.memory_space<semaphore_mem>>)
      %dma_wait3A = tpu.memref_slice %arg2[%multiple_of3A] : memref<67584xf32, #tpu.memory_space<hbm>> -> memref<4224xf32, #tpu.memory_space<hbm>>
      %dma_wait3A_53 = tpu.memref_slice %arg2[%multiple_of3A] : memref<67584xf32, #tpu.memory_space<hbm>> -> memref<4224xf32, #tpu.memory_space<hbm>>
      tpu.wait_dma2 semaphore(%run_scoped3A : memref<!tpu.dma_semaphore, #tpu.memory_space<semaphore_mem>>) src(%dma_wait3A_53 : memref<4224xf32, #tpu.memory_space<hbm>>) dst(%arg4 : memref<4224xf32, #tpu.memory_space<vmem>>)
      tpu.yield
    }) : () -> ()
    %scan3A = arith.constant 0 : i32
    %scan3A_35 = arith.constant 0 : i32
    %scan3A_36 = arith.constant 31 : i32
    %scan3A_37 = arith.addi %scan3A_35, %scan3A_36 : i32
    %scan3A_38 = arith.constant 1 : i32
    scf.for %scan3A_52 = %scan3A_35 to %scan3A_37 step %scan3A_38  : i32 {
      %sub3A_53 = arith.constant 30 : i32
      %sub3A_54 = arith.subi %sub3A_53, %scan3A_52 : i32
      %add3A_55 = arith.constant 0 : i32
      %add3A_56 = arith.addi %add3A_55, %sub3A_32 : i32
      %mul3A_57 = arith.constant 8 : i32
      %mul3A_58 = arith.muli %mul3A_57, %add3A_56 : i32
      %add3A_59 = arith.constant 7 : i32
      %add3A_60 = arith.addi %mul3A_58, %add3A_59 : i32
      %mul3A_61 = arith.constant 128 : i32
      %mul3A_62 = arith.muli %mul3A_61, %sub3A_54 : i32
      %add3A_63 = arith.constant 0 : i32
      %add3A_64 = arith.addi %mul3A_62, %add3A_63 : i32
      %add3A_65 = arith.addi %add3A_60, %add3A_64 : i32
      %get3A = arith.index_cast %add3A_65 : i32 to index
      %get3A_66 = tpu.vector_load %arg4[%get3A] {strides = array<i32>} : memref<4224xf32, #tpu.memory_space<vmem>>, vector<16xf32>,
      %get3A_67 = vector.shape_cast %get3A_66 : vector<16xf32> to vector<16xf32>
      %swap3A = arith.constant 0 : i32
      %swap3A_68 = arith.constant 0 : i32
      %swap3A_69 = arith.index_cast %swap3A : i32 to index
      %swap3A_70 = arith.index_cast %swap3A_68 : i32 to index
      %swap3A_71 = arith.index_cast %add3A_64 : i32 to index
      %swap3A_72 = tpu.vector_load %arg5[%swap3A_69, %swap3A_70, %swap3A_71] {strides = array<i32>} : memref<2x8x4096xf32, #tpu.memory_space<vmem>>, vector<1x1x16xf32>,
      %swap3A_73 = vector.shape_cast %swap3A_72 : vector<1x1x16xf32> to vector<16xf32>
      %swap3A_74 = vector.shape_cast %get3A_67 : vector<16xf32> to vector<1x1x16xf32>
      tpu.vector_store %arg5[%swap3A_69, %swap3A_70, %swap3A_71], %swap3A_74 {strides = array<i32>} : memref<2x8x4096xf32, #tpu.memory_space<vmem>>, vector<1x1x16xf32>,
      %mul3A_75 = arith.constant 128 : i32
      %mul3A_76 = arith.muli %mul3A_75, %sub3A_54 : i32
      %add3A_77 = arith.constant 16 : i32
      %add3A_78 = arith.addi %mul3A_76, %add3A_77 : i32
      %add3A_79 = arith.addi %add3A_60, %add3A_78 : i32
      %get3A_80 = arith.index_cast %add3A_79 : i32 to index
      %get3A_81 = tpu.vector_load %arg4[%get3A_80] {strides = array<i32>} : memref<4224xf32, #tpu.memory_space<vmem>>, vector<16xf32>,
      %get3A_82 = vector.shape_cast %get3A_81 : vector<16xf32> to vector<16xf32>
      %swap3A_83 = arith.constant 0 : i32
      %swap3A_84 = arith.constant 0 : i32
      %swap3A_85 = arith.index_cast %swap3A_83 : i32 to index
      %swap3A_86 = arith.index_cast %swap3A_84 : i32 to index
      %swap3A_87 = arith.index_cast %add3A_78 : i32 to index
      %swap3A_88 = tpu.vector_load %arg5[%swap3A_85, %swap3A_86, %swap3A_87] {strides = array<i32>} : memref<2x8x4096xf32, #tpu.memory_space<vmem>>, vector<1x1x16xf32>,
      %swap3A_89 = vector.shape_cast %swap3A_88 : vector<1x1x16xf32> to vector<16xf32>
      %swap3A_90 = vector.shape_cast %get3A_82 : vector<16xf32> to vector<1x1x16xf32>
      tpu.vector_store %arg5[%swap3A_85, %swap3A_86, %swap3A_87], %swap3A_90 {strides = array<i32>} : memref<2x8x4096xf32, #tpu.memory_space<vmem>>, vector<1x1x16xf32>,
      %mul3A_91 = arith.constant 128 : i32
      %mul3A_92 = arith.muli %mul3A_91, %sub3A_54 : i32
      %add3A_93 = arith.constant 32 : i32
      %add3A_94 = arith.addi %mul3A_92, %add3A_93 : i32
      %add3A_95 = arith.addi %add3A_60, %add3A_94 : i32
      %get3A_96 = arith.index_cast %add3A_95 : i32 to index
      %get3A_97 = tpu.vector_load %arg4[%get3A_96] {strides = array<i32>} : memref<4224xf32, #tpu.memory_space<vmem>>, vector<16xf32>,
      %get3A_98 = vector.shape_cast %get3A_97 : vector<16xf32> to vector<16xf32>
      %swap3A_99 = arith.constant 0 : i32
      %swap3A_100 = arith.constant 0 : i32
      %swap3A_101 = arith.index_cast %swap3A_99 : i32 to index
      %swap3A_102 = arith.index_cast %swap3A_100 : i32 to index
      %swap3A_103 = arith.index_cast %add3A_94 : i32 to index
      %swap3A_104 = tpu.vector_load %arg5[%swap3A_101, %swap3A_102, %swap3A_103] {strides = array<i32>} : memref<2x8x4096xf32, #tpu.memory_space<vmem>>, vector<1x1x16xf32>,
      %swap3A_105 = vector.shape_cast %swap3A_104 : vector<1x1x16xf32> to vector<16xf32>
      %swap3A_106 = vector.shape_cast %get3A_98 : vector<16xf32> to vector<1x1x16xf32>
      tpu.vector_store %arg5[%swap3A_101, %swap3A_102, %swap3A_103], %swap3A_106 {strides = array<i32>} : memref<2x8x4096xf32, #tpu.memory_space<vmem>>, vector<1x1x16xf32>,
      %mul3A_107 = arith.constant 128 : i32
      %mul3A_108 = arith.muli %mul3A_107, %sub3A_54 : i32
      %add3A_109 = arith.constant 48 : i32
      %add3A_110 = arith.addi %mul3A_108, %add3A_109 : i32
      %add3A_111 = arith.addi %add3A_60, %add3A_110 : i32
      %get3A_112 = arith.index_cast %add3A_111 : i32 to index
      %get3A_113 = tpu.vector_load %arg4[%get3A_112] {strides = array<i32>} : memref<4224xf32, #tpu.memory_space<vmem>>, vector<16xf32>,
      %get3A_114 = vector.shape_cast %get3A_113 : vector<16xf32> to vector<16xf32>
      %swap3A_115 = arith.constant 0 : i32
      %swap3A_116 = arith.constant 0 : i32
      %swap3A_117 = arith.index_cast %swap3A_115 : i32 to index
      %swap3A_118 = arith.index_cast %swap3A_116 : i32 to index
      %swap3A_119 = arith.index_cast %add3A_110 : i32 to index
      %swap3A_120 = tpu.vector_load %arg5[%swap3A_117, %swap3A_118, %swap3A_119] {strides = array<i32>} : memref<2x8x4096xf32, #tpu.memory_space<vmem>>, vector<1x1x16xf32>,
      %swap3A_121 = vector.shape_cast %swap3A_120 : vector<1x1x16xf32> to vector<16xf32>
      %swap3A_122 = vector.shape_cast %get3A_114 : vector<16xf32> to vector<1x1x16xf32>
      tpu.vector_store %arg5[%swap3A_117, %swap3A_118, %swap3A_119], %swap3A_122 {strides = array<i32>} : memref<2x8x4096xf32, #tpu.memory_space<vmem>>, vector<1x1x16xf32>,
      %mul3A_123 = arith.constant 128 : i32
      %mul3A_124 = arith.muli %mul3A_123, %sub3A_54 : i32
      %add3A_125 = arith.constant 64 : i32
      %add3A_126 = arith.addi %mul3A_124, %add3A_125 : i32
      %add3A_127 = arith.addi %add3A_60, %add3A_126 : i32
      %get3A_128 = arith.index_cast %add3A_127 : i32 to index
      %get3A_129 = tpu.vector_load %arg4[%get3A_128] {strides = array<i32>} : memref<4224xf32, #tpu.memory_space<vmem>>, vector<16xf32>,
      %get3A_130 = vector.shape_cast %get3A_129 : vector<16xf32> to vector<16xf32>
      %swap3A_131 = arith.constant 0 : i32
      %swap3A_132 = arith.constant 0 : i32
      %swap3A_133 = arith.index_cast %swap3A_131 : i32 to index
      %swap3A_134 = arith.index_cast %swap3A_132 : i32 to index
      %swap3A_135 = arith.index_cast %add3A_126 : i32 to index
      %swap3A_136 = tpu.vector_load %arg5[%swap3A_133, %swap3A_134, %swap3A_135] {strides = array<i32>} : memref<2x8x4096xf32, #tpu.memory_space<vmem>>, vector<1x1x16xf32>,
      %swap3A_137 = vector.shape_cast %swap3A_136 : vector<1x1x16xf32> to vector<16xf32>
      %swap3A_138 = vector.shape_cast %get3A_130 : vector<16xf32> to vector<1x1x16xf32>
      tpu.vector_store %arg5[%swap3A_133, %swap3A_134, %swap3A_135], %swap3A_138 {strides = array<i32>} : memref<2x8x4096xf32, #tpu.memory_space<vmem>>, vector<1x1x16xf32>,
      %mul3A_139 = arith.constant 128 : i32
      %mul3A_140 = arith.muli %mul3A_139, %sub3A_54 : i32
      %add3A_141 = arith.constant 80 : i32
      %add3A_142 = arith.addi %mul3A_140, %add3A_141 : i32
      %add3A_143 = arith.addi %add3A_60, %add3A_142 : i32
      %get3A_144 = arith.index_cast %add3A_143 : i32 to index
      %get3A_145 = tpu.vector_load %arg4[%get3A_144] {strides = array<i32>} : memref<4224xf32, #tpu.memory_space<vmem>>, vector<16xf32>,
      %get3A_146 = vector.shape_cast %get3A_145 : vector<16xf32> to vector<16xf32>
      %swap3A_147 = arith.constant 0 : i32
      %swap3A_148 = arith.constant 0 : i32
      %swap3A_149 = arith.index_cast %swap3A_147 : i32 to index
      %swap3A_150 = arith.index_cast %swap3A_148 : i32 to index
      %swap3A_151 = arith.index_cast %add3A_142 : i32 to index
      %swap3A_152 = tpu.vector_load %arg5[%swap3A_149, %swap3A_150, %swap3A_151] {strides = array<i32>} : memref<2x8x4096xf32, #tpu.memory_space<vmem>>, vector<1x1x16xf32>,
      %swap3A_153 = vector.shape_cast %swap3A_152 : vector<1x1x16xf32> to vector<16xf32>
      %swap3A_154 = vector.shape_cast %get3A_146 : vector<16xf32> to vector<1x1x16xf32>
      tpu.vector_store %arg5[%swap3A_149, %swap3A_150, %swap3A_151], %swap3A_154 {strides = array<i32>} : memref<2x8x4096xf32, #tpu.memory_space<vmem>>, vector<1x1x16xf32>,
      %mul3A_155 = arith.constant 128 : i32
      %mul3A_156 = arith.muli %mul3A_155, %sub3A_54 : i32
      %add3A_157 = arith.constant 96 : i32
      %add3A_158 = arith.addi %mul3A_156, %add3A_157 : i32
      %add3A_159 = arith.addi %add3A_60, %add3A_158 : i32
      %get3A_160 = arith.index_cast %add3A_159 : i32 to index
      %get3A_161 = tpu.vector_load %arg4[%get3A_160] {strides = array<i32>} : memref<4224xf32, #tpu.memory_space<vmem>>, vector<16xf32>,
      %get3A_162 = vector.shape_cast %get3A_161 : vector<16xf32> to vector<16xf32>
      %swap3A_163 = arith.constant 0 : i32
      %swap3A_164 = arith.constant 0 : i32
      %swap3A_165 = arith.index_cast %swap3A_163 : i32 to index
      %swap3A_166 = arith.index_cast %swap3A_164 : i32 to index
      %swap3A_167 = arith.index_cast %add3A_158 : i32 to index
      %swap3A_168 = tpu.vector_load %arg5[%swap3A_165, %swap3A_166, %swap3A_167] {strides = array<i32>} : memref<2x8x4096xf32, #tpu.memory_space<vmem>>, vector<1x1x16xf32>,
      %swap3A_169 = vector.shape_cast %swap3A_168 : vector<1x1x16xf32> to vector<16xf32>
      %swap3A_170 = vector.shape_cast %get3A_162 : vector<16xf32> to vector<1x1x16xf32>
      tpu.vector_store %arg5[%swap3A_165, %swap3A_166, %swap3A_167], %swap3A_170 {strides = array<i32>} : memref<2x8x4096xf32, #tpu.memory_space<vmem>>, vector<1x1x16xf32>,
      %mul3A_171 = arith.constant 128 : i32
      %mul3A_172 = arith.muli %mul3A_171, %sub3A_54 : i32
      %add3A_173 = arith.constant 112 : i32
      %add3A_174 = arith.addi %mul3A_172, %add3A_173 : i32
      %add3A_175 = arith.addi %add3A_60, %add3A_174 : i32
      %get3A_176 = arith.index_cast %add3A_175 : i32 to index
      %get3A_177 = tpu.vector_load %arg4[%get3A_176] {strides = array<i32>} : memref<4224xf32, #tpu.memory_space<vmem>>, vector<16xf32>,
      %get3A_178 = vector.shape_cast %get3A_177 : vector<16xf32> to vector<16xf32>
      %swap3A_179 = arith.constant 0 : i32
      %swap3A_180 = arith.constant 0 : i32
      %swap3A_181 = arith.index_cast %swap3A_179 : i32 to index
      %swap3A_182 = arith.index_cast %swap3A_180 : i32 to index
      %swap3A_183 = arith.index_cast %add3A_174 : i32 to index
      %swap3A_184 = tpu.vector_load %arg5[%swap3A_181, %swap3A_182, %swap3A_183] {strides = array<i32>} : memref<2x8x4096xf32, #tpu.memory_space<vmem>>, vector<1x1x16xf32>,
      %swap3A_185 = vector.shape_cast %swap3A_184 : vector<1x1x16xf32> to vector<16xf32>
      %swap3A_186 = vector.shape_cast %get3A_178 : vector<16xf32> to vector<1x1x16xf32>
      tpu.vector_store %arg5[%swap3A_181, %swap3A_182, %swap3A_183], %swap3A_186 {strides = array<i32>} : memref<2x8x4096xf32, #tpu.memory_space<vmem>>, vector<1x1x16xf32>,
      %mul3A_187 = arith.constant 8 : i32
      %mul3A_188 = arith.muli %mul3A_187, %add3A_56 : i32
      %add3A_189 = arith.constant 6 : i32
      %add3A_190 = arith.addi %mul3A_188, %add3A_189 : i32
      %mul3A_191 = arith.constant 128 : i32
      %mul3A_192 = arith.muli %mul3A_191, %sub3A_54 : i32
      %add3A_193 = arith.constant 0 : i32
      %add3A_194 = arith.addi %mul3A_192, %add3A_193 : i32
      %add3A_195 = arith.addi %add3A_190, %add3A_194 : i32
      %get3A_196 = arith.index_cast %add3A_195 : i32 to index
      %get3A_197 = tpu.vector_load %arg4[%get3A_196] {strides = array<i32>} : memref<4224xf32, #tpu.memory_space<vmem>>, vector<16xf32>,
      %get3A_198 = vector.shape_cast %get3A_197 : vector<16xf32> to vector<16xf32>
      %swap3A_199 = arith.constant 0 : i32
      %swap3A_200 = arith.constant 1 : i32
      %swap3A_201 = arith.index_cast %swap3A_199 : i32 to index
      %swap3A_202 = arith.index_cast %swap3A_200 : i32 to index
      %swap3A_203 = arith.index_cast %add3A_194 : i32 to index
      %swap3A_204 = tpu.vector_load %arg5[%swap3A_201, %swap3A_202, %swap3A_203] {strides = array<i32>} : memref<2x8x4096xf32, #tpu.memory_space<vmem>>, vector<1x1x16xf32>,
      %swap3A_205 = vector.shape_cast %swap3A_204 : vector<1x1x16xf32> to vector<16xf32>
      %swap3A_206 = vector.shape_cast %get3A_198 : vector<16xf32> to vector<1x1x16xf32>
      tpu.vector_store %arg5[%swap3A_201, %swap3A_202, %swap3A_203], %swap3A_206 {strides = array<i32>} : memref<2x8x4096xf32, #tpu.memory_space<vmem>>, vector<1x1x16xf32>,
      %mul3A_207 = arith.constant 128 : i32
      %mul3A_208 = arith.muli %mul3A_207, %sub3A_54 : i32
      %add3A_209 = arith.constant 16 : i32
      %add3A_210 = arith.addi %mul3A_208, %add3A_209 : i32
      %add3A_211 = arith.addi %add3A_190, %add3A_210 : i32
      %get3A_212 = arith.index_cast %add3A_211 : i32 to index
      %get3A_213 = tpu.vector_load %arg4[%get3A_212] {strides = array<i32>} : memref<4224xf32, #tpu.memory_space<vmem>>, vector<16xf32>,
      %get3A_214 = vector.shape_cast %get3A_213 : vector<16xf32> to vector<16xf32>
      %swap3A_215 = arith.constant 0 : i32
      %swap3A_216 = arith.constant 1 : i32
      %swap3A_217 = arith.index_cast %swap3A_215 : i32 to index
      %swap3A_218 = arith.index_cast %swap3A_216 : i32 to index
      %swap3A_219 = arith.index_cast %add3A_210 : i32 to index
      %swap3A_220 = tpu.vector_load %arg5[%swap3A_217, %swap3A_218, %swap3A_219] {strides = array<i32>} : memref<2x8x4096xf32, #tpu.memory_space<vmem>>, vector<1x1x16xf32>,
      %swap3A_221 = vector.shape_cast %swap3A_220 : vector<1x1x16xf32> to vector<16xf32>
      %swap3A_222 = vector.shape_cast %get3A_214 : vector<16xf32> to vector<1x1x16xf32>
      tpu.vector_store %arg5[%swap3A_217, %swap3A_218, %swap3A_219], %swap3A_222 {strides = array<i32>} : memref<2x8x4096xf32, #tpu.memory_space<vmem>>, vector<1x1x16xf32>,
      %mul3A_223 = arith.constant 128 : i32
      %mul3A_224 = arith.muli %mul3A_223, %sub3A_54 : i32
      %add3A_225 = arith.constant 32 : i32
      %add3A_226 = arith.addi %mul3A_224, %add3A_225 : i32
      %add3A_227 = arith.addi %add3A_190, %add3A_226 : i32
      %get3A_228 = arith.index_cast %add3A_227 : i32 to index
      %get3A_229 = tpu.vector_load %arg4[%get3A_228] {strides = array<i32>} : memref<4224xf32, #tpu.memory_space<vmem>>, vector<16xf32>,
      %get3A_230 = vector.shape_cast %get3A_229 : vector<16xf32> to vector<16xf32>
      %swap3A_231 = arith.constant 0 : i32
      %swap3A_232 = arith.constant 1 : i32
      %swap3A_233 = arith.index_cast %swap3A_231 : i32 to index
      %swap3A_234 = arith.index_cast %swap3A_232 : i32 to index
      %swap3A_235 = arith.index_cast %add3A_226 : i32 to index
      %swap3A_236 = tpu.vector_load %arg5[%swap3A_233, %swap3A_234, %swap3A_235] {strides = array<i32>} : memref<2x8x4096xf32, #tpu.memory_space<vmem>>, vector<1x1x16xf32>,
      %swap3A_237 = vector.shape_cast %swap3A_236 : vector<1x1x16xf32> to vector<16xf32>
      %swap3A_238 = vector.shape_cast %get3A_230 : vector<16xf32> to vector<1x1x16xf32>
      tpu.vector_store %arg5[%swap3A_233, %swap3A_234, %swap3A_235], %swap3A_238 {strides = array<i32>} : memref<2x8x4096xf32, #tpu.memory_space<vmem>>, vector<1x1x16xf32>,
      %mul3A_239 = arith.constant 128 : i32
      %mul3A_240 = arith.muli %mul3A_239, %sub3A_54 : i32
      %add3A_241 = arith.constant 48 : i32
      %add3A_242 = arith.addi %mul3A_240, %add3A_241 : i32
      %add3A_243 = arith.addi %add3A_190, %add3A_242 : i32
      %get3A_244 = arith.index_cast %add3A_243 : i32 to index
      %get3A_245 = tpu.vector_load %arg4[%get3A_244] {strides = array<i32>} : memref<4224xf32, #tpu.memory_space<vmem>>, vector<16xf32>,
      %get3A_246 = vector.shape_cast %get3A_245 : vector<16xf32> to vector<16xf32>
      %swap3A_247 = arith.constant 0 : i32
      %swap3A_248 = arith.constant 1 : i32
      %swap3A_249 = arith.index_cast %swap3A_247 : i32 to index
      %swap3A_250 = arith.index_cast %swap3A_248 : i32 to index
      %swap3A_251 = arith.index_cast %add3A_242 : i32 to index
      %swap3A_252 = tpu.vector_load %arg5[%swap3A_249, %swap3A_250, %swap3A_251] {strides = array<i32>} : memref<2x8x4096xf32, #tpu.memory_space<vmem>>, vector<1x1x16xf32>,
      %swap3A_253 = vector.shape_cast %swap3A_252 : vector<1x1x16xf32> to vector<16xf32>
      %swap3A_254 = vector.shape_cast %get3A_246 : vector<16xf32> to vector<1x1x16xf32>
      tpu.vector_store %arg5[%swap3A_249, %swap3A_250, %swap3A_251], %swap3A_254 {strides = array<i32>} : memref<2x8x4096xf32, #tpu.memory_space<vmem>>, vector<1x1x16xf32>,
      %mul3A_255 = arith.constant 128 : i32
      %mul3A_256 = arith.muli %mul3A_255, %sub3A_54 : i32
      %add3A_257 = arith.constant 64 : i32
      %add3A_258 = arith.addi %mul3A_256, %add3A_257 : i32
      %add3A_259 = arith.addi %add3A_190, %add3A_258 : i32
      %get3A_260 = arith.index_cast %add3A_259 : i32 to index
      %get3A_261 = tpu.vector_load %arg4[%get3A_260] {strides = array<i32>} : memref<4224xf32, #tpu.memory_space<vmem>>, vector<16xf32>,
      %get3A_262 = vector.shape_cast %get3A_261 : vector<16xf32> to vector<16xf32>
      %swap3A_263 = arith.constant 0 : i32
      %swap3A_264 = arith.constant 1 : i32
      %swap3A_265 = arith.index_cast %swap3A_263 : i32 to index
      %swap3A_266 = arith.index_cast %swap3A_264 : i32 to index
      %swap3A_267 = arith.index_cast %add3A_258 : i32 to index
      %swap3A_268 = tpu.vector_load %arg5[%swap3A_265, %swap3A_266, %swap3A_267] {strides = array<i32>} : memref<2x8x4096xf32, #tpu.memory_space<vmem>>, vector<1x1x16xf32>,
      %swap3A_269 = vector.shape_cast %swap3A_268 : vector<1x1x16xf32> to vector<16xf32>
      %swap3A_270 = vector.shape_cast %get3A_262 : vector<16xf32> to vector<1x1x16xf32>
      tpu.vector_store %arg5[%swap3A_265, %swap3A_266, %swap3A_267], %swap3A_270 {strides = array<i32>} : memref<2x8x4096xf32, #tpu.memory_space<vmem>>, vector<1x1x16xf32>,
      %mul3A_271 = arith.constant 128 : i32
      %mul3A_272 = arith.muli %mul3A_271, %sub3A_54 : i32
      %add3A_273 = arith.constant 80 : i32
      %add3A_274 = arith.addi %mul3A_272, %add3A_273 : i32
      %add3A_275 = arith.addi %add3A_190, %add3A_274 : i32
      %get3A_276 = arith.index_cast %add3A_275 : i32 to index
      %get3A_277 = tpu.vector_load %arg4[%get3A_276] {strides = array<i32>} : memref<4224xf32, #tpu.memory_space<vmem>>, vector<16xf32>,
      %get3A_278 = vector.shape_cast %get3A_277 : vector<16xf32> to vector<16xf32>
      %swap3A_279 = arith.constant 0 : i32
      %swap3A_280 = arith.constant 1 : i32
      %swap3A_281 = arith.index_cast %swap3A_279 : i32 to index
      %swap3A_282 = arith.index_cast %swap3A_280 : i32 to index
      %swap3A_283 = arith.index_cast %add3A_274 : i32 to index
      %swap3A_284 = tpu.vector_load %arg5[%swap3A_281, %swap3A_282, %swap3A_283] {strides = array<i32>} : memref<2x8x4096xf32, #tpu.memory_space<vmem>>, vector<1x1x16xf32>,
      %swap3A_285 = vector.shape_cast %swap3A_284 : vector<1x1x16xf32> to vector<16xf32>
      %swap3A_286 = vector.shape_cast %get3A_278 : vector<16xf32> to vector<1x1x16xf32>
      tpu.vector_store %arg5[%swap3A_281, %swap3A_282, %swap3A_283], %swap3A_286 {strides = array<i32>} : memref<2x8x4096xf32, #tpu.memory_space<vmem>>, vector<1x1x16xf32>,
      %mul3A_287 = arith.constant 128 : i32
      %mul3A_288 = arith.muli %mul3A_287, %sub3A_54 : i32
      %add3A_289 = arith.constant 96 : i32
      %add3A_290 = arith.addi %mul3A_288, %add3A_289 : i32
      %add3A_291 = arith.addi %add3A_190, %add3A_290 : i32
      %get3A_292 = arith.index_cast %add3A_291 : i32 to index
      %get3A_293 = tpu.vector_load %arg4[%get3A_292] {strides = array<i32>} : memref<4224xf32, #tpu.memory_space<vmem>>, vector<16xf32>,
      %get3A_294 = vector.shape_cast %get3A_293 : vector<16xf32> to vector<16xf32>
      %swap3A_295 = arith.constant 0 : i32
      %swap3A_296 = arith.constant 1 : i32
      %swap3A_297 = arith.index_cast %swap3A_295 : i32 to index
      %swap3A_298 = arith.index_cast %swap3A_296 : i32 to index
      %swap3A_299 = arith.index_cast %add3A_290 : i32 to index
      %swap3A_300 = tpu.vector_load %arg5[%swap3A_297, %swap3A_298, %swap3A_299] {strides = array<i32>} : memref<2x8x4096xf32, #tpu.memory_space<vmem>>, vector<1x1x16xf32>,
      %swap3A_301 = vector.shape_cast %swap3A_300 : vector<1x1x16xf32> to vector<16xf32>
      %swap3A_302 = vector.shape_cast %get3A_294 : vector<16xf32> to vector<1x1x16xf32>
      tpu.vector_store %arg5[%swap3A_297, %swap3A_298, %swap3A_299], %swap3A_302 {strides = array<i32>} : memref<2x8x4096xf32, #tpu.memory_space<vmem>>, vector<1x1x16xf32>,
      %mul3A_303 = arith.constant 128 : i32
      %mul3A_304 = arith.muli %mul3A_303, %sub3A_54 : i32
      %add3A_305 = arith.constant 112 : i32
      %add3A_306 = arith.addi %mul3A_304, %add3A_305 : i32
      %add3A_307 = arith.addi %add3A_190, %add3A_306 : i32
      %get3A_308 = arith.index_cast %add3A_307 : i32 to index
      %get3A_309 = tpu.vector_load %arg4[%get3A_308] {strides = array<i32>} : memref<4224xf32, #tpu.memory_space<vmem>>, vector<16xf32>,
      %get3A_310 = vector.shape_cast %get3A_309 : vector<16xf32> to vector<16xf32>
      %swap3A_311 = arith.constant 0 : i32
      %swap3A_312 = arith.constant 1 : i32
      %swap3A_313 = arith.index_cast %swap3A_311 : i32 to index
      %swap3A_314 = arith.index_cast %swap3A_312 : i32 to index
      %swap3A_315 = arith.index_cast %add3A_306 : i32 to index
      %swap3A_316 = tpu.vector_load %arg5[%swap3A_313, %swap3A_314, %swap3A_315] {strides = array<i32>} : memref<2x8x4096xf32, #tpu.memory_space<vmem>>, vector<1x1x16xf32>,
      %swap3A_317 = vector.shape_cast %swap3A_316 : vector<1x1x16xf32> to vector<16xf32>
      %swap3A_318 = vector.shape_cast %get3A_310 : vector<16xf32> to vector<1x1x16xf32>
      tpu.vector_store %arg5[%swap3A_313, %swap3A_314, %swap3A_315], %swap3A_318 {strides = array<i32>} : memref<2x8x4096xf32, #tpu.memory_space<vmem>>, vector<1x1x16xf32>,
      %mul3A_319 = arith.constant 8 : i32
      %mul3A_320 = arith.muli %mul3A_319, %add3A_56 : i32
      %add3A_321 = arith.constant 5 : i32
      %add3A_322 = arith.addi %mul3A_320, %add3A_321 : i32
      %mul3A_323 = arith.constant 128 : i32
      %mul3A_324 = arith.muli %mul3A_323, %sub3A_54 : i32
      %add3A_325 = arith.constant 0 : i32
      %add3A_326 = arith.addi %mul3A_324, %add3A_325 : i32
      %add3A_327 = arith.addi %add3A_322, %add3A_326 : i32
      %get3A_328 = arith.index_cast %add3A_327 : i32 to index
      %get3A_329 = tpu.vector_load %arg4[%get3A_328] {strides = array<i32>} : memref<4224xf32, #tpu.memory_space<vmem>>, vector<16xf32>,
      %get3A_330 = vector.shape_cast %get3A_329 : vector<16xf32> to vector<16xf32>
      %swap3A_331 = arith.constant 0 : i32
      %swap3A_332 = arith.constant 2 : i32
      %swap3A_333 = arith.index_cast %swap3A_331 : i32 to index
      %swap3A_334 = arith.index_cast %swap3A_332 : i32 to index
      %swap3A_335 = arith.index_cast %add3A_326 : i32 to index
      %swap3A_336 = tpu.vector_load %arg5[%swap3A_333, %swap3A_334, %swap3A_335] {strides = array<i32>} : memref<2x8x4096xf32, #tpu.memory_space<vmem>>, vector<1x1x16xf32>,
      %swap3A_337 = vector.shape_cast %swap3A_336 : vector<1x1x16xf32> to vector<16xf32>
      %swap3A_338 = vector.shape_cast %get3A_330 : vector<16xf32> to vector<1x1x16xf32>
      tpu.vector_store %arg5[%swap3A_333, %swap3A_334, %swap3A_335], %swap3A_338 {strides = array<i32>} : memref<2x8x4096xf32, #tpu.memory_space<vmem>>, vector<1x1x16xf32>,
      %mul3A_339 = arith.constant 128 : i32
      %mul3A_340 = arith.muli %mul3A_339, %sub3A_54 : i32
      %add3A_341 = arith.constant 16 : i32
      %add3A_342 = arith.addi %mul3A_340, %add3A_341 : i32
      %add3A_343 = arith.addi %add3A_322, %add3A_342 : i32
      %get3A_344 = arith.index_cast %add3A_343 : i32 to index
      %get3A_345 = tpu.vector_load %arg4[%get3A_344] {strides = array<i32>} : memref<4224xf32, #tpu.memory_space<vmem>>, vector<16xf32>,
      %get3A_346 = vector.shape_cast %get3A_345 : vector<16xf32> to vector<16xf32>
      %swap3A_347 = arith.constant 0 : i32
      %swap3A_348 = arith.constant 2 : i32
      %swap3A_349 = arith.index_cast %swap3A_347 : i32 to index
      %swap3A_350 = arith.index_cast %swap3A_348 : i32 to index
      %swap3A_351 = arith.index_cast %add3A_342 : i32 to index
      %swap3A_352 = tpu.vector_load %arg5[%swap3A_349, %swap3A_350, %swap3A_351] {strides = array<i32>} : memref<2x8x4096xf32, #tpu.memory_space<vmem>>, vector<1x1x16xf32>,
      %swap3A_353 = vector.shape_cast %swap3A_352 : vector<1x1x16xf32> to vector<16xf32>
      %swap3A_354 = vector.shape_cast %get3A_346 : vector<16xf32> to vector<1x1x16xf32>
      tpu.vector_store %arg5[%swap3A_349, %swap3A_350, %swap3A_351], %swap3A_354 {strides = array<i32>} : memref<2x8x4096xf32, #tpu.memory_space<vmem>>, vector<1x1x16xf32>,
      %mul3A_355 = arith.constant 128 : i32
      %mul3A_356 = arith.muli %mul3A_355, %sub3A_54 : i32
      %add3A_357 = arith.constant 32 : i32
      %add3A_358 = arith.addi %mul3A_356, %add3A_357 : i32
      %add3A_359 = arith.addi %add3A_322, %add3A_358 : i32
      %get3A_360 = arith.index_cast %add3A_359 : i32 to index
      %get3A_361 = tpu.vector_load %arg4[%get3A_360] {strides = array<i32>} : memref<4224xf32, #tpu.memory_space<vmem>>, vector<16xf32>,
      %get3A_362 = vector.shape_cast %get3A_361 : vector<16xf32> to vector<16xf32>
      %swap3A_363 = arith.constant 0 : i32
      %swap3A_364 = arith.constant 2 : i32
      %swap3A_365 = arith.index_cast %swap3A_363 : i32 to index
      %swap3A_366 = arith.index_cast %swap3A_364 : i32 to index
      %swap3A_367 = arith.index_cast %add3A_358 : i32 to index
      %swap3A_368 = tpu.vector_load %arg5[%swap3A_365, %swap3A_366, %swap3A_367] {strides = array<i32>} : memref<2x8x4096xf32, #tpu.memory_space<vmem>>, vector<1x1x16xf32>,
      %swap3A_369 = vector.shape_cast %swap3A_368 : vector<1x1x16xf32> to vector<16xf32>
      %swap3A_370 = vector.shape_cast %get3A_362 : vector<16xf32> to vector<1x1x16xf32>
      tpu.vector_store %arg5[%swap3A_365, %swap3A_366, %swap3A_367], %swap3A_370 {strides = array<i32>} : memref<2x8x4096xf32, #tpu.memory_space<vmem>>, vector<1x1x16xf32>,
      %mul3A_371 = arith.constant 128 : i32
      %mul3A_372 = arith.muli %mul3A_371, %sub3A_54 : i32
      %add3A_373 = arith.constant 48 : i32
      %add3A_374 = arith.addi %mul3A_372, %add3A_373 : i32
      %add3A_375 = arith.addi %add3A_322, %add3A_374 : i32
      %get3A_376 = arith.index_cast %add3A_375 : i32 to index
      %get3A_377 = tpu.vector_load %arg4[%get3A_376] {strides = array<i32>} : memref<4224xf32, #tpu.memory_space<vmem>>, vector<16xf32>,
      %get3A_378 = vector.shape_cast %get3A_377 : vector<16xf32> to vector<16xf32>
      %swap3A_379 = arith.constant 0 : i32
      %swap3A_380 = arith.constant 2 : i32
      %swap3A_381 = arith.index_cast %swap3A_379 : i32 to index
      %swap3A_382 = arith.index_cast %swap3A_380 : i32 to index
      %swap3A_383 = arith.index_cast %add3A_374 : i32 to index
      %swap3A_384 = tpu.vector_load %arg5[%swap3A_381, %swap3A_382, %swap3A_383] {strides = array<i32>} : memref<2x8x4096xf32, #tpu.memory_space<vmem>>, vector<1x1x16xf32>,
      %swap3A_385 = vector.shape_cast %swap3A_384 : vector<1x1x16xf32> to vector<16xf32>
      %swap3A_386 = vector.shape_cast %get3A_378 : vector<16xf32> to vector<1x1x16xf32>
      tpu.vector_store %arg5[%swap3A_381, %swap3A_382, %swap3A_383], %swap3A_386 {strides = array<i32>} : memref<2x8x4096xf32, #tpu.memory_space<vmem>>, vector<1x1x16xf32>,
      %mul3A_387 = arith.constant 128 : i32
      %mul3A_388 = arith.muli %mul3A_387, %sub3A_54 : i32
      %add3A_389 = arith.constant 64 : i32
      %add3A_390 = arith.addi %mul3A_388, %add3A_389 : i32
      %add3A_391 = arith.addi %add3A_322, %add3A_390 : i32
      %get3A_392 = arith.index_cast %add3A_391 : i32 to index
      %get3A_393 = tpu.vector_load %arg4[%get3A_392] {strides = array<i32>} : memref<4224xf32, #tpu.memory_space<vmem>>, vector<16xf32>,
      %get3A_394 = vector.shape_cast %get3A_393 : vector<16xf32> to vector<16xf32>
      %swap3A_395 = arith.constant 0 : i32
      %swap3A_396 = arith.constant 2 : i32
      %swap3A_397 = arith.index_cast %swap3A_395 : i32 to index
      %swap3A_398 = arith.index_cast %swap3A_396 : i32 to index
      %swap3A_399 = arith.index_cast %add3A_390 : i32 to index
      %swap3A_400 = tpu.vector_load %arg5[%swap3A_397, %swap3A_398, %swap3A_399] {strides = array<i32>} : memref<2x8x4096xf32, #tpu.memory_space<vmem>>, vector<1x1x16xf32>,
      %swap3A_401 = vector.shape_cast %swap3A_400 : vector<1x1x16xf32> to vector<16xf32>
      %swap3A_402 = vector.shape_cast %get3A_394 : vector<16xf32> to vector<1x1x16xf32>
      tpu.vector_store %arg5[%swap3A_397, %swap3A_398, %swap3A_399], %swap3A_402 {strides = array<i32>} : memref<2x8x4096xf32, #tpu.memory_space<vmem>>, vector<1x1x16xf32>,
      %mul3A_403 = arith.constant 128 : i32
      %mul3A_404 = arith.muli %mul3A_403, %sub3A_54 : i32
      %add3A_405 = arith.constant 80 : i32
      %add3A_406 = arith.addi %mul3A_404, %add3A_405 : i32
      %add3A_407 = arith.addi %add3A_322, %add3A_406 : i32
      %get3A_408 = arith.index_cast %add3A_407 : i32 to index
      %get3A_409 = tpu.vector_load %arg4[%get3A_408] {strides = array<i32>} : memref<4224xf32, #tpu.memory_space<vmem>>, vector<16xf32>,
      %get3A_410 = vector.shape_cast %get3A_409 : vector<16xf32> to vector<16xf32>
      %swap3A_411 = arith.constant 0 : i32
      %swap3A_412 = arith.constant 2 : i32
      %swap3A_413 = arith.index_cast %swap3A_411 : i32 to index
      %swap3A_414 = arith.index_cast %swap3A_412 : i32 to index
      %swap3A_415 = arith.index_cast %add3A_406 : i32 to index
      %swap3A_416 = tpu.vector_load %arg5[%swap3A_413, %swap3A_414, %swap3A_415] {strides = array<i32>} : memref<2x8x4096xf32, #tpu.memory_space<vmem>>, vector<1x1x16xf32>,
      %swap3A_417 = vector.shape_cast %swap3A_416 : vector<1x1x16xf32> to vector<16xf32>
      %swap3A_418 = vector.shape_cast %get3A_410 : vector<16xf32> to vector<1x1x16xf32>
      tpu.vector_store %arg5[%swap3A_413, %swap3A_414, %swap3A_415], %swap3A_418 {strides = array<i32>} : memref<2x8x4096xf32, #tpu.memory_space<vmem>>, vector<1x1x16xf32>,
      %mul3A_419 = arith.constant 128 : i32
      %mul3A_420 = arith.muli %mul3A_419, %sub3A_54 : i32
      %add3A_421 = arith.constant 96 : i32
      %add3A_422 = arith.addi %mul3A_420, %add3A_421 : i32
      %add3A_423 = arith.addi %add3A_322, %add3A_422 : i32
      %get3A_424 = arith.index_cast %add3A_423 : i32 to index
      %get3A_425 = tpu.vector_load %arg4[%get3A_424] {strides = array<i32>} : memref<4224xf32, #tpu.memory_space<vmem>>, vector<16xf32>,
      %get3A_426 = vector.shape_cast %get3A_425 : vector<16xf32> to vector<16xf32>
      %swap3A_427 = arith.constant 0 : i32
      %swap3A_428 = arith.constant 2 : i32
      %swap3A_429 = arith.index_cast %swap3A_427 : i32 to index
      %swap3A_430 = arith.index_cast %swap3A_428 : i32 to index
      %swap3A_431 = arith.index_cast %add3A_422 : i32 to index
      %swap3A_432 = tpu.vector_load %arg5[%swap3A_429, %swap3A_430, %swap3A_431] {strides = array<i32>} : memref<2x8x4096xf32, #tpu.memory_space<vmem>>, vector<1x1x16xf32>,
      %swap3A_433 = vector.shape_cast %swap3A_432 : vector<1x1x16xf32> to vector<16xf32>
      %swap3A_434 = vector.shape_cast %get3A_426 : vector<16xf32> to vector<1x1x16xf32>
      tpu.vector_store %arg5[%swap3A_429, %swap3A_430, %swap3A_431], %swap3A_434 {strides = array<i32>} : memref<2x8x4096xf32, #tpu.memory_space<vmem>>, vector<1x1x16xf32>,
      %mul3A_435 = arith.constant 128 : i32
      %mul3A_436 = arith.muli %mul3A_435, %sub3A_54 : i32
      %add3A_437 = arith.constant 112 : i32
      %add3A_438 = arith.addi %mul3A_436, %add3A_437 : i32
      %add3A_439 = arith.addi %add3A_322, %add3A_438 : i32
      %get3A_440 = arith.index_cast %add3A_439 : i32 to index
      %get3A_441 = tpu.vector_load %arg4[%get3A_440] {strides = array<i32>} : memref<4224xf32, #tpu.memory_space<vmem>>, vector<16xf32>,
      %get3A_442 = vector.shape_cast %get3A_441 : vector<16xf32> to vector<16xf32>
      %swap3A_443 = arith.constant 0 : i32
      %swap3A_444 = arith.constant 2 : i32
      %swap3A_445 = arith.index_cast %swap3A_443 : i32 to index
      %swap3A_446 = arith.index_cast %swap3A_444 : i32 to index
      %swap3A_447 = arith.index_cast %add3A_438 : i32 to index
      %swap3A_448 = tpu.vector_load %arg5[%swap3A_445, %swap3A_446, %swap3A_447] {strides = array<i32>} : memref<2x8x4096xf32, #tpu.memory_space<vmem>>, vector<1x1x16xf32>,
      %swap3A_449 = vector.shape_cast %swap3A_448 : vector<1x1x16xf32> to vector<16xf32>
      %swap3A_450 = vector.shape_cast %get3A_442 : vector<16xf32> to vector<1x1x16xf32>
      tpu.vector_store %arg5[%swap3A_445, %swap3A_446, %swap3A_447], %swap3A_450 {strides = array<i32>} : memref<2x8x4096xf32, #tpu.memory_space<vmem>>, vector<1x1x16xf32>,
      %mul3A_451 = arith.constant 8 : i32
      %mul3A_452 = arith.muli %mul3A_451, %add3A_56 : i32
      %add3A_453 = arith.constant 4 : i32
      %add3A_454 = arith.addi %mul3A_452, %add3A_453 : i32
      %mul3A_455 = arith.constant 128 : i32
      %mul3A_456 = arith.muli %mul3A_455, %sub3A_54 : i32
      %add3A_457 = arith.constant 0 : i32
      %add3A_458 = arith.addi %mul3A_456, %add3A_457 : i32
      %add3A_459 = arith.addi %add3A_454, %add3A_458 : i32
      %get3A_460 = arith.index_cast %add3A_459 : i32 to index
      %get3A_461 = tpu.vector_load %arg4[%get3A_460] {strides = array<i32>} : memref<4224xf32, #tpu.memory_space<vmem>>, vector<16xf32>,
      %get3A_462 = vector.shape_cast %get3A_461 : vector<16xf32> to vector<16xf32>
      %swap3A_463 = arith.constant 0 : i32
      %swap3A_464 = arith.constant 3 : i32
      %swap3A_465 = arith.index_cast %swap3A_463 : i32 to index
      %swap3A_466 = arith.index_cast %swap3A_464 : i32 to index
      %swap3A_467 = arith.index_cast %add3A_458 : i32 to index
      %swap3A_468 = tpu.vector_load %arg5[%swap3A_465, %swap3A_466, %swap3A_467] {strides = array<i32>} : memref<2x8x4096xf32, #tpu.memory_space<vmem>>, vector<1x1x16xf32>,
      %swap3A_469 = vector.shape_cast %swap3A_468 : vector<1x1x16xf32> to vector<16xf32>
      %swap3A_470 = vector.shape_cast %get3A_462 : vector<16xf32> to vector<1x1x16xf32>
      tpu.vector_store %arg5[%swap3A_465, %swap3A_466, %swap3A_467], %swap3A_470 {strides = array<i32>} : memref<2x8x4096xf32, #tpu.memory_space<vmem>>, vector<1x1x16xf32>,
      %mul3A_471 = arith.constant 128 : i32
      %mul3A_472 = arith.muli %mul3A_471, %sub3A_54 : i32
      %add3A_473 = arith.constant 16 : i32
      %add3A_474 = arith.addi %mul3A_472, %add3A_473 : i32
      %add3A_475 = arith.addi %add3A_454, %add3A_474 : i32
      %get3A_476 = arith.index_cast %add3A_475 : i32 to index
      %get3A_477 = tpu.vector_load %arg4[%get3A_476] {strides = array<i32>} : memref<4224xf32, #tpu.memory_space<vmem>>, vector<16xf32>,
      %get3A_478 = vector.shape_cast %get3A_477 : vector<16xf32> to vector<16xf32>
      %swap3A_479 = arith.constant 0 : i32
      %swap3A_480 = arith.constant 3 : i32
      %swap3A_481 = arith.index_cast %swap3A_479 : i32 to index
      %swap3A_482 = arith.index_cast %swap3A_480 : i32 to index
      %swap3A_483 = arith.index_cast %add3A_474 : i32 to index
      %swap3A_484 = tpu.vector_load %arg5[%swap3A_481, %swap3A_482, %swap3A_483] {strides = array<i32>} : memref<2x8x4096xf32, #tpu.memory_space<vmem>>, vector<1x1x16xf32>,
      %swap3A_485 = vector.shape_cast %swap3A_484 : vector<1x1x16xf32> to vector<16xf32>
      %swap3A_486 = vector.shape_cast %get3A_478 : vector<16xf32> to vector<1x1x16xf32>
      tpu.vector_store %arg5[%swap3A_481, %swap3A_482, %swap3A_483], %swap3A_486 {strides = array<i32>} : memref<2x8x4096xf32, #tpu.memory_space<vmem>>, vector<1x1x16xf32>,
      %mul3A_487 = arith.constant 128 : i32
      %mul3A_488 = arith.muli %mul3A_487, %sub3A_54 : i32
      %add3A_489 = arith.constant 32 : i32
      %add3A_490 = arith.addi %mul3A_488, %add3A_489 : i32
      %add3A_491 = arith.addi %add3A_454, %add3A_490 : i32
      %get3A_492 = arith.index_cast %add3A_491 : i32 to index
      %get3A_493 = tpu.vector_load %arg4[%get3A_492] {strides = array<i32>} : memref<4224xf32, #tpu.memory_space<vmem>>, vector<16xf32>,
      %get3A_494 = vector.shape_cast %get3A_493 : vector<16xf32> to vector<16xf32>
      %swap3A_495 = arith.constant 0 : i32
      %swap3A_496 = arith.constant 3 : i32
      %swap3A_497 = arith.index_cast %swap3A_495 : i32 to index
      %swap3A_498 = arith.index_cast %swap3A_496 : i32 to index
      %swap3A_499 = arith.index_cast %add3A_490 : i32 to index
      %swap3A_500 = tpu.vector_load %arg5[%swap3A_497, %swap3A_498, %swap3A_499] {strides = array<i32>} : memref<2x8x4096xf32, #tpu.memory_space<vmem>>, vector<1x1x16xf32>,
      %swap3A_501 = vector.shape_cast %swap3A_500 : vector<1x1x16xf32> to vector<16xf32>
      %swap3A_502 = vector.shape_cast %get3A_494 : vector<16xf32> to vector<1x1x16xf32>
      tpu.vector_store %arg5[%swap3A_497, %swap3A_498, %swap3A_499], %swap3A_502 {strides = array<i32>} : memref<2x8x4096xf32, #tpu.memory_space<vmem>>, vector<1x1x16xf32>,
      %mul3A_503 = arith.constant 128 : i32
      %mul3A_504 = arith.muli %mul3A_503, %sub3A_54 : i32
      %add3A_505 = arith.constant 48 : i32
      %add3A_506 = arith.addi %mul3A_504, %add3A_505 : i32
      %add3A_507 = arith.addi %add3A_454, %add3A_506 : i32
      %get3A_508 = arith.index_cast %add3A_507 : i32 to index
      %get3A_509 = tpu.vector_load %arg4[%get3A_508] {strides = array<i32>} : memref<4224xf32, #tpu.memory_space<vmem>>, vector<16xf32>,
      %get3A_510 = vector.shape_cast %get3A_509 : vector<16xf32> to vector<16xf32>
      %swap3A_511 = arith.constant 0 : i32
      %swap3A_512 = arith.constant 3 : i32
      %swap3A_513 = arith.index_cast %swap3A_511 : i32 to index
      %swap3A_514 = arith.index_cast %swap3A_512 : i32 to index
      %swap3A_515 = arith.index_cast %add3A_506 : i32 to index
      %swap3A_516 = tpu.vector_load %arg5[%swap3A_513, %swap3A_514, %swap3A_515] {strides = array<i32>} : memref<2x8x4096xf32, #tpu.memory_space<vmem>>, vector<1x1x16xf32>,
      %swap3A_517 = vector.shape_cast %swap3A_516 : vector<1x1x16xf32> to vector<16xf32>
      %swap3A_518 = vector.shape_cast %get3A_510 : vector<16xf32> to vector<1x1x16xf32>
      tpu.vector_store %arg5[%swap3A_513, %swap3A_514, %swap3A_515], %swap3A_518 {strides = array<i32>} : memref<2x8x4096xf32, #tpu.memory_space<vmem>>, vector<1x1x16xf32>,
      %mul3A_519 = arith.constant 128 : i32
      %mul3A_520 = arith.muli %mul3A_519, %sub3A_54 : i32
      %add3A_521 = arith.constant 64 : i32
      %add3A_522 = arith.addi %mul3A_520, %add3A_521 : i32
      %add3A_523 = arith.addi %add3A_454, %add3A_522 : i32
      %get3A_524 = arith.index_cast %add3A_523 : i32 to index
      %get3A_525 = tpu.vector_load %arg4[%get3A_524] {strides = array<i32>} : memref<4224xf32, #tpu.memory_space<vmem>>, vector<16xf32>,
      %get3A_526 = vector.shape_cast %get3A_525 : vector<16xf32> to vector<16xf32>
      %swap3A_527 = arith.constant 0 : i32
      %swap3A_528 = arith.constant 3 : i32
      %swap3A_529 = arith.index_cast %swap3A_527 : i32 to index
      %swap3A_530 = arith.index_cast %swap3A_528 : i32 to index
      %swap3A_531 = arith.index_cast %add3A_522 : i32 to index
      %swap3A_532 = tpu.vector_load %arg5[%swap3A_529, %swap3A_530, %swap3A_531] {strides = array<i32>} : memref<2x8x4096xf32, #tpu.memory_space<vmem>>, vector<1x1x16xf32>,
      %swap3A_533 = vector.shape_cast %swap3A_532 : vector<1x1x16xf32> to vector<16xf32>
      %swap3A_534 = vector.shape_cast %get3A_526 : vector<16xf32> to vector<1x1x16xf32>
      tpu.vector_store %arg5[%swap3A_529, %swap3A_530, %swap3A_531], %swap3A_534 {strides = array<i32>} : memref<2x8x4096xf32, #tpu.memory_space<vmem>>, vector<1x1x16xf32>,
      %mul3A_535 = arith.constant 128 : i32
      %mul3A_536 = arith.muli %mul3A_535, %sub3A_54 : i32
      %add3A_537 = arith.constant 80 : i32
      %add3A_538 = arith.addi %mul3A_536, %add3A_537 : i32
      %add3A_539 = arith.addi %add3A_454, %add3A_538 : i32
      %get3A_540 = arith.index_cast %add3A_539 : i32 to index
      %get3A_541 = tpu.vector_load %arg4[%get3A_540] {strides = array<i32>} : memref<4224xf32, #tpu.memory_space<vmem>>, vector<16xf32>,
      %get3A_542 = vector.shape_cast %get3A_541 : vector<16xf32> to vector<16xf32>
      %swap3A_543 = arith.constant 0 : i32
      %swap3A_544 = arith.constant 3 : i32
      %swap3A_545 = arith.index_cast %swap3A_543 : i32 to index
      %swap3A_546 = arith.index_cast %swap3A_544 : i32 to index
      %swap3A_547 = arith.index_cast %add3A_538 : i32 to index
      %swap3A_548 = tpu.vector_load %arg5[%swap3A_545, %swap3A_546, %swap3A_547] {strides = array<i32>} : memref<2x8x4096xf32, #tpu.memory_space<vmem>>, vector<1x1x16xf32>,
      %swap3A_549 = vector.shape_cast %swap3A_548 : vector<1x1x16xf32> to vector<16xf32>
      %swap3A_550 = vector.shape_cast %get3A_542 : vector<16xf32> to vector<1x1x16xf32>
      tpu.vector_store %arg5[%swap3A_545, %swap3A_546, %swap3A_547], %swap3A_550 {strides = array<i32>} : memref<2x8x4096xf32, #tpu.memory_space<vmem>>, vector<1x1x16xf32>,
      %mul3A_551 = arith.constant 128 : i32
      %mul3A_552 = arith.muli %mul3A_551, %sub3A_54 : i32
      %add3A_553 = arith.constant 96 : i32
      %add3A_554 = arith.addi %mul3A_552, %add3A_553 : i32
      %add3A_555 = arith.addi %add3A_454, %add3A_554 : i32
      %get3A_556 = arith.index_cast %add3A_555 : i32 to index
      %get3A_557 = tpu.vector_load %arg4[%get3A_556] {strides = array<i32>} : memref<4224xf32, #tpu.memory_space<vmem>>, vector<16xf32>,
      %get3A_558 = vector.shape_cast %get3A_557 : vector<16xf32> to vector<16xf32>
      %swap3A_559 = arith.constant 0 : i32
      %swap3A_560 = arith.constant 3 : i32
      %swap3A_561 = arith.index_cast %swap3A_559 : i32 to index
      %swap3A_562 = arith.index_cast %swap3A_560 : i32 to index
      %swap3A_563 = arith.index_cast %add3A_554 : i32 to index
      %swap3A_564 = tpu.vector_load %arg5[%swap3A_561, %swap3A_562, %swap3A_563] {strides = array<i32>} : memref<2x8x4096xf32, #tpu.memory_space<vmem>>, vector<1x1x16xf32>,
      %swap3A_565 = vector.shape_cast %swap3A_564 : vector<1x1x16xf32> to vector<16xf32>
      %swap3A_566 = vector.shape_cast %get3A_558 : vector<16xf32> to vector<1x1x16xf32>
      tpu.vector_store %arg5[%swap3A_561, %swap3A_562, %swap3A_563], %swap3A_566 {strides = array<i32>} : memref<2x8x4096xf32, #tpu.memory_space<vmem>>, vector<1x1x16xf32>,
      %mul3A_567 = arith.constant 128 : i32
      %mul3A_568 = arith.muli %mul3A_567, %sub3A_54 : i32
      %add3A_569 = arith.constant 112 : i32
      %add3A_570 = arith.addi %mul3A_568, %add3A_569 : i32
      %add3A_571 = arith.addi %add3A_454, %add3A_570 : i32
      %get3A_572 = arith.index_cast %add3A_571 : i32 to index
      %get3A_573 = tpu.vector_load %arg4[%get3A_572] {strides = array<i32>} : memref<4224xf32, #tpu.memory_space<vmem>>, vector<16xf32>,
      %get3A_574 = vector.shape_cast %get3A_573 : vector<16xf32> to vector<16xf32>
      %swap3A_575 = arith.constant 0 : i32
      %swap3A_576 = arith.constant 3 : i32
      %swap3A_577 = arith.index_cast %swap3A_575 : i32 to index
      %swap3A_578 = arith.index_cast %swap3A_576 : i32 to index
      %swap3A_579 = arith.index_cast %add3A_570 : i32 to index
      %swap3A_580 = tpu.vector_load %arg5[%swap3A_577, %swap3A_578, %swap3A_579] {strides = array<i32>} : memref<2x8x4096xf32, #tpu.memory_space<vmem>>, vector<1x1x16xf32>,
      %swap3A_581 = vector.shape_cast %swap3A_580 : vector<1x1x16xf32> to vector<16xf32>
      %swap3A_582 = vector.shape_cast %get3A_574 : vector<16xf32> to vector<1x1x16xf32>
      tpu.vector_store %arg5[%swap3A_577, %swap3A_578, %swap3A_579], %swap3A_582 {strides = array<i32>} : memref<2x8x4096xf32, #tpu.memory_space<vmem>>, vector<1x1x16xf32>,
      %mul3A_583 = arith.constant 8 : i32
      %mul3A_584 = arith.muli %mul3A_583, %add3A_56 : i32
      %add3A_585 = arith.constant 3 : i32
      %add3A_586 = arith.addi %mul3A_584, %add3A_585 : i32
      %mul3A_587 = arith.constant 128 : i32
      %mul3A_588 = arith.muli %mul3A_587, %sub3A_54 : i32
      %add3A_589 = arith.constant 0 : i32
      %add3A_590 = arith.addi %mul3A_588, %add3A_589 : i32
      %add3A_591 = arith.addi %add3A_586, %add3A_590 : i32
      %get3A_592 = arith.index_cast %add3A_591 : i32 to index
      %get3A_593 = tpu.vector_load %arg4[%get3A_592] {strides = array<i32>} : memref<4224xf32, #tpu.memory_space<vmem>>, vector<16xf32>,
      %get3A_594 = vector.shape_cast %get3A_593 : vector<16xf32> to vector<16xf32>
      %swap3A_595 = arith.constant 0 : i32
      %swap3A_596 = arith.constant 4 : i32
      %swap3A_597 = arith.index_cast %swap3A_595 : i32 to index
      %swap3A_598 = arith.index_cast %swap3A_596 : i32 to index
      %swap3A_599 = arith.index_cast %add3A_590 : i32 to index
      %swap3A_600 = tpu.vector_load %arg5[%swap3A_597, %swap3A_598, %swap3A_599] {strides = array<i32>} : memref<2x8x4096xf32, #tpu.memory_space<vmem>>, vector<1x1x16xf32>,
      %swap3A_601 = vector.shape_cast %swap3A_600 : vector<1x1x16xf32> to vector<16xf32>
      %swap3A_602 = vector.shape_cast %get3A_594 : vector<16xf32> to vector<1x1x16xf32>
      tpu.vector_store %arg5[%swap3A_597, %swap3A_598, %swap3A_599], %swap3A_602 {strides = array<i32>} : memref<2x8x4096xf32, #tpu.memory_space<vmem>>, vector<1x1x16xf32>,
      %mul3A_603 = arith.constant 128 : i32
      %mul3A_604 = arith.muli %mul3A_603, %sub3A_54 : i32
      %add3A_605 = arith.constant 16 : i32
      %add3A_606 = arith.addi %mul3A_604, %add3A_605 : i32
      %add3A_607 = arith.addi %add3A_586, %add3A_606 : i32
      %get3A_608 = arith.index_cast %add3A_607 : i32 to index
      %get3A_609 = tpu.vector_load %arg4[%get3A_608] {strides = array<i32>} : memref<4224xf32, #tpu.memory_space<vmem>>, vector<16xf32>,
      %get3A_610 = vector.shape_cast %get3A_609 : vector<16xf32> to vector<16xf32>
      %swap3A_611 = arith.constant 0 : i32
      %swap3A_612 = arith.constant 4 : i32
      %swap3A_613 = arith.index_cast %swap3A_611 : i32 to index
      %swap3A_614 = arith.index_cast %swap3A_612 : i32 to index
      %swap3A_615 = arith.index_cast %add3A_606 : i32 to index
      %swap3A_616 = tpu.vector_load %arg5[%swap3A_613, %swap3A_614, %swap3A_615] {strides = array<i32>} : memref<2x8x4096xf32, #tpu.memory_space<vmem>>, vector<1x1x16xf32>,
      %swap3A_617 = vector.shape_cast %swap3A_616 : vector<1x1x16xf32> to vector<16xf32>
      %swap3A_618 = vector.shape_cast %get3A_610 : vector<16xf32> to vector<1x1x16xf32>
      tpu.vector_store %arg5[%swap3A_613, %swap3A_614, %swap3A_615], %swap3A_618 {strides = array<i32>} : memref<2x8x4096xf32, #tpu.memory_space<vmem>>, vector<1x1x16xf32>,
      %mul3A_619 = arith.constant 128 : i32
      %mul3A_620 = arith.muli %mul3A_619, %sub3A_54 : i32
      %add3A_621 = arith.constant 32 : i32
      %add3A_622 = arith.addi %mul3A_620, %add3A_621 : i32
      %add3A_623 = arith.addi %add3A_586, %add3A_622 : i32
      %get3A_624 = arith.index_cast %add3A_623 : i32 to index
      %get3A_625 = tpu.vector_load %arg4[%get3A_624] {strides = array<i32>} : memref<4224xf32, #tpu.memory_space<vmem>>, vector<16xf32>,
      %get3A_626 = vector.shape_cast %get3A_625 : vector<16xf32> to vector<16xf32>
      %swap3A_627 = arith.constant 0 : i32
      %swap3A_628 = arith.constant 4 : i32
      %swap3A_629 = arith.index_cast %swap3A_627 : i32 to index
      %swap3A_630 = arith.index_cast %swap3A_628 : i32 to index
      %swap3A_631 = arith.index_cast %add3A_622 : i32 to index
      %swap3A_632 = tpu.vector_load %arg5[%swap3A_629, %swap3A_630, %swap3A_631] {strides = array<i32>} : memref<2x8x4096xf32, #tpu.memory_space<vmem>>, vector<1x1x16xf32>,
      %swap3A_633 = vector.shape_cast %swap3A_632 : vector<1x1x16xf32> to vector<16xf32>
      %swap3A_634 = vector.shape_cast %get3A_626 : vector<16xf32> to vector<1x1x16xf32>
      tpu.vector_store %arg5[%swap3A_629, %swap3A_630, %swap3A_631], %swap3A_634 {strides = array<i32>} : memref<2x8x4096xf32, #tpu.memory_space<vmem>>, vector<1x1x16xf32>,
      %mul3A_635 = arith.constant 128 : i32
      %mul3A_636 = arith.muli %mul3A_635, %sub3A_54 : i32
      %add3A_637 = arith.constant 48 : i32
      %add3A_638 = arith.addi %mul3A_636, %add3A_637 : i32
      %add3A_639 = arith.addi %add3A_586, %add3A_638 : i32
      %get3A_640 = arith.index_cast %add3A_639 : i32 to index
      %get3A_641 = tpu.vector_load %arg4[%get3A_640] {strides = array<i32>} : memref<4224xf32, #tpu.memory_space<vmem>>, vector<16xf32>,
      %get3A_642 = vector.shape_cast %get3A_641 : vector<16xf32> to vector<16xf32>
      %swap3A_643 = arith.constant 0 : i32
      %swap3A_644 = arith.constant 4 : i32
      %swap3A_645 = arith.index_cast %swap3A_643 : i32 to index
      %swap3A_646 = arith.index_cast %swap3A_644 : i32 to index
      %swap3A_647 = arith.index_cast %add3A_638 : i32 to index
      %swap3A_648 = tpu.vector_load %arg5[%swap3A_645, %swap3A_646, %swap3A_647] {strides = array<i32>} : memref<2x8x4096xf32, #tpu.memory_space<vmem>>, vector<1x1x16xf32>,
      %swap3A_649 = vector.shape_cast %swap3A_648 : vector<1x1x16xf32> to vector<16xf32>
      %swap3A_650 = vector.shape_cast %get3A_642 : vector<16xf32> to vector<1x1x16xf32>
      tpu.vector_store %arg5[%swap3A_645, %swap3A_646, %swap3A_647], %swap3A_650 {strides = array<i32>} : memref<2x8x4096xf32, #tpu.memory_space<vmem>>, vector<1x1x16xf32>,
      %mul3A_651 = arith.constant 128 : i32
      %mul3A_652 = arith.muli %mul3A_651, %sub3A_54 : i32
      %add3A_653 = arith.constant 64 : i32
      %add3A_654 = arith.addi %mul3A_652, %add3A_653 : i32
      %add3A_655 = arith.addi %add3A_586, %add3A_654 : i32
      %get3A_656 = arith.index_cast %add3A_655 : i32 to index
      %get3A_657 = tpu.vector_load %arg4[%get3A_656] {strides = array<i32>} : memref<4224xf32, #tpu.memory_space<vmem>>, vector<16xf32>,
      %get3A_658 = vector.shape_cast %get3A_657 : vector<16xf32> to vector<16xf32>
      %swap3A_659 = arith.constant 0 : i32
      %swap3A_660 = arith.constant 4 : i32
      %swap3A_661 = arith.index_cast %swap3A_659 : i32 to index
      %swap3A_662 = arith.index_cast %swap3A_660 : i32 to index
      %swap3A_663 = arith.index_cast %add3A_654 : i32 to index
      %swap3A_664 = tpu.vector_load %arg5[%swap3A_661, %swap3A_662, %swap3A_663] {strides = array<i32>} : memref<2x8x4096xf32, #tpu.memory_space<vmem>>, vector<1x1x16xf32>,
      %swap3A_665 = vector.shape_cast %swap3A_664 : vector<1x1x16xf32> to vector<16xf32>
      %swap3A_666 = vector.shape_cast %get3A_658 : vector<16xf32> to vector<1x1x16xf32>
      tpu.vector_store %arg5[%swap3A_661, %swap3A_662, %swap3A_663], %swap3A_666 {strides = array<i32>} : memref<2x8x4096xf32, #tpu.memory_space<vmem>>, vector<1x1x16xf32>,
      %mul3A_667 = arith.constant 128 : i32
      %mul3A_668 = arith.muli %mul3A_667, %sub3A_54 : i32
      %add3A_669 = arith.constant 80 : i32
      %add3A_670 = arith.addi %mul3A_668, %add3A_669 : i32
      %add3A_671 = arith.addi %add3A_586, %add3A_670 : i32
      %get3A_672 = arith.index_cast %add3A_671 : i32 to index
      %get3A_673 = tpu.vector_load %arg4[%get3A_672] {strides = array<i32>} : memref<4224xf32, #tpu.memory_space<vmem>>, vector<16xf32>,
      %get3A_674 = vector.shape_cast %get3A_673 : vector<16xf32> to vector<16xf32>
      %swap3A_675 = arith.constant 0 : i32
      %swap3A_676 = arith.constant 4 : i32
      %swap3A_677 = arith.index_cast %swap3A_675 : i32 to index
      %swap3A_678 = arith.index_cast %swap3A_676 : i32 to index
      %swap3A_679 = arith.index_cast %add3A_670 : i32 to index
      %swap3A_680 = tpu.vector_load %arg5[%swap3A_677, %swap3A_678, %swap3A_679] {strides = array<i32>} : memref<2x8x4096xf32, #tpu.memory_space<vmem>>, vector<1x1x16xf32>,
      %swap3A_681 = vector.shape_cast %swap3A_680 : vector<1x1x16xf32> to vector<16xf32>
      %swap3A_682 = vector.shape_cast %get3A_674 : vector<16xf32> to vector<1x1x16xf32>
      tpu.vector_store %arg5[%swap3A_677, %swap3A_678, %swap3A_679], %swap3A_682 {strides = array<i32>} : memref<2x8x4096xf32, #tpu.memory_space<vmem>>, vector<1x1x16xf32>,
      %mul3A_683 = arith.constant 128 : i32
      %mul3A_684 = arith.muli %mul3A_683, %sub3A_54 : i32
      %add3A_685 = arith.constant 96 : i32
      %add3A_686 = arith.addi %mul3A_684, %add3A_685 : i32
      %add3A_687 = arith.addi %add3A_586, %add3A_686 : i32
      %get3A_688 = arith.index_cast %add3A_687 : i32 to index
      %get3A_689 = tpu.vector_load %arg4[%get3A_688] {strides = array<i32>} : memref<4224xf32, #tpu.memory_space<vmem>>, vector<16xf32>,
      %get3A_690 = vector.shape_cast %get3A_689 : vector<16xf32> to vector<16xf32>
      %swap3A_691 = arith.constant 0 : i32
      %swap3A_692 = arith.constant 4 : i32
      %swap3A_693 = arith.index_cast %swap3A_691 : i32 to index
      %swap3A_694 = arith.index_cast %swap3A_692 : i32 to index
      %swap3A_695 = arith.index_cast %add3A_686 : i32 to index
      %swap3A_696 = tpu.vector_load %arg5[%swap3A_693, %swap3A_694, %swap3A_695] {strides = array<i32>} : memref<2x8x4096xf32, #tpu.memory_space<vmem>>, vector<1x1x16xf32>,
      %swap3A_697 = vector.shape_cast %swap3A_696 : vector<1x1x16xf32> to vector<16xf32>
      %swap3A_698 = vector.shape_cast %get3A_690 : vector<16xf32> to vector<1x1x16xf32>
      tpu.vector_store %arg5[%swap3A_693, %swap3A_694, %swap3A_695], %swap3A_698 {strides = array<i32>} : memref<2x8x4096xf32, #tpu.memory_space<vmem>>, vector<1x1x16xf32>,
      %mul3A_699 = arith.constant 128 : i32
      %mul3A_700 = arith.muli %mul3A_699, %sub3A_54 : i32
      %add3A_701 = arith.constant 112 : i32
      %add3A_702 = arith.addi %mul3A_700, %add3A_701 : i32
      %add3A_703 = arith.addi %add3A_586, %add3A_702 : i32
      %get3A_704 = arith.index_cast %add3A_703 : i32 to index
      %get3A_705 = tpu.vector_load %arg4[%get3A_704] {strides = array<i32>} : memref<4224xf32, #tpu.memory_space<vmem>>, vector<16xf32>,
      %get3A_706 = vector.shape_cast %get3A_705 : vector<16xf32> to vector<16xf32>
      %swap3A_707 = arith.constant 0 : i32
      %swap3A_708 = arith.constant 4 : i32
      %swap3A_709 = arith.index_cast %swap3A_707 : i32 to index
      %swap3A_710 = arith.index_cast %swap3A_708 : i32 to index
      %swap3A_711 = arith.index_cast %add3A_702 : i32 to index
      %swap3A_712 = tpu.vector_load %arg5[%swap3A_709, %swap3A_710, %swap3A_711] {strides = array<i32>} : memref<2x8x4096xf32, #tpu.memory_space<vmem>>, vector<1x1x16xf32>,
      %swap3A_713 = vector.shape_cast %swap3A_712 : vector<1x1x16xf32> to vector<16xf32>
      %swap3A_714 = vector.shape_cast %get3A_706 : vector<16xf32> to vector<1x1x16xf32>
      tpu.vector_store %arg5[%swap3A_709, %swap3A_710, %swap3A_711], %swap3A_714 {strides = array<i32>} : memref<2x8x4096xf32, #tpu.memory_space<vmem>>, vector<1x1x16xf32>,
      %mul3A_715 = arith.constant 8 : i32
      %mul3A_716 = arith.muli %mul3A_715, %add3A_56 : i32
      %add3A_717 = arith.constant 2 : i32
      %add3A_718 = arith.addi %mul3A_716, %add3A_717 : i32
      %mul3A_719 = arith.constant 128 : i32
      %mul3A_720 = arith.muli %mul3A_719, %sub3A_54 : i32
      %add3A_721 = arith.constant 0 : i32
      %add3A_722 = arith.addi %mul3A_720, %add3A_721 : i32
      %add3A_723 = arith.addi %add3A_718, %add3A_722 : i32
      %get3A_724 = arith.index_cast %add3A_723 : i32 to index
      %get3A_725 = tpu.vector_load %arg4[%get3A_724] {strides = array<i32>} : memref<4224xf32, #tpu.memory_space<vmem>>, vector<16xf32>,
      %get3A_726 = vector.shape_cast %get3A_725 : vector<16xf32> to vector<16xf32>
      %swap3A_727 = arith.constant 0 : i32
      %swap3A_728 = arith.constant 5 : i32
      %swap3A_729 = arith.index_cast %swap3A_727 : i32 to index
      %swap3A_730 = arith.index_cast %swap3A_728 : i32 to index
      %swap3A_731 = arith.index_cast %add3A_722 : i32 to index
      %swap3A_732 = tpu.vector_load %arg5[%swap3A_729, %swap3A_730, %swap3A_731] {strides = array<i32>} : memref<2x8x4096xf32, #tpu.memory_space<vmem>>, vector<1x1x16xf32>,
      %swap3A_733 = vector.shape_cast %swap3A_732 : vector<1x1x16xf32> to vector<16xf32>
      %swap3A_734 = vector.shape_cast %get3A_726 : vector<16xf32> to vector<1x1x16xf32>
      tpu.vector_store %arg5[%swap3A_729, %swap3A_730, %swap3A_731], %swap3A_734 {strides = array<i32>} : memref<2x8x4096xf32, #tpu.memory_space<vmem>>, vector<1x1x16xf32>,
      %mul3A_735 = arith.constant 128 : i32
      %mul3A_736 = arith.muli %mul3A_735, %sub3A_54 : i32
      %add3A_737 = arith.constant 16 : i32
      %add3A_738 = arith.addi %mul3A_736, %add3A_737 : i32
      %add3A_739 = arith.addi %add3A_718, %add3A_738 : i32
      %get3A_740 = arith.index_cast %add3A_739 : i32 to index
      %get3A_741 = tpu.vector_load %arg4[%get3A_740] {strides = array<i32>} : memref<4224xf32, #tpu.memory_space<vmem>>, vector<16xf32>,
      %get3A_742 = vector.shape_cast %get3A_741 : vector<16xf32> to vector<16xf32>
      %swap3A_743 = arith.constant 0 : i32
      %swap3A_744 = arith.constant 5 : i32
      %swap3A_745 = arith.index_cast %swap3A_743 : i32 to index
      %swap3A_746 = arith.index_cast %swap3A_744 : i32 to index
      %swap3A_747 = arith.index_cast %add3A_738 : i32 to index
      %swap3A_748 = tpu.vector_load %arg5[%swap3A_745, %swap3A_746, %swap3A_747] {strides = array<i32>} : memref<2x8x4096xf32, #tpu.memory_space<vmem>>, vector<1x1x16xf32>,
      %swap3A_749 = vector.shape_cast %swap3A_748 : vector<1x1x16xf32> to vector<16xf32>
      %swap3A_750 = vector.shape_cast %get3A_742 : vector<16xf32> to vector<1x1x16xf32>
      tpu.vector_store %arg5[%swap3A_745, %swap3A_746, %swap3A_747], %swap3A_750 {strides = array<i32>} : memref<2x8x4096xf32, #tpu.memory_space<vmem>>, vector<1x1x16xf32>,
      %mul3A_751 = arith.constant 128 : i32
      %mul3A_752 = arith.muli %mul3A_751, %sub3A_54 : i32
      %add3A_753 = arith.constant 32 : i32
      %add3A_754 = arith.addi %mul3A_752, %add3A_753 : i32
      %add3A_755 = arith.addi %add3A_718, %add3A_754 : i32
      %get3A_756 = arith.index_cast %add3A_755 : i32 to index
      %get3A_757 = tpu.vector_load %arg4[%get3A_756] {strides = array<i32>} : memref<4224xf32, #tpu.memory_space<vmem>>, vector<16xf32>,
      %get3A_758 = vector.shape_cast %get3A_757 : vector<16xf32> to vector<16xf32>
      %swap3A_759 = arith.constant 0 : i32
      %swap3A_760 = arith.constant 5 : i32
      %swap3A_761 = arith.index_cast %swap3A_759 : i32 to index
      %swap3A_762 = arith.index_cast %swap3A_760 : i32 to index
      %swap3A_763 = arith.index_cast %add3A_754 : i32 to index
      %swap3A_764 = tpu.vector_load %arg5[%swap3A_761, %swap3A_762, %swap3A_763] {strides = array<i32>} : memref<2x8x4096xf32, #tpu.memory_space<vmem>>, vector<1x1x16xf32>,
      %swap3A_765 = vector.shape_cast %swap3A_764 : vector<1x1x16xf32> to vector<16xf32>
      %swap3A_766 = vector.shape_cast %get3A_758 : vector<16xf32> to vector<1x1x16xf32>
      tpu.vector_store %arg5[%swap3A_761, %swap3A_762, %swap3A_763], %swap3A_766 {strides = array<i32>} : memref<2x8x4096xf32, #tpu.memory_space<vmem>>, vector<1x1x16xf32>,
      %mul3A_767 = arith.constant 128 : i32
      %mul3A_768 = arith.muli %mul3A_767, %sub3A_54 : i32
      %add3A_769 = arith.constant 48 : i32
      %add3A_770 = arith.addi %mul3A_768, %add3A_769 : i32
      %add3A_771 = arith.addi %add3A_718, %add3A_770 : i32
      %get3A_772 = arith.index_cast %add3A_771 : i32 to index
      %get3A_773 = tpu.vector_load %arg4[%get3A_772] {strides = array<i32>} : memref<4224xf32, #tpu.memory_space<vmem>>, vector<16xf32>,
      %get3A_774 = vector.shape_cast %get3A_773 : vector<16xf32> to vector<16xf32>
      %swap3A_775 = arith.constant 0 : i32
      %swap3A_776 = arith.constant 5 : i32
      %swap3A_777 = arith.index_cast %swap3A_775 : i32 to index
      %swap3A_778 = arith.index_cast %swap3A_776 : i32 to index
      %swap3A_779 = arith.index_cast %add3A_770 : i32 to index
      %swap3A_780 = tpu.vector_load %arg5[%swap3A_777, %swap3A_778, %swap3A_779] {strides = array<i32>} : memref<2x8x4096xf32, #tpu.memory_space<vmem>>, vector<1x1x16xf32>,
      %swap3A_781 = vector.shape_cast %swap3A_780 : vector<1x1x16xf32> to vector<16xf32>
      %swap3A_782 = vector.shape_cast %get3A_774 : vector<16xf32> to vector<1x1x16xf32>
      tpu.vector_store %arg5[%swap3A_777, %swap3A_778, %swap3A_779], %swap3A_782 {strides = array<i32>} : memref<2x8x4096xf32, #tpu.memory_space<vmem>>, vector<1x1x16xf32>,
      %mul3A_783 = arith.constant 128 : i32
      %mul3A_784 = arith.muli %mul3A_783, %sub3A_54 : i32
      %add3A_785 = arith.constant 64 : i32
      %add3A_786 = arith.addi %mul3A_784, %add3A_785 : i32
      %add3A_787 = arith.addi %add3A_718, %add3A_786 : i32
      %get3A_788 = arith.index_cast %add3A_787 : i32 to index
      %get3A_789 = tpu.vector_load %arg4[%get3A_788] {strides = array<i32>} : memref<4224xf32, #tpu.memory_space<vmem>>, vector<16xf32>,
      %get3A_790 = vector.shape_cast %get3A_789 : vector<16xf32> to vector<16xf32>
      %swap3A_791 = arith.constant 0 : i32
      %swap3A_792 = arith.constant 5 : i32
      %swap3A_793 = arith.index_cast %swap3A_791 : i32 to index
      %swap3A_794 = arith.index_cast %swap3A_792 : i32 to index
      %swap3A_795 = arith.index_cast %add3A_786 : i32 to index
      %swap3A_796 = tpu.vector_load %arg5[%swap3A_793, %swap3A_794, %swap3A_795] {strides = array<i32>} : memref<2x8x4096xf32, #tpu.memory_space<vmem>>, vector<1x1x16xf32>,
      %swap3A_797 = vector.shape_cast %swap3A_796 : vector<1x1x16xf32> to vector<16xf32>
      %swap3A_798 = vector.shape_cast %get3A_790 : vector<16xf32> to vector<1x1x16xf32>
      tpu.vector_store %arg5[%swap3A_793, %swap3A_794, %swap3A_795], %swap3A_798 {strides = array<i32>} : memref<2x8x4096xf32, #tpu.memory_space<vmem>>, vector<1x1x16xf32>,
      %mul3A_799 = arith.constant 128 : i32
      %mul3A_800 = arith.muli %mul3A_799, %sub3A_54 : i32
      %add3A_801 = arith.constant 80 : i32
      %add3A_802 = arith.addi %mul3A_800, %add3A_801 : i32
      %add3A_803 = arith.addi %add3A_718, %add3A_802 : i32
      %get3A_804 = arith.index_cast %add3A_803 : i32 to index
      %get3A_805 = tpu.vector_load %arg4[%get3A_804] {strides = array<i32>} : memref<4224xf32, #tpu.memory_space<vmem>>, vector<16xf32>,
      %get3A_806 = vector.shape_cast %get3A_805 : vector<16xf32> to vector<16xf32>
      %swap3A_807 = arith.constant 0 : i32
      %swap3A_808 = arith.constant 5 : i32
      %swap3A_809 = arith.index_cast %swap3A_807 : i32 to index
      %swap3A_810 = arith.index_cast %swap3A_808 : i32 to index
      %swap3A_811 = arith.index_cast %add3A_802 : i32 to index
      %swap3A_812 = tpu.vector_load %arg5[%swap3A_809, %swap3A_810, %swap3A_811] {strides = array<i32>} : memref<2x8x4096xf32, #tpu.memory_space<vmem>>, vector<1x1x16xf32>,
      %swap3A_813 = vector.shape_cast %swap3A_812 : vector<1x1x16xf32> to vector<16xf32>
      %swap3A_814 = vector.shape_cast %get3A_806 : vector<16xf32> to vector<1x1x16xf32>
      tpu.vector_store %arg5[%swap3A_809, %swap3A_810, %swap3A_811], %swap3A_814 {strides = array<i32>} : memref<2x8x4096xf32, #tpu.memory_space<vmem>>, vector<1x1x16xf32>,
      %mul3A_815 = arith.constant 128 : i32
      %mul3A_816 = arith.muli %mul3A_815, %sub3A_54 : i32
      %add3A_817 = arith.constant 96 : i32
      %add3A_818 = arith.addi %mul3A_816, %add3A_817 : i32
      %add3A_819 = arith.addi %add3A_718, %add3A_818 : i32
      %get3A_820 = arith.index_cast %add3A_819 : i32 to index
      %get3A_821 = tpu.vector_load %arg4[%get3A_820] {strides = array<i32>} : memref<4224xf32, #tpu.memory_space<vmem>>, vector<16xf32>,
      %get3A_822 = vector.shape_cast %get3A_821 : vector<16xf32> to vector<16xf32>
      %swap3A_823 = arith.constant 0 : i32
      %swap3A_824 = arith.constant 5 : i32
      %swap3A_825 = arith.index_cast %swap3A_823 : i32 to index
      %swap3A_826 = arith.index_cast %swap3A_824 : i32 to index
      %swap3A_827 = arith.index_cast %add3A_818 : i32 to index
      %swap3A_828 = tpu.vector_load %arg5[%swap3A_825, %swap3A_826, %swap3A_827] {strides = array<i32>} : memref<2x8x4096xf32, #tpu.memory_space<vmem>>, vector<1x1x16xf32>,
      %swap3A_829 = vector.shape_cast %swap3A_828 : vector<1x1x16xf32> to vector<16xf32>
      %swap3A_830 = vector.shape_cast %get3A_822 : vector<16xf32> to vector<1x1x16xf32>
      tpu.vector_store %arg5[%swap3A_825, %swap3A_826, %swap3A_827], %swap3A_830 {strides = array<i32>} : memref<2x8x4096xf32, #tpu.memory_space<vmem>>, vector<1x1x16xf32>,
      %mul3A_831 = arith.constant 128 : i32
      %mul3A_832 = arith.muli %mul3A_831, %sub3A_54 : i32
      %add3A_833 = arith.constant 112 : i32
      %add3A_834 = arith.addi %mul3A_832, %add3A_833 : i32
      %add3A_835 = arith.addi %add3A_718, %add3A_834 : i32
      %get3A_836 = arith.index_cast %add3A_835 : i32 to index
      %get3A_837 = tpu.vector_load %arg4[%get3A_836] {strides = array<i32>} : memref<4224xf32, #tpu.memory_space<vmem>>, vector<16xf32>,
      %get3A_838 = vector.shape_cast %get3A_837 : vector<16xf32> to vector<16xf32>
      %swap3A_839 = arith.constant 0 : i32
      %swap3A_840 = arith.constant 5 : i32
      %swap3A_841 = arith.index_cast %swap3A_839 : i32 to index
      %swap3A_842 = arith.index_cast %swap3A_840 : i32 to index
      %swap3A_843 = arith.index_cast %add3A_834 : i32 to index
      %swap3A_844 = tpu.vector_load %arg5[%swap3A_841, %swap3A_842, %swap3A_843] {strides = array<i32>} : memref<2x8x4096xf32, #tpu.memory_space<vmem>>, vector<1x1x16xf32>,
      %swap3A_845 = vector.shape_cast %swap3A_844 : vector<1x1x16xf32> to vector<16xf32>
      %swap3A_846 = vector.shape_cast %get3A_838 : vector<16xf32> to vector<1x1x16xf32>
      tpu.vector_store %arg5[%swap3A_841, %swap3A_842, %swap3A_843], %swap3A_846 {strides = array<i32>} : memref<2x8x4096xf32, #tpu.memory_space<vmem>>, vector<1x1x16xf32>,
      %mul3A_847 = arith.constant 8 : i32
      %mul3A_848 = arith.muli %mul3A_847, %add3A_56 : i32
      %add3A_849 = arith.constant 1 : i32
      %add3A_850 = arith.addi %mul3A_848, %add3A_849 : i32
      %mul3A_851 = arith.constant 128 : i32
      %mul3A_852 = arith.muli %mul3A_851, %sub3A_54 : i32
      %add3A_853 = arith.constant 0 : i32
      %add3A_854 = arith.addi %mul3A_852, %add3A_853 : i32
      %add3A_855 = arith.addi %add3A_850, %add3A_854 : i32
      %get3A_856 = arith.index_cast %add3A_855 : i32 to index
      %get3A_857 = tpu.vector_load %arg4[%get3A_856] {strides = array<i32>} : memref<4224xf32, #tpu.memory_space<vmem>>, vector<16xf32>,
      %get3A_858 = vector.shape_cast %get3A_857 : vector<16xf32> to vector<16xf32>
      %swap3A_859 = arith.constant 0 : i32
      %swap3A_860 = arith.constant 6 : i32
      %swap3A_861 = arith.index_cast %swap3A_859 : i32 to index
      %swap3A_862 = arith.index_cast %swap3A_860 : i32 to index
      %swap3A_863 = arith.index_cast %add3A_854 : i32 to index
      %swap3A_864 = tpu.vector_load %arg5[%swap3A_861, %swap3A_862, %swap3A_863] {strides = array<i32>} : memref<2x8x4096xf32, #tpu.memory_space<vmem>>, vector<1x1x16xf32>,
      %swap3A_865 = vector.shape_cast %swap3A_864 : vector<1x1x16xf32> to vector<16xf32>
      %swap3A_866 = vector.shape_cast %get3A_858 : vector<16xf32> to vector<1x1x16xf32>
      tpu.vector_store %arg5[%swap3A_861, %swap3A_862, %swap3A_863], %swap3A_866 {strides = array<i32>} : memref<2x8x4096xf32, #tpu.memory_space<vmem>>, vector<1x1x16xf32>,
      %mul3A_867 = arith.constant 128 : i32
      %mul3A_868 = arith.muli %mul3A_867, %sub3A_54 : i32
      %add3A_869 = arith.constant 16 : i32
      %add3A_870 = arith.addi %mul3A_868, %add3A_869 : i32
      %add3A_871 = arith.addi %add3A_850, %add3A_870 : i32
      %get3A_872 = arith.index_cast %add3A_871 : i32 to index
      %get3A_873 = tpu.vector_load %arg4[%get3A_872] {strides = array<i32>} : memref<4224xf32, #tpu.memory_space<vmem>>, vector<16xf32>,
      %get3A_874 = vector.shape_cast %get3A_873 : vector<16xf32> to vector<16xf32>
      %swap3A_875 = arith.constant 0 : i32
      %swap3A_876 = arith.constant 6 : i32
      %swap3A_877 = arith.index_cast %swap3A_875 : i32 to index
      %swap3A_878 = arith.index_cast %swap3A_876 : i32 to index
      %swap3A_879 = arith.index_cast %add3A_870 : i32 to index
      %swap3A_880 = tpu.vector_load %arg5[%swap3A_877, %swap3A_878, %swap3A_879] {strides = array<i32>} : memref<2x8x4096xf32, #tpu.memory_space<vmem>>, vector<1x1x16xf32>,
      %swap3A_881 = vector.shape_cast %swap3A_880 : vector<1x1x16xf32> to vector<16xf32>
      %swap3A_882 = vector.shape_cast %get3A_874 : vector<16xf32> to vector<1x1x16xf32>
      tpu.vector_store %arg5[%swap3A_877, %swap3A_878, %swap3A_879], %swap3A_882 {strides = array<i32>} : memref<2x8x4096xf32, #tpu.memory_space<vmem>>, vector<1x1x16xf32>,
      %mul3A_883 = arith.constant 128 : i32
      %mul3A_884 = arith.muli %mul3A_883, %sub3A_54 : i32
      %add3A_885 = arith.constant 32 : i32
      %add3A_886 = arith.addi %mul3A_884, %add3A_885 : i32
      %add3A_887 = arith.addi %add3A_850, %add3A_886 : i32
      %get3A_888 = arith.index_cast %add3A_887 : i32 to index
      %get3A_889 = tpu.vector_load %arg4[%get3A_888] {strides = array<i32>} : memref<4224xf32, #tpu.memory_space<vmem>>, vector<16xf32>,
      %get3A_890 = vector.shape_cast %get3A_889 : vector<16xf32> to vector<16xf32>
      %swap3A_891 = arith.constant 0 : i32
      %swap3A_892 = arith.constant 6 : i32
      %swap3A_893 = arith.index_cast %swap3A_891 : i32 to index
      %swap3A_894 = arith.index_cast %swap3A_892 : i32 to index
      %swap3A_895 = arith.index_cast %add3A_886 : i32 to index
      %swap3A_896 = tpu.vector_load %arg5[%swap3A_893, %swap3A_894, %swap3A_895] {strides = array<i32>} : memref<2x8x4096xf32, #tpu.memory_space<vmem>>, vector<1x1x16xf32>,
      %swap3A_897 = vector.shape_cast %swap3A_896 : vector<1x1x16xf32> to vector<16xf32>
      %swap3A_898 = vector.shape_cast %get3A_890 : vector<16xf32> to vector<1x1x16xf32>
      tpu.vector_store %arg5[%swap3A_893, %swap3A_894, %swap3A_895], %swap3A_898 {strides = array<i32>} : memref<2x8x4096xf32, #tpu.memory_space<vmem>>, vector<1x1x16xf32>,
      %mul3A_899 = arith.constant 128 : i32
      %mul3A_900 = arith.muli %mul3A_899, %sub3A_54 : i32
      %add3A_901 = arith.constant 48 : i32
      %add3A_902 = arith.addi %mul3A_900, %add3A_901 : i32
      %add3A_903 = arith.addi %add3A_850, %add3A_902 : i32
      %get3A_904 = arith.index_cast %add3A_903 : i32 to index
      %get3A_905 = tpu.vector_load %arg4[%get3A_904] {strides = array<i32>} : memref<4224xf32, #tpu.memory_space<vmem>>, vector<16xf32>,
      %get3A_906 = vector.shape_cast %get3A_905 : vector<16xf32> to vector<16xf32>
      %swap3A_907 = arith.constant 0 : i32
      %swap3A_908 = arith.constant 6 : i32
      %swap3A_909 = arith.index_cast %swap3A_907 : i32 to index
      %swap3A_910 = arith.index_cast %swap3A_908 : i32 to index
      %swap3A_911 = arith.index_cast %add3A_902 : i32 to index
      %swap3A_912 = tpu.vector_load %arg5[%swap3A_909, %swap3A_910, %swap3A_911] {strides = array<i32>} : memref<2x8x4096xf32, #tpu.memory_space<vmem>>, vector<1x1x16xf32>,
      %swap3A_913 = vector.shape_cast %swap3A_912 : vector<1x1x16xf32> to vector<16xf32>
      %swap3A_914 = vector.shape_cast %get3A_906 : vector<16xf32> to vector<1x1x16xf32>
      tpu.vector_store %arg5[%swap3A_909, %swap3A_910, %swap3A_911], %swap3A_914 {strides = array<i32>} : memref<2x8x4096xf32, #tpu.memory_space<vmem>>, vector<1x1x16xf32>,
      %mul3A_915 = arith.constant 128 : i32
      %mul3A_916 = arith.muli %mul3A_915, %sub3A_54 : i32
      %add3A_917 = arith.constant 64 : i32
      %add3A_918 = arith.addi %mul3A_916, %add3A_917 : i32
      %add3A_919 = arith.addi %add3A_850, %add3A_918 : i32
      %get3A_920 = arith.index_cast %add3A_919 : i32 to index
      %get3A_921 = tpu.vector_load %arg4[%get3A_920] {strides = array<i32>} : memref<4224xf32, #tpu.memory_space<vmem>>, vector<16xf32>,
      %get3A_922 = vector.shape_cast %get3A_921 : vector<16xf32> to vector<16xf32>
      %swap3A_923 = arith.constant 0 : i32
      %swap3A_924 = arith.constant 6 : i32
      %swap3A_925 = arith.index_cast %swap3A_923 : i32 to index
      %swap3A_926 = arith.index_cast %swap3A_924 : i32 to index
      %swap3A_927 = arith.index_cast %add3A_918 : i32 to index
      %swap3A_928 = tpu.vector_load %arg5[%swap3A_925, %swap3A_926, %swap3A_927] {strides = array<i32>} : memref<2x8x4096xf32, #tpu.memory_space<vmem>>, vector<1x1x16xf32>,
      %swap3A_929 = vector.shape_cast %swap3A_928 : vector<1x1x16xf32> to vector<16xf32>
      %swap3A_930 = vector.shape_cast %get3A_922 : vector<16xf32> to vector<1x1x16xf32>
      tpu.vector_store %arg5[%swap3A_925, %swap3A_926, %swap3A_927], %swap3A_930 {strides = array<i32>} : memref<2x8x4096xf32, #tpu.memory_space<vmem>>, vector<1x1x16xf32>,
      %mul3A_931 = arith.constant 128 : i32
      %mul3A_932 = arith.muli %mul3A_931, %sub3A_54 : i32
      %add3A_933 = arith.constant 80 : i32
      %add3A_934 = arith.addi %mul3A_932, %add3A_933 : i32
      %add3A_935 = arith.addi %add3A_850, %add3A_934 : i32
      %get3A_936 = arith.index_cast %add3A_935 : i32 to index
      %get3A_937 = tpu.vector_load %arg4[%get3A_936] {strides = array<i32>} : memref<4224xf32, #tpu.memory_space<vmem>>, vector<16xf32>,
      %get3A_938 = vector.shape_cast %get3A_937 : vector<16xf32> to vector<16xf32>
      %swap3A_939 = arith.constant 0 : i32
      %swap3A_940 = arith.constant 6 : i32
      %swap3A_941 = arith.index_cast %swap3A_939 : i32 to index
      %swap3A_942 = arith.index_cast %swap3A_940 : i32 to index
      %swap3A_943 = arith.index_cast %add3A_934 : i32 to index
      %swap3A_944 = tpu.vector_load %arg5[%swap3A_941, %swap3A_942, %swap3A_943] {strides = array<i32>} : memref<2x8x4096xf32, #tpu.memory_space<vmem>>, vector<1x1x16xf32>,
      %swap3A_945 = vector.shape_cast %swap3A_944 : vector<1x1x16xf32> to vector<16xf32>
      %swap3A_946 = vector.shape_cast %get3A_938 : vector<16xf32> to vector<1x1x16xf32>
      tpu.vector_store %arg5[%swap3A_941, %swap3A_942, %swap3A_943], %swap3A_946 {strides = array<i32>} : memref<2x8x4096xf32, #tpu.memory_space<vmem>>, vector<1x1x16xf32>,
      %mul3A_947 = arith.constant 128 : i32
      %mul3A_948 = arith.muli %mul3A_947, %sub3A_54 : i32
      %add3A_949 = arith.constant 96 : i32
      %add3A_950 = arith.addi %mul3A_948, %add3A_949 : i32
      %add3A_951 = arith.addi %add3A_850, %add3A_950 : i32
      %get3A_952 = arith.index_cast %add3A_951 : i32 to index
      %get3A_953 = tpu.vector_load %arg4[%get3A_952] {strides = array<i32>} : memref<4224xf32, #tpu.memory_space<vmem>>, vector<16xf32>,
      %get3A_954 = vector.shape_cast %get3A_953 : vector<16xf32> to vector<16xf32>
      %swap3A_955 = arith.constant 0 : i32
      %swap3A_956 = arith.constant 6 : i32
      %swap3A_957 = arith.index_cast %swap3A_955 : i32 to index
      %swap3A_958 = arith.index_cast %swap3A_956 : i32 to index
      %swap3A_959 = arith.index_cast %add3A_950 : i32 to index
      %swap3A_960 = tpu.vector_load %arg5[%swap3A_957, %swap3A_958, %swap3A_959] {strides = array<i32>} : memref<2x8x4096xf32, #tpu.memory_space<vmem>>, vector<1x1x16xf32>,
      %swap3A_961 = vector.shape_cast %swap3A_960 : vector<1x1x16xf32> to vector<16xf32>
      %swap3A_962 = vector.shape_cast %get3A_954 : vector<16xf32> to vector<1x1x16xf32>
      tpu.vector_store %arg5[%swap3A_957, %swap3A_958, %swap3A_959], %swap3A_962 {strides = array<i32>} : memref<2x8x4096xf32, #tpu.memory_space<vmem>>, vector<1x1x16xf32>,
      %mul3A_963 = arith.constant 128 : i32
      %mul3A_964 = arith.muli %mul3A_963, %sub3A_54 : i32
      %add3A_965 = arith.constant 112 : i32
      %add3A_966 = arith.addi %mul3A_964, %add3A_965 : i32
      %add3A_967 = arith.addi %add3A_850, %add3A_966 : i32
      %get3A_968 = arith.index_cast %add3A_967 : i32 to index
      %get3A_969 = tpu.vector_load %arg4[%get3A_968] {strides = array<i32>} : memref<4224xf32, #tpu.memory_space<vmem>>, vector<16xf32>,
      %get3A_970 = vector.shape_cast %get3A_969 : vector<16xf32> to vector<16xf32>
      %swap3A_971 = arith.constant 0 : i32
      %swap3A_972 = arith.constant 6 : i32
      %swap3A_973 = arith.index_cast %swap3A_971 : i32 to index
      %swap3A_974 = arith.index_cast %swap3A_972 : i32 to index
      %swap3A_975 = arith.index_cast %add3A_966 : i32 to index
      %swap3A_976 = tpu.vector_load %arg5[%swap3A_973, %swap3A_974, %swap3A_975] {strides = array<i32>} : memref<2x8x4096xf32, #tpu.memory_space<vmem>>, vector<1x1x16xf32>,
      %swap3A_977 = vector.shape_cast %swap3A_976 : vector<1x1x16xf32> to vector<16xf32>
      %swap3A_978 = vector.shape_cast %get3A_970 : vector<16xf32> to vector<1x1x16xf32>
      tpu.vector_store %arg5[%swap3A_973, %swap3A_974, %swap3A_975], %swap3A_978 {strides = array<i32>} : memref<2x8x4096xf32, #tpu.memory_space<vmem>>, vector<1x1x16xf32>,
      %mul3A_979 = arith.constant 8 : i32
      %mul3A_980 = arith.muli %mul3A_979, %add3A_56 : i32
      %add3A_981 = arith.constant 0 : i32
      %add3A_982 = arith.addi %mul3A_980, %add3A_981 : i32
      %mul3A_983 = arith.constant 128 : i32
      %mul3A_984 = arith.muli %mul3A_983, %sub3A_54 : i32
      %add3A_985 = arith.constant 0 : i32
      %add3A_986 = arith.addi %mul3A_984, %add3A_985 : i32
      %add3A_987 = arith.addi %add3A_982, %add3A_986 : i32
      %get3A_988 = arith.index_cast %add3A_987 : i32 to index
      %get3A_989 = tpu.vector_load %arg4[%get3A_988] {strides = array<i32>} : memref<4224xf32, #tpu.memory_space<vmem>>, vector<16xf32>,
      %get3A_990 = vector.shape_cast %get3A_989 : vector<16xf32> to vector<16xf32>
      %swap3A_991 = arith.constant 0 : i32
      %swap3A_992 = arith.constant 7 : i32
      %swap3A_993 = arith.index_cast %swap3A_991 : i32 to index
      %swap3A_994 = arith.index_cast %swap3A_992 : i32 to index
      %swap3A_995 = arith.index_cast %add3A_986 : i32 to index
      %swap3A_996 = tpu.vector_load %arg5[%swap3A_993, %swap3A_994, %swap3A_995] {strides = array<i32>} : memref<2x8x4096xf32, #tpu.memory_space<vmem>>, vector<1x1x16xf32>,
      %swap3A_997 = vector.shape_cast %swap3A_996 : vector<1x1x16xf32> to vector<16xf32>
      %swap3A_998 = vector.shape_cast %get3A_990 : vector<16xf32> to vector<1x1x16xf32>
      tpu.vector_store %arg5[%swap3A_993, %swap3A_994, %swap3A_995], %swap3A_998 {strides = array<i32>} : memref<2x8x4096xf32, #tpu.memory_space<vmem>>, vector<1x1x16xf32>,
      %mul3A_999 = arith.constant 128 : i32
      %mul3A_1000 = arith.muli %mul3A_999, %sub3A_54 : i32
      %add3A_1001 = arith.constant 16 : i32
      %add3A_1002 = arith.addi %mul3A_1000, %add3A_1001 : i32
      %add3A_1003 = arith.addi %add3A_982, %add3A_1002 : i32
      %get3A_1004 = arith.index_cast %add3A_1003 : i32 to index
      %get3A_1005 = tpu.vector_load %arg4[%get3A_1004] {strides = array<i32>} : memref<4224xf32, #tpu.memory_space<vmem>>, vector<16xf32>,
      %get3A_1006 = vector.shape_cast %get3A_1005 : vector<16xf32> to vector<16xf32>
      %swap3A_1007 = arith.constant 0 : i32
      %swap3A_1008 = arith.constant 7 : i32
      %swap3A_1009 = arith.index_cast %swap3A_1007 : i32 to index
      %swap3A_1010 = arith.index_cast %swap3A_1008 : i32 to index
      %swap3A_1011 = arith.index_cast %add3A_1002 : i32 to index
      %swap3A_1012 = tpu.vector_load %arg5[%swap3A_1009, %swap3A_1010, %swap3A_1011] {strides = array<i32>} : memref<2x8x4096xf32, #tpu.memory_space<vmem>>, vector<1x1x16xf32>,
      %swap3A_1013 = vector.shape_cast %swap3A_1012 : vector<1x1x16xf32> to vector<16xf32>
      %swap3A_1014 = vector.shape_cast %get3A_1006 : vector<16xf32> to vector<1x1x16xf32>
      tpu.vector_store %arg5[%swap3A_1009, %swap3A_1010, %swap3A_1011], %swap3A_1014 {strides = array<i32>} : memref<2x8x4096xf32, #tpu.memory_space<vmem>>, vector<1x1x16xf32>,
      %mul3A_1015 = arith.constant 128 : i32
      %mul3A_1016 = arith.muli %mul3A_1015, %sub3A_54 : i32
      %add3A_1017 = arith.constant 32 : i32
      %add3A_1018 = arith.addi %mul3A_1016, %add3A_1017 : i32
      %add3A_1019 = arith.addi %add3A_982, %add3A_1018 : i32
      %get3A_1020 = arith.index_cast %add3A_1019 : i32 to index
      %get3A_1021 = tpu.vector_load %arg4[%get3A_1020] {strides = array<i32>} : memref<4224xf32, #tpu.memory_space<vmem>>, vector<16xf32>,
      %get3A_1022 = vector.shape_cast %get3A_1021 : vector<16xf32> to vector<16xf32>
      %swap3A_1023 = arith.constant 0 : i32
      %swap3A_1024 = arith.constant 7 : i32
      %swap3A_1025 = arith.index_cast %swap3A_1023 : i32 to index
      %swap3A_1026 = arith.index_cast %swap3A_1024 : i32 to index
      %swap3A_1027 = arith.index_cast %add3A_1018 : i32 to index
      %swap3A_1028 = tpu.vector_load %arg5[%swap3A_1025, %swap3A_1026, %swap3A_1027] {strides = array<i32>} : memref<2x8x4096xf32, #tpu.memory_space<vmem>>, vector<1x1x16xf32>,
      %swap3A_1029 = vector.shape_cast %swap3A_1028 : vector<1x1x16xf32> to vector<16xf32>
      %swap3A_1030 = vector.shape_cast %get3A_1022 : vector<16xf32> to vector<1x1x16xf32>
      tpu.vector_store %arg5[%swap3A_1025, %swap3A_1026, %swap3A_1027], %swap3A_1030 {strides = array<i32>} : memref<2x8x4096xf32, #tpu.memory_space<vmem>>, vector<1x1x16xf32>,
      %mul3A_1031 = arith.constant 128 : i32
      %mul3A_1032 = arith.muli %mul3A_1031, %sub3A_54 : i32
      %add3A_1033 = arith.constant 48 : i32
      %add3A_1034 = arith.addi %mul3A_1032, %add3A_1033 : i32
      %add3A_1035 = arith.addi %add3A_982, %add3A_1034 : i32
      %get3A_1036 = arith.index_cast %add3A_1035 : i32 to index
      %get3A_1037 = tpu.vector_load %arg4[%get3A_1036] {strides = array<i32>} : memref<4224xf32, #tpu.memory_space<vmem>>, vector<16xf32>,
      %get3A_1038 = vector.shape_cast %get3A_1037 : vector<16xf32> to vector<16xf32>
      %swap3A_1039 = arith.constant 0 : i32
      %swap3A_1040 = arith.constant 7 : i32
      %swap3A_1041 = arith.index_cast %swap3A_1039 : i32 to index
      %swap3A_1042 = arith.index_cast %swap3A_1040 : i32 to index
      %swap3A_1043 = arith.index_cast %add3A_1034 : i32 to index
      %swap3A_1044 = tpu.vector_load %arg5[%swap3A_1041, %swap3A_1042, %swap3A_1043] {strides = array<i32>} : memref<2x8x4096xf32, #tpu.memory_space<vmem>>, vector<1x1x16xf32>,
      %swap3A_1045 = vector.shape_cast %swap3A_1044 : vector<1x1x16xf32> to vector<16xf32>
      %swap3A_1046 = vector.shape_cast %get3A_1038 : vector<16xf32> to vector<1x1x16xf32>
      tpu.vector_store %arg5[%swap3A_1041, %swap3A_1042, %swap3A_1043], %swap3A_1046 {strides = array<i32>} : memref<2x8x4096xf32, #tpu.memory_space<vmem>>, vector<1x1x16xf32>,
      %mul3A_1047 = arith.constant 128 : i32
      %mul3A_1048 = arith.muli %mul3A_1047, %sub3A_54 : i32
      %add3A_1049 = arith.constant 64 : i32
      %add3A_1050 = arith.addi %mul3A_1048, %add3A_1049 : i32
      %add3A_1051 = arith.addi %add3A_982, %add3A_1050 : i32
      %get3A_1052 = arith.index_cast %add3A_1051 : i32 to index
      %get3A_1053 = tpu.vector_load %arg4[%get3A_1052] {strides = array<i32>} : memref<4224xf32, #tpu.memory_space<vmem>>, vector<16xf32>,
      %get3A_1054 = vector.shape_cast %get3A_1053 : vector<16xf32> to vector<16xf32>
      %swap3A_1055 = arith.constant 0 : i32
      %swap3A_1056 = arith.constant 7 : i32
      %swap3A_1057 = arith.index_cast %swap3A_1055 : i32 to index
      %swap3A_1058 = arith.index_cast %swap3A_1056 : i32 to index
      %swap3A_1059 = arith.index_cast %add3A_1050 : i32 to index
      %swap3A_1060 = tpu.vector_load %arg5[%swap3A_1057, %swap3A_1058, %swap3A_1059] {strides = array<i32>} : memref<2x8x4096xf32, #tpu.memory_space<vmem>>, vector<1x1x16xf32>,
      %swap3A_1061 = vector.shape_cast %swap3A_1060 : vector<1x1x16xf32> to vector<16xf32>
      %swap3A_1062 = vector.shape_cast %get3A_1054 : vector<16xf32> to vector<1x1x16xf32>
      tpu.vector_store %arg5[%swap3A_1057, %swap3A_1058, %swap3A_1059], %swap3A_1062 {strides = array<i32>} : memref<2x8x4096xf32, #tpu.memory_space<vmem>>, vector<1x1x16xf32>,
      %mul3A_1063 = arith.constant 128 : i32
      %mul3A_1064 = arith.muli %mul3A_1063, %sub3A_54 : i32
      %add3A_1065 = arith.constant 80 : i32
      %add3A_1066 = arith.addi %mul3A_1064, %add3A_1065 : i32
      %add3A_1067 = arith.addi %add3A_982, %add3A_1066 : i32
      %get3A_1068 = arith.index_cast %add3A_1067 : i32 to index
      %get3A_1069 = tpu.vector_load %arg4[%get3A_1068] {strides = array<i32>} : memref<4224xf32, #tpu.memory_space<vmem>>, vector<16xf32>,
      %get3A_1070 = vector.shape_cast %get3A_1069 : vector<16xf32> to vector<16xf32>
      %swap3A_1071 = arith.constant 0 : i32
      %swap3A_1072 = arith.constant 7 : i32
      %swap3A_1073 = arith.index_cast %swap3A_1071 : i32 to index
      %swap3A_1074 = arith.index_cast %swap3A_1072 : i32 to index
      %swap3A_1075 = arith.index_cast %add3A_1066 : i32 to index
      %swap3A_1076 = tpu.vector_load %arg5[%swap3A_1073, %swap3A_1074, %swap3A_1075] {strides = array<i32>} : memref<2x8x4096xf32, #tpu.memory_space<vmem>>, vector<1x1x16xf32>,
      %swap3A_1077 = vector.shape_cast %swap3A_1076 : vector<1x1x16xf32> to vector<16xf32>
      %swap3A_1078 = vector.shape_cast %get3A_1070 : vector<16xf32> to vector<1x1x16xf32>
      tpu.vector_store %arg5[%swap3A_1073, %swap3A_1074, %swap3A_1075], %swap3A_1078 {strides = array<i32>} : memref<2x8x4096xf32, #tpu.memory_space<vmem>>, vector<1x1x16xf32>,
      %mul3A_1079 = arith.constant 128 : i32
      %mul3A_1080 = arith.muli %mul3A_1079, %sub3A_54 : i32
      %add3A_1081 = arith.constant 96 : i32
      %add3A_1082 = arith.addi %mul3A_1080, %add3A_1081 : i32
      %add3A_1083 = arith.addi %add3A_982, %add3A_1082 : i32
      %get3A_1084 = arith.index_cast %add3A_1083 : i32 to index
      %get3A_1085 = tpu.vector_load %arg4[%get3A_1084] {strides = array<i32>} : memref<4224xf32, #tpu.memory_space<vmem>>, vector<16xf32>,
      %get3A_1086 = vector.shape_cast %get3A_1085 : vector<16xf32> to vector<16xf32>
      %swap3A_1087 = arith.constant 0 : i32
      %swap3A_1088 = arith.constant 7 : i32
      %swap3A_1089 = arith.index_cast %swap3A_1087 : i32 to index
      %swap3A_1090 = arith.index_cast %swap3A_1088 : i32 to index
      %swap3A_1091 = arith.index_cast %add3A_1082 : i32 to index
      %swap3A_1092 = tpu.vector_load %arg5[%swap3A_1089, %swap3A_1090, %swap3A_1091] {strides = array<i32>} : memref<2x8x4096xf32, #tpu.memory_space<vmem>>, vector<1x1x16xf32>,
      %swap3A_1093 = vector.shape_cast %swap3A_1092 : vector<1x1x16xf32> to vector<16xf32>
      %swap3A_1094 = vector.shape_cast %get3A_1086 : vector<16xf32> to vector<1x1x16xf32>
      tpu.vector_store %arg5[%swap3A_1089, %swap3A_1090, %swap3A_1091], %swap3A_1094 {strides = array<i32>} : memref<2x8x4096xf32, #tpu.memory_space<vmem>>, vector<1x1x16xf32>,
      %mul3A_1095 = arith.constant 128 : i32
      %mul3A_1096 = arith.muli %mul3A_1095, %sub3A_54 : i32
      %add3A_1097 = arith.constant 112 : i32
      %add3A_1098 = arith.addi %mul3A_1096, %add3A_1097 : i32
      %add3A_1099 = arith.addi %add3A_982, %add3A_1098 : i32
      %get3A_1100 = arith.index_cast %add3A_1099 : i32 to index
      %get3A_1101 = tpu.vector_load %arg4[%get3A_1100] {strides = array<i32>} : memref<4224xf32, #tpu.memory_space<vmem>>, vector<16xf32>,
      %get3A_1102 = vector.shape_cast %get3A_1101 : vector<16xf32> to vector<16xf32>
      %swap3A_1103 = arith.constant 0 : i32
      %swap3A_1104 = arith.constant 7 : i32
      %swap3A_1105 = arith.index_cast %swap3A_1103 : i32 to index
      %swap3A_1106 = arith.index_cast %swap3A_1104 : i32 to index
      %swap3A_1107 = arith.index_cast %add3A_1098 : i32 to index
      %swap3A_1108 = tpu.vector_load %arg5[%swap3A_1105, %swap3A_1106, %swap3A_1107] {strides = array<i32>} : memref<2x8x4096xf32, #tpu.memory_space<vmem>>, vector<1x1x16xf32>,
      %swap3A_1109 = vector.shape_cast %swap3A_1108 : vector<1x1x16xf32> to vector<16xf32>
      %swap3A_1110 = vector.shape_cast %get3A_1102 : vector<16xf32> to vector<1x1x16xf32>
      tpu.vector_store %arg5[%swap3A_1105, %swap3A_1106, %swap3A_1107], %swap3A_1110 {strides = array<i32>} : memref<2x8x4096xf32, #tpu.memory_space<vmem>>, vector<1x1x16xf32>,
      %ge3A = arith.constant 15 : i32
      %ge3A_1111 = arith.cmpi sge, %scan3A_52, %ge3A : i32
      %convert_element_type3A = arith.extui %ge3A_1111 : i1 to i32
      %cond3A = arith.constant 0 : i32
      %cond3A_1112 = arith.cmpi ne, %convert_element_type3A, %cond3A : i32
      scf.if %cond3A_1112 {
        %sub3A_1113 = arith.constant 15 : i32
        %sub3A_1114 = arith.subi %scan3A_52, %sub3A_1113 : i32
        %add3A_1115 = arith.constant 0 : i32
        %add3A_1116 = arith.addi %add3A_1115, %sub3A_32 : i32
        %sub3A_1117 = arith.constant 15 : i32
        %sub3A_1118 = arith.subi %sub3A_1117, %add3A_1116 : i32
        %sub3A_1119 = arith.constant 15 : i32
        %sub3A_1120 = arith.subi %sub3A_1119, %sub3A_1114 : i32
        %mul3A_1121 = arith.constant 128 : i32
        %mul3A_1122 = arith.muli %mul3A_1121, %sub3A_1120 : i32
        %multiple_of3A_1123 = tpu.assume_multiple %mul3A_1122, 128 : i32
        %mul3A_1124 = arith.constant 16 : i32
        %mul3A_1125 = arith.muli %mul3A_1124, %sub3A_1114 : i32
        %add3A_1126 = arith.addi %sub3A_1118, %mul3A_1125 : i32
        %mul3A_1127 = arith.constant 8 : i32
        %mul3A_1128 = arith.muli %mul3A_1127, %add3A_1126 : i32
        %multiple_of3A_1129 = tpu.assume_multiple %mul3A_1128, 8 : i32
        %dma_start3A = arith.constant 0 : i32
        %dma_start3A_1130 = arith.constant 0 : i32
        %dma_start3A_1131 = tpu.memref_slice %arg5[%dma_start3A, %dma_start3A_1130, %multiple_of3A_1123] : memref<2x8x4096xf32, #tpu.memory_space<vmem>> -> memref<1x8x2048xf32, #tpu.memory_space<vmem>>
        %dma_start3A_1132 = tpu.memref_squeeze %dma_start3A_1131 : memref<1x8x2048xf32, #tpu.memory_space<vmem>> -> memref<8x2048xf32, #tpu.memory_space<vmem>>
        %dma_start3A_1133 = arith.constant 0 : i32
        %dma_start3A_1134 = tpu.memref_slice %arg3[%select_n3A, %multiple_of3A_1129, %dma_start3A_1133] : memref<16x2048x2048xf32, #tpu.memory_space<hbm>> -> memref<1x8x2048xf32, #tpu.memory_space<hbm>>
        %dma_start3A_1135 = tpu.memref_squeeze %dma_start3A_1134 : memref<1x8x2048xf32, #tpu.memory_space<hbm>> -> memref<8x2048xf32, #tpu.memory_space<hbm>>
        %dma_start3A_1136 = arith.constant 0 : i32
        %dma_start3A_1137 = tpu.memref_slice %arg3[%select_n3A, %multiple_of3A_1129, %dma_start3A_1136] : memref<16x2048x2048xf32, #tpu.memory_space<hbm>> -> memref<1x8x2048xf32, #tpu.memory_space<hbm>>
        %dma_start3A_1138 = tpu.memref_squeeze %dma_start3A_1137 : memref<1x8x2048xf32, #tpu.memory_space<hbm>> -> memref<8x2048xf32, #tpu.memory_space<hbm>>
        %dma_start3A_1139 = arith.constant 0 : i32
        %dma_start3A_1140 = tpu.memref_slice %arg5[%dma_start3A, %dma_start3A_1139, %multiple_of3A_1123] : memref<2x8x4096xf32, #tpu.memory_space<vmem>> -> memref<1x8x2048xf32, #tpu.memory_space<vmem>>
        %dma_start3A_1141 = tpu.memref_squeeze %dma_start3A_1140 : memref<1x8x2048xf32, #tpu.memory_space<vmem>> -> memref<8x2048xf32, #tpu.memory_space<vmem>>
        tpu.enqueue_dma source(%dma_start3A_1141 : memref<8x2048xf32, #tpu.memory_space<vmem>>) target(%dma_start3A_1138 : memref<8x2048xf32, #tpu.memory_space<hbm>>) target_semaphore(%arg6 : memref<!tpu.dma_semaphore, #tpu.memory_space<semaphore_mem>>)
      } else {
      }
    }
    %scan3A_39 = arith.constant 31 : i32
    %scan3A_40 = arith.constant 0 : i32
    %scan3A_41 = arith.constant 1 : i32
    %scan3A_42 = arith.constant 7 : i32
    %scan3A_43 = arith.addi %scan3A_41, %scan3A_42 : i32
    %scan3A_44 = arith.constant 1 : i32
    scf.for %scan3A_52 = %scan3A_41 to %scan3A_43 step %scan3A_44  : i32 {
      %rem3A_53 = arith.constant 2 : i32
      %rem3A_54 = arith.remsi %scan3A_52, %rem3A_53 : i32
      %scan3A_55 = arith.constant 0 : i32
      %scan3A_56 = arith.constant 0 : i32
      %scan3A_57 = arith.constant 32 : i32
      %scan3A_58 = arith.addi %scan3A_56, %scan3A_57 : i32
      %scan3A_59 = arith.constant 1 : i32
      scf.for %scan3A_73 = %scan3A_56 to %scan3A_58 step %scan3A_59  : i32 {
        %mul3A_74 = arith.constant 2 : i32
        %mul3A_75 = arith.muli %mul3A_74, %scan3A_52 : i32
        %add3A_76 = arith.addi %mul3A_75, %sub3A_32 : i32
        %mul3A_77 = arith.constant 8 : i32
        %mul3A_78 = arith.muli %mul3A_77, %add3A_76 : i32
        %add3A_79 = arith.constant 7 : i32
        %add3A_80 = arith.addi %mul3A_78, %add3A_79 : i32
        %mul3A_81 = arith.constant 128 : i32
        %mul3A_82 = arith.muli %mul3A_81, %scan3A_73 : i32
        %add3A_83 = arith.constant 0 : i32
        %add3A_84 = arith.addi %mul3A_82, %add3A_83 : i32
        %add3A_85 = arith.addi %add3A_80, %add3A_84 : i32
        %get3A = arith.index_cast %add3A_85 : i32 to index
        %get3A_86 = tpu.vector_load %arg4[%get3A] {strides = array<i32>} : memref<4224xf32, #tpu.memory_space<vmem>>, vector<16xf32>,
        %get3A_87 = vector.shape_cast %get3A_86 : vector<16xf32> to vector<16xf32>
        %swap3A = arith.constant 0 : i32
        %swap3A_88 = arith.index_cast %rem3A_54 : i32 to index
        %swap3A_89 = arith.index_cast %swap3A : i32 to index
        %swap3A_90 = arith.index_cast %add3A_84 : i32 to index
        %swap3A_91 = tpu.vector_load %arg5[%swap3A_88, %swap3A_89, %swap3A_90] {strides = array<i32>} : memref<2x8x4096xf32, #tpu.memory_space<vmem>>, vector<1x1x16xf32>,
        %swap3A_92 = vector.shape_cast %swap3A_91 : vector<1x1x16xf32> to vector<16xf32>
        %swap3A_93 = vector.shape_cast %get3A_87 : vector<16xf32> to vector<1x1x16xf32>
        tpu.vector_store %arg5[%swap3A_88, %swap3A_89, %swap3A_90], %swap3A_93 {strides = array<i32>} : memref<2x8x4096xf32, #tpu.memory_space<vmem>>, vector<1x1x16xf32>,
        %mul3A_94 = arith.constant 128 : i32
        %mul3A_95 = arith.muli %mul3A_94, %scan3A_73 : i32
        %add3A_96 = arith.constant 16 : i32
        %add3A_97 = arith.addi %mul3A_95, %add3A_96 : i32
        %add3A_98 = arith.addi %add3A_80, %add3A_97 : i32
        %get3A_99 = arith.index_cast %add3A_98 : i32 to index
        %get3A_100 = tpu.vector_load %arg4[%get3A_99] {strides = array<i32>} : memref<4224xf32, #tpu.memory_space<vmem>>, vector<16xf32>,
        %get3A_101 = vector.shape_cast %get3A_100 : vector<16xf32> to vector<16xf32>
        %swap3A_102 = arith.constant 0 : i32
        %swap3A_103 = arith.index_cast %rem3A_54 : i32 to index
        %swap3A_104 = arith.index_cast %swap3A_102 : i32 to index
        %swap3A_105 = arith.index_cast %add3A_97 : i32 to index
        %swap3A_106 = tpu.vector_load %arg5[%swap3A_103, %swap3A_104, %swap3A_105] {strides = array<i32>} : memref<2x8x4096xf32, #tpu.memory_space<vmem>>, vector<1x1x16xf32>,
        %swap3A_107 = vector.shape_cast %swap3A_106 : vector<1x1x16xf32> to vector<16xf32>
        %swap3A_108 = vector.shape_cast %get3A_101 : vector<16xf32> to vector<1x1x16xf32>
        tpu.vector_store %arg5[%swap3A_103, %swap3A_104, %swap3A_105], %swap3A_108 {strides = array<i32>} : memref<2x8x4096xf32, #tpu.memory_space<vmem>>, vector<1x1x16xf32>,
        %mul3A_109 = arith.constant 128 : i32
        %mul3A_110 = arith.muli %mul3A_109, %scan3A_73 : i32
        %add3A_111 = arith.constant 32 : i32
        %add3A_112 = arith.addi %mul3A_110, %add3A_111 : i32
        %add3A_113 = arith.addi %add3A_80, %add3A_112 : i32
        %get3A_114 = arith.index_cast %add3A_113 : i32 to index
        %get3A_115 = tpu.vector_load %arg4[%get3A_114] {strides = array<i32>} : memref<4224xf32, #tpu.memory_space<vmem>>, vector<16xf32>,
        %get3A_116 = vector.shape_cast %get3A_115 : vector<16xf32> to vector<16xf32>
        %swap3A_117 = arith.constant 0 : i32
        %swap3A_118 = arith.index_cast %rem3A_54 : i32 to index
        %swap3A_119 = arith.index_cast %swap3A_117 : i32 to index
        %swap3A_120 = arith.index_cast %add3A_112 : i32 to index
        %swap3A_121 = tpu.vector_load %arg5[%swap3A_118, %swap3A_119, %swap3A_120] {strides = array<i32>} : memref<2x8x4096xf32, #tpu.memory_space<vmem>>, vector<1x1x16xf32>,
        %swap3A_122 = vector.shape_cast %swap3A_121 : vector<1x1x16xf32> to vector<16xf32>
        %swap3A_123 = vector.shape_cast %get3A_116 : vector<16xf32> to vector<1x1x16xf32>
        tpu.vector_store %arg5[%swap3A_118, %swap3A_119, %swap3A_120], %swap3A_123 {strides = array<i32>} : memref<2x8x4096xf32, #tpu.memory_space<vmem>>, vector<1x1x16xf32>,
        %mul3A_124 = arith.constant 128 : i32
        %mul3A_125 = arith.muli %mul3A_124, %scan3A_73 : i32
        %add3A_126 = arith.constant 48 : i32
        %add3A_127 = arith.addi %mul3A_125, %add3A_126 : i32
        %add3A_128 = arith.addi %add3A_80, %add3A_127 : i32
        %get3A_129 = arith.index_cast %add3A_128 : i32 to index
        %get3A_130 = tpu.vector_load %arg4[%get3A_129] {strides = array<i32>} : memref<4224xf32, #tpu.memory_space<vmem>>, vector<16xf32>,
        %get3A_131 = vector.shape_cast %get3A_130 : vector<16xf32> to vector<16xf32>
        %swap3A_132 = arith.constant 0 : i32
        %swap3A_133 = arith.index_cast %rem3A_54 : i32 to index
        %swap3A_134 = arith.index_cast %swap3A_132 : i32 to index
        %swap3A_135 = arith.index_cast %add3A_127 : i32 to index
        %swap3A_136 = tpu.vector_load %arg5[%swap3A_133, %swap3A_134, %swap3A_135] {strides = array<i32>} : memref<2x8x4096xf32, #tpu.memory_space<vmem>>, vector<1x1x16xf32>,
        %swap3A_137 = vector.shape_cast %swap3A_136 : vector<1x1x16xf32> to vector<16xf32>
        %swap3A_138 = vector.shape_cast %get3A_131 : vector<16xf32> to vector<1x1x16xf32>
        tpu.vector_store %arg5[%swap3A_133, %swap3A_134, %swap3A_135], %swap3A_138 {strides = array<i32>} : memref<2x8x4096xf32, #tpu.memory_space<vmem>>, vector<1x1x16xf32>,
        %mul3A_139 = arith.constant 128 : i32
        %mul3A_140 = arith.muli %mul3A_139, %scan3A_73 : i32
        %add3A_141 = arith.constant 64 : i32
        %add3A_142 = arith.addi %mul3A_140, %add3A_141 : i32
        %add3A_143 = arith.addi %add3A_80, %add3A_142 : i32
        %get3A_144 = arith.index_cast %add3A_143 : i32 to index
        %get3A_145 = tpu.vector_load %arg4[%get3A_144] {strides = array<i32>} : memref<4224xf32, #tpu.memory_space<vmem>>, vector<16xf32>,
        %get3A_146 = vector.shape_cast %get3A_145 : vector<16xf32> to vector<16xf32>
        %swap3A_147 = arith.constant 0 : i32
        %swap3A_148 = arith.index_cast %rem3A_54 : i32 to index
        %swap3A_149 = arith.index_cast %swap3A_147 : i32 to index
        %swap3A_150 = arith.index_cast %add3A_142 : i32 to index
        %swap3A_151 = tpu.vector_load %arg5[%swap3A_148, %swap3A_149, %swap3A_150] {strides = array<i32>} : memref<2x8x4096xf32, #tpu.memory_space<vmem>>, vector<1x1x16xf32>,
        %swap3A_152 = vector.shape_cast %swap3A_151 : vector<1x1x16xf32> to vector<16xf32>
        %swap3A_153 = vector.shape_cast %get3A_146 : vector<16xf32> to vector<1x1x16xf32>
        tpu.vector_store %arg5[%swap3A_148, %swap3A_149, %swap3A_150], %swap3A_153 {strides = array<i32>} : memref<2x8x4096xf32, #tpu.memory_space<vmem>>, vector<1x1x16xf32>,
        %mul3A_154 = arith.constant 128 : i32
        %mul3A_155 = arith.muli %mul3A_154, %scan3A_73 : i32
        %add3A_156 = arith.constant 80 : i32
        %add3A_157 = arith.addi %mul3A_155, %add3A_156 : i32
        %add3A_158 = arith.addi %add3A_80, %add3A_157 : i32
        %get3A_159 = arith.index_cast %add3A_158 : i32 to index
        %get3A_160 = tpu.vector_load %arg4[%get3A_159] {strides = array<i32>} : memref<4224xf32, #tpu.memory_space<vmem>>, vector<16xf32>,
        %get3A_161 = vector.shape_cast %get3A_160 : vector<16xf32> to vector<16xf32>
        %swap3A_162 = arith.constant 0 : i32
        %swap3A_163 = arith.index_cast %rem3A_54 : i32 to index
        %swap3A_164 = arith.index_cast %swap3A_162 : i32 to index
        %swap3A_165 = arith.index_cast %add3A_157 : i32 to index
        %swap3A_166 = tpu.vector_load %arg5[%swap3A_163, %swap3A_164, %swap3A_165] {strides = array<i32>} : memref<2x8x4096xf32, #tpu.memory_space<vmem>>, vector<1x1x16xf32>,
        %swap3A_167 = vector.shape_cast %swap3A_166 : vector<1x1x16xf32> to vector<16xf32>
        %swap3A_168 = vector.shape_cast %get3A_161 : vector<16xf32> to vector<1x1x16xf32>
        tpu.vector_store %arg5[%swap3A_163, %swap3A_164, %swap3A_165], %swap3A_168 {strides = array<i32>} : memref<2x8x4096xf32, #tpu.memory_space<vmem>>, vector<1x1x16xf32>,
        %mul3A_169 = arith.constant 128 : i32
        %mul3A_170 = arith.muli %mul3A_169, %scan3A_73 : i32
        %add3A_171 = arith.constant 96 : i32
        %add3A_172 = arith.addi %mul3A_170, %add3A_171 : i32
        %add3A_173 = arith.addi %add3A_80, %add3A_172 : i32
        %get3A_174 = arith.index_cast %add3A_173 : i32 to index
        %get3A_175 = tpu.vector_load %arg4[%get3A_174] {strides = array<i32>} : memref<4224xf32, #tpu.memory_space<vmem>>, vector<16xf32>,
        %get3A_176 = vector.shape_cast %get3A_175 : vector<16xf32> to vector<16xf32>
        %swap3A_177 = arith.constant 0 : i32
        %swap3A_178 = arith.index_cast %rem3A_54 : i32 to index
        %swap3A_179 = arith.index_cast %swap3A_177 : i32 to index
        %swap3A_180 = arith.index_cast %add3A_172 : i32 to index
        %swap3A_181 = tpu.vector_load %arg5[%swap3A_178, %swap3A_179, %swap3A_180] {strides = array<i32>} : memref<2x8x4096xf32, #tpu.memory_space<vmem>>, vector<1x1x16xf32>,
        %swap3A_182 = vector.shape_cast %swap3A_181 : vector<1x1x16xf32> to vector<16xf32>
        %swap3A_183 = vector.shape_cast %get3A_176 : vector<16xf32> to vector<1x1x16xf32>
        tpu.vector_store %arg5[%swap3A_178, %swap3A_179, %swap3A_180], %swap3A_183 {strides = array<i32>} : memref<2x8x4096xf32, #tpu.memory_space<vmem>>, vector<1x1x16xf32>,
        %mul3A_184 = arith.constant 128 : i32
        %mul3A_185 = arith.muli %mul3A_184, %scan3A_73 : i32
        %add3A_186 = arith.constant 112 : i32
        %add3A_187 = arith.addi %mul3A_185, %add3A_186 : i32
        %add3A_188 = arith.addi %add3A_80, %add3A_187 : i32
        %get3A_189 = arith.index_cast %add3A_188 : i32 to index
        %get3A_190 = tpu.vector_load %arg4[%get3A_189] {strides = array<i32>} : memref<4224xf32, #tpu.memory_space<vmem>>, vector<16xf32>,
        %get3A_191 = vector.shape_cast %get3A_190 : vector<16xf32> to vector<16xf32>
        %swap3A_192 = arith.constant 0 : i32
        %swap3A_193 = arith.index_cast %rem3A_54 : i32 to index
        %swap3A_194 = arith.index_cast %swap3A_192 : i32 to index
        %swap3A_195 = arith.index_cast %add3A_187 : i32 to index
        %swap3A_196 = tpu.vector_load %arg5[%swap3A_193, %swap3A_194, %swap3A_195] {strides = array<i32>} : memref<2x8x4096xf32, #tpu.memory_space<vmem>>, vector<1x1x16xf32>,
        %swap3A_197 = vector.shape_cast %swap3A_196 : vector<1x1x16xf32> to vector<16xf32>
        %swap3A_198 = vector.shape_cast %get3A_191 : vector<16xf32> to vector<1x1x16xf32>
        tpu.vector_store %arg5[%swap3A_193, %swap3A_194, %swap3A_195], %swap3A_198 {strides = array<i32>} : memref<2x8x4096xf32, #tpu.memory_space<vmem>>, vector<1x1x16xf32>,
        %mul3A_199 = arith.constant 8 : i32
        %mul3A_200 = arith.muli %mul3A_199, %add3A_76 : i32
        %add3A_201 = arith.constant 6 : i32
        %add3A_202 = arith.addi %mul3A_200, %add3A_201 : i32
        %mul3A_203 = arith.constant 128 : i32
        %mul3A_204 = arith.muli %mul3A_203, %scan3A_73 : i32
        %add3A_205 = arith.constant 0 : i32
        %add3A_206 = arith.addi %mul3A_204, %add3A_205 : i32
        %add3A_207 = arith.addi %add3A_202, %add3A_206 : i32
        %get3A_208 = arith.index_cast %add3A_207 : i32 to index
        %get3A_209 = tpu.vector_load %arg4[%get3A_208] {strides = array<i32>} : memref<4224xf32, #tpu.memory_space<vmem>>, vector<16xf32>,
        %get3A_210 = vector.shape_cast %get3A_209 : vector<16xf32> to vector<16xf32>
        %swap3A_211 = arith.constant 1 : i32
        %swap3A_212 = arith.index_cast %rem3A_54 : i32 to index
        %swap3A_213 = arith.index_cast %swap3A_211 : i32 to index
        %swap3A_214 = arith.index_cast %add3A_206 : i32 to index
        %swap3A_215 = tpu.vector_load %arg5[%swap3A_212, %swap3A_213, %swap3A_214] {strides = array<i32>} : memref<2x8x4096xf32, #tpu.memory_space<vmem>>, vector<1x1x16xf32>,
        %swap3A_216 = vector.shape_cast %swap3A_215 : vector<1x1x16xf32> to vector<16xf32>
        %swap3A_217 = vector.shape_cast %get3A_210 : vector<16xf32> to vector<1x1x16xf32>
        tpu.vector_store %arg5[%swap3A_212, %swap3A_213, %swap3A_214], %swap3A_217 {strides = array<i32>} : memref<2x8x4096xf32, #tpu.memory_space<vmem>>, vector<1x1x16xf32>,
        %mul3A_218 = arith.constant 128 : i32
        %mul3A_219 = arith.muli %mul3A_218, %scan3A_73 : i32
        %add3A_220 = arith.constant 16 : i32
        %add3A_221 = arith.addi %mul3A_219, %add3A_220 : i32
        %add3A_222 = arith.addi %add3A_202, %add3A_221 : i32
        %get3A_223 = arith.index_cast %add3A_222 : i32 to index
        %get3A_224 = tpu.vector_load %arg4[%get3A_223] {strides = array<i32>} : memref<4224xf32, #tpu.memory_space<vmem>>, vector<16xf32>,
        %get3A_225 = vector.shape_cast %get3A_224 : vector<16xf32> to vector<16xf32>
        %swap3A_226 = arith.constant 1 : i32
        %swap3A_227 = arith.index_cast %rem3A_54 : i32 to index
        %swap3A_228 = arith.index_cast %swap3A_226 : i32 to index
        %swap3A_229 = arith.index_cast %add3A_221 : i32 to index
        %swap3A_230 = tpu.vector_load %arg5[%swap3A_227, %swap3A_228, %swap3A_229] {strides = array<i32>} : memref<2x8x4096xf32, #tpu.memory_space<vmem>>, vector<1x1x16xf32>,
        %swap3A_231 = vector.shape_cast %swap3A_230 : vector<1x1x16xf32> to vector<16xf32>
        %swap3A_232 = vector.shape_cast %get3A_225 : vector<16xf32> to vector<1x1x16xf32>
        tpu.vector_store %arg5[%swap3A_227, %swap3A_228, %swap3A_229], %swap3A_232 {strides = array<i32>} : memref<2x8x4096xf32, #tpu.memory_space<vmem>>, vector<1x1x16xf32>,
        %mul3A_233 = arith.constant 128 : i32
        %mul3A_234 = arith.muli %mul3A_233, %scan3A_73 : i32
        %add3A_235 = arith.constant 32 : i32
        %add3A_236 = arith.addi %mul3A_234, %add3A_235 : i32
        %add3A_237 = arith.addi %add3A_202, %add3A_236 : i32
        %get3A_238 = arith.index_cast %add3A_237 : i32 to index
        %get3A_239 = tpu.vector_load %arg4[%get3A_238] {strides = array<i32>} : memref<4224xf32, #tpu.memory_space<vmem>>, vector<16xf32>,
        %get3A_240 = vector.shape_cast %get3A_239 : vector<16xf32> to vector<16xf32>
        %swap3A_241 = arith.constant 1 : i32
        %swap3A_242 = arith.index_cast %rem3A_54 : i32 to index
        %swap3A_243 = arith.index_cast %swap3A_241 : i32 to index
        %swap3A_244 = arith.index_cast %add3A_236 : i32 to index
        %swap3A_245 = tpu.vector_load %arg5[%swap3A_242, %swap3A_243, %swap3A_244] {strides = array<i32>} : memref<2x8x4096xf32, #tpu.memory_space<vmem>>, vector<1x1x16xf32>,
        %swap3A_246 = vector.shape_cast %swap3A_245 : vector<1x1x16xf32> to vector<16xf32>
        %swap3A_247 = vector.shape_cast %get3A_240 : vector<16xf32> to vector<1x1x16xf32>
        tpu.vector_store %arg5[%swap3A_242, %swap3A_243, %swap3A_244], %swap3A_247 {strides = array<i32>} : memref<2x8x4096xf32, #tpu.memory_space<vmem>>, vector<1x1x16xf32>,
        %mul3A_248 = arith.constant 128 : i32
        %mul3A_249 = arith.muli %mul3A_248, %scan3A_73 : i32
        %add3A_250 = arith.constant 48 : i32
        %add3A_251 = arith.addi %mul3A_249, %add3A_250 : i32
        %add3A_252 = arith.addi %add3A_202, %add3A_251 : i32
        %get3A_253 = arith.index_cast %add3A_252 : i32 to index
        %get3A_254 = tpu.vector_load %arg4[%get3A_253] {strides = array<i32>} : memref<4224xf32, #tpu.memory_space<vmem>>, vector<16xf32>,
        %get3A_255 = vector.shape_cast %get3A_254 : vector<16xf32> to vector<16xf32>
        %swap3A_256 = arith.constant 1 : i32
        %swap3A_257 = arith.index_cast %rem3A_54 : i32 to index
        %swap3A_258 = arith.index_cast %swap3A_256 : i32 to index
        %swap3A_259 = arith.index_cast %add3A_251 : i32 to index
        %swap3A_260 = tpu.vector_load %arg5[%swap3A_257, %swap3A_258, %swap3A_259] {strides = array<i32>} : memref<2x8x4096xf32, #tpu.memory_space<vmem>>, vector<1x1x16xf32>,
        %swap3A_261 = vector.shape_cast %swap3A_260 : vector<1x1x16xf32> to vector<16xf32>
        %swap3A_262 = vector.shape_cast %get3A_255 : vector<16xf32> to vector<1x1x16xf32>
        tpu.vector_store %arg5[%swap3A_257, %swap3A_258, %swap3A_259], %swap3A_262 {strides = array<i32>} : memref<2x8x4096xf32, #tpu.memory_space<vmem>>, vector<1x1x16xf32>,
        %mul3A_263 = arith.constant 128 : i32
        %mul3A_264 = arith.muli %mul3A_263, %scan3A_73 : i32
        %add3A_265 = arith.constant 64 : i32
        %add3A_266 = arith.addi %mul3A_264, %add3A_265 : i32
        %add3A_267 = arith.addi %add3A_202, %add3A_266 : i32
        %get3A_268 = arith.index_cast %add3A_267 : i32 to index
        %get3A_269 = tpu.vector_load %arg4[%get3A_268] {strides = array<i32>} : memref<4224xf32, #tpu.memory_space<vmem>>, vector<16xf32>,
        %get3A_270 = vector.shape_cast %get3A_269 : vector<16xf32> to vector<16xf32>
        %swap3A_271 = arith.constant 1 : i32
        %swap3A_272 = arith.index_cast %rem3A_54 : i32 to index
        %swap3A_273 = arith.index_cast %swap3A_271 : i32 to index
        %swap3A_274 = arith.index_cast %add3A_266 : i32 to index
        %swap3A_275 = tpu.vector_load %arg5[%swap3A_272, %swap3A_273, %swap3A_274] {strides = array<i32>} : memref<2x8x4096xf32, #tpu.memory_space<vmem>>, vector<1x1x16xf32>,
        %swap3A_276 = vector.shape_cast %swap3A_275 : vector<1x1x16xf32> to vector<16xf32>
        %swap3A_277 = vector.shape_cast %get3A_270 : vector<16xf32> to vector<1x1x16xf32>
        tpu.vector_store %arg5[%swap3A_272, %swap3A_273, %swap3A_274], %swap3A_277 {strides = array<i32>} : memref<2x8x4096xf32, #tpu.memory_space<vmem>>, vector<1x1x16xf32>,
        %mul3A_278 = arith.constant 128 : i32
        %mul3A_279 = arith.muli %mul3A_278, %scan3A_73 : i32
        %add3A_280 = arith.constant 80 : i32
        %add3A_281 = arith.addi %mul3A_279, %add3A_280 : i32
        %add3A_282 = arith.addi %add3A_202, %add3A_281 : i32
        %get3A_283 = arith.index_cast %add3A_282 : i32 to index
        %get3A_284 = tpu.vector_load %arg4[%get3A_283] {strides = array<i32>} : memref<4224xf32, #tpu.memory_space<vmem>>, vector<16xf32>,
        %get3A_285 = vector.shape_cast %get3A_284 : vector<16xf32> to vector<16xf32>
        %swap3A_286 = arith.constant 1 : i32
        %swap3A_287 = arith.index_cast %rem3A_54 : i32 to index
        %swap3A_288 = arith.index_cast %swap3A_286 : i32 to index
        %swap3A_289 = arith.index_cast %add3A_281 : i32 to index
        %swap3A_290 = tpu.vector_load %arg5[%swap3A_287, %swap3A_288, %swap3A_289] {strides = array<i32>} : memref<2x8x4096xf32, #tpu.memory_space<vmem>>, vector<1x1x16xf32>,
        %swap3A_291 = vector.shape_cast %swap3A_290 : vector<1x1x16xf32> to vector<16xf32>
        %swap3A_292 = vector.shape_cast %get3A_285 : vector<16xf32> to vector<1x1x16xf32>
        tpu.vector_store %arg5[%swap3A_287, %swap3A_288, %swap3A_289], %swap3A_292 {strides = array<i32>} : memref<2x8x4096xf32, #tpu.memory_space<vmem>>, vector<1x1x16xf32>,
        %mul3A_293 = arith.constant 128 : i32
        %mul3A_294 = arith.muli %mul3A_293, %scan3A_73 : i32
        %add3A_295 = arith.constant 96 : i32
        %add3A_296 = arith.addi %mul3A_294, %add3A_295 : i32
        %add3A_297 = arith.addi %add3A_202, %add3A_296 : i32
        %get3A_298 = arith.index_cast %add3A_297 : i32 to index
        %get3A_299 = tpu.vector_load %arg4[%get3A_298] {strides = array<i32>} : memref<4224xf32, #tpu.memory_space<vmem>>, vector<16xf32>,
        %get3A_300 = vector.shape_cast %get3A_299 : vector<16xf32> to vector<16xf32>
        %swap3A_301 = arith.constant 1 : i32
        %swap3A_302 = arith.index_cast %rem3A_54 : i32 to index
        %swap3A_303 = arith.index_cast %swap3A_301 : i32 to index
        %swap3A_304 = arith.index_cast %add3A_296 : i32 to index
        %swap3A_305 = tpu.vector_load %arg5[%swap3A_302, %swap3A_303, %swap3A_304] {strides = array<i32>} : memref<2x8x4096xf32, #tpu.memory_space<vmem>>, vector<1x1x16xf32>,
        %swap3A_306 = vector.shape_cast %swap3A_305 : vector<1x1x16xf32> to vector<16xf32>
        %swap3A_307 = vector.shape_cast %get3A_300 : vector<16xf32> to vector<1x1x16xf32>
        tpu.vector_store %arg5[%swap3A_302, %swap3A_303, %swap3A_304], %swap3A_307 {strides = array<i32>} : memref<2x8x4096xf32, #tpu.memory_space<vmem>>, vector<1x1x16xf32>,
        %mul3A_308 = arith.constant 128 : i32
        %mul3A_309 = arith.muli %mul3A_308, %scan3A_73 : i32
        %add3A_310 = arith.constant 112 : i32
        %add3A_311 = arith.addi %mul3A_309, %add3A_310 : i32
        %add3A_312 = arith.addi %add3A_202, %add3A_311 : i32
        %get3A_313 = arith.index_cast %add3A_312 : i32 to index
        %get3A_314 = tpu.vector_load %arg4[%get3A_313] {strides = array<i32>} : memref<4224xf32, #tpu.memory_space<vmem>>, vector<16xf32>,
        %get3A_315 = vector.shape_cast %get3A_314 : vector<16xf32> to vector<16xf32>
        %swap3A_316 = arith.constant 1 : i32
        %swap3A_317 = arith.index_cast %rem3A_54 : i32 to index
        %swap3A_318 = arith.index_cast %swap3A_316 : i32 to index
        %swap3A_319 = arith.index_cast %add3A_311 : i32 to index
        %swap3A_320 = tpu.vector_load %arg5[%swap3A_317, %swap3A_318, %swap3A_319] {strides = array<i32>} : memref<2x8x4096xf32, #tpu.memory_space<vmem>>, vector<1x1x16xf32>,
        %swap3A_321 = vector.shape_cast %swap3A_320 : vector<1x1x16xf32> to vector<16xf32>
        %swap3A_322 = vector.shape_cast %get3A_315 : vector<16xf32> to vector<1x1x16xf32>
        tpu.vector_store %arg5[%swap3A_317, %swap3A_318, %swap3A_319], %swap3A_322 {strides = array<i32>} : memref<2x8x4096xf32, #tpu.memory_space<vmem>>, vector<1x1x16xf32>,
        %mul3A_323 = arith.constant 8 : i32
        %mul3A_324 = arith.muli %mul3A_323, %add3A_76 : i32
        %add3A_325 = arith.constant 5 : i32
        %add3A_326 = arith.addi %mul3A_324, %add3A_325 : i32
        %mul3A_327 = arith.constant 128 : i32
        %mul3A_328 = arith.muli %mul3A_327, %scan3A_73 : i32
        %add3A_329 = arith.constant 0 : i32
        %add3A_330 = arith.addi %mul3A_328, %add3A_329 : i32
        %add3A_331 = arith.addi %add3A_326, %add3A_330 : i32
        %get3A_332 = arith.index_cast %add3A_331 : i32 to index
        %get3A_333 = tpu.vector_load %arg4[%get3A_332] {strides = array<i32>} : memref<4224xf32, #tpu.memory_space<vmem>>, vector<16xf32>,
        %get3A_334 = vector.shape_cast %get3A_333 : vector<16xf32> to vector<16xf32>
        %swap3A_335 = arith.constant 2 : i32
        %swap3A_336 = arith.index_cast %rem3A_54 : i32 to index
        %swap3A_337 = arith.index_cast %swap3A_335 : i32 to index
        %swap3A_338 = arith.index_cast %add3A_330 : i32 to index
        %swap3A_339 = tpu.vector_load %arg5[%swap3A_336, %swap3A_337, %swap3A_338] {strides = array<i32>} : memref<2x8x4096xf32, #tpu.memory_space<vmem>>, vector<1x1x16xf32>,
        %swap3A_340 = vector.shape_cast %swap3A_339 : vector<1x1x16xf32> to vector<16xf32>
        %swap3A_341 = vector.shape_cast %get3A_334 : vector<16xf32> to vector<1x1x16xf32>
        tpu.vector_store %arg5[%swap3A_336, %swap3A_337, %swap3A_338], %swap3A_341 {strides = array<i32>} : memref<2x8x4096xf32, #tpu.memory_space<vmem>>, vector<1x1x16xf32>,
        %mul3A_342 = arith.constant 128 : i32
        %mul3A_343 = arith.muli %mul3A_342, %scan3A_73 : i32
        %add3A_344 = arith.constant 16 : i32
        %add3A_345 = arith.addi %mul3A_343, %add3A_344 : i32
        %add3A_346 = arith.addi %add3A_326, %add3A_345 : i32
        %get3A_347 = arith.index_cast %add3A_346 : i32 to index
        %get3A_348 = tpu.vector_load %arg4[%get3A_347] {strides = array<i32>} : memref<4224xf32, #tpu.memory_space<vmem>>, vector<16xf32>,
        %get3A_349 = vector.shape_cast %get3A_348 : vector<16xf32> to vector<16xf32>
        %swap3A_350 = arith.constant 2 : i32
        %swap3A_351 = arith.index_cast %rem3A_54 : i32 to index
        %swap3A_352 = arith.index_cast %swap3A_350 : i32 to index
        %swap3A_353 = arith.index_cast %add3A_345 : i32 to index
        %swap3A_354 = tpu.vector_load %arg5[%swap3A_351, %swap3A_352, %swap3A_353] {strides = array<i32>} : memref<2x8x4096xf32, #tpu.memory_space<vmem>>, vector<1x1x16xf32>,
        %swap3A_355 = vector.shape_cast %swap3A_354 : vector<1x1x16xf32> to vector<16xf32>
        %swap3A_356 = vector.shape_cast %get3A_349 : vector<16xf32> to vector<1x1x16xf32>
        tpu.vector_store %arg5[%swap3A_351, %swap3A_352, %swap3A_353], %swap3A_356 {strides = array<i32>} : memref<2x8x4096xf32, #tpu.memory_space<vmem>>, vector<1x1x16xf32>,
        %mul3A_357 = arith.constant 128 : i32
        %mul3A_358 = arith.muli %mul3A_357, %scan3A_73 : i32
        %add3A_359 = arith.constant 32 : i32
        %add3A_360 = arith.addi %mul3A_358, %add3A_359 : i32
        %add3A_361 = arith.addi %add3A_326, %add3A_360 : i32
        %get3A_362 = arith.index_cast %add3A_361 : i32 to index
        %get3A_363 = tpu.vector_load %arg4[%get3A_362] {strides = array<i32>} : memref<4224xf32, #tpu.memory_space<vmem>>, vector<16xf32>,
        %get3A_364 = vector.shape_cast %get3A_363 : vector<16xf32> to vector<16xf32>
        %swap3A_365 = arith.constant 2 : i32
        %swap3A_366 = arith.index_cast %rem3A_54 : i32 to index
        %swap3A_367 = arith.index_cast %swap3A_365 : i32 to index
        %swap3A_368 = arith.index_cast %add3A_360 : i32 to index
        %swap3A_369 = tpu.vector_load %arg5[%swap3A_366, %swap3A_367, %swap3A_368] {strides = array<i32>} : memref<2x8x4096xf32, #tpu.memory_space<vmem>>, vector<1x1x16xf32>,
        %swap3A_370 = vector.shape_cast %swap3A_369 : vector<1x1x16xf32> to vector<16xf32>
        %swap3A_371 = vector.shape_cast %get3A_364 : vector<16xf32> to vector<1x1x16xf32>
        tpu.vector_store %arg5[%swap3A_366, %swap3A_367, %swap3A_368], %swap3A_371 {strides = array<i32>} : memref<2x8x4096xf32, #tpu.memory_space<vmem>>, vector<1x1x16xf32>,
        %mul3A_372 = arith.constant 128 : i32
        %mul3A_373 = arith.muli %mul3A_372, %scan3A_73 : i32
        %add3A_374 = arith.constant 48 : i32
        %add3A_375 = arith.addi %mul3A_373, %add3A_374 : i32
        %add3A_376 = arith.addi %add3A_326, %add3A_375 : i32
        %get3A_377 = arith.index_cast %add3A_376 : i32 to index
        %get3A_378 = tpu.vector_load %arg4[%get3A_377] {strides = array<i32>} : memref<4224xf32, #tpu.memory_space<vmem>>, vector<16xf32>,
        %get3A_379 = vector.shape_cast %get3A_378 : vector<16xf32> to vector<16xf32>
        %swap3A_380 = arith.constant 2 : i32
        %swap3A_381 = arith.index_cast %rem3A_54 : i32 to index
        %swap3A_382 = arith.index_cast %swap3A_380 : i32 to index
        %swap3A_383 = arith.index_cast %add3A_375 : i32 to index
        %swap3A_384 = tpu.vector_load %arg5[%swap3A_381, %swap3A_382, %swap3A_383] {strides = array<i32>} : memref<2x8x4096xf32, #tpu.memory_space<vmem>>, vector<1x1x16xf32>,
        %swap3A_385 = vector.shape_cast %swap3A_384 : vector<1x1x16xf32> to vector<16xf32>
        %swap3A_386 = vector.shape_cast %get3A_379 : vector<16xf32> to vector<1x1x16xf32>
        tpu.vector_store %arg5[%swap3A_381, %swap3A_382, %swap3A_383], %swap3A_386 {strides = array<i32>} : memref<2x8x4096xf32, #tpu.memory_space<vmem>>, vector<1x1x16xf32>,
        %mul3A_387 = arith.constant 128 : i32
        %mul3A_388 = arith.muli %mul3A_387, %scan3A_73 : i32
        %add3A_389 = arith.constant 64 : i32
        %add3A_390 = arith.addi %mul3A_388, %add3A_389 : i32
        %add3A_391 = arith.addi %add3A_326, %add3A_390 : i32
        %get3A_392 = arith.index_cast %add3A_391 : i32 to index
        %get3A_393 = tpu.vector_load %arg4[%get3A_392] {strides = array<i32>} : memref<4224xf32, #tpu.memory_space<vmem>>, vector<16xf32>,
        %get3A_394 = vector.shape_cast %get3A_393 : vector<16xf32> to vector<16xf32>
        %swap3A_395 = arith.constant 2 : i32
        %swap3A_396 = arith.index_cast %rem3A_54 : i32 to index
        %swap3A_397 = arith.index_cast %swap3A_395 : i32 to index
        %swap3A_398 = arith.index_cast %add3A_390 : i32 to index
        %swap3A_399 = tpu.vector_load %arg5[%swap3A_396, %swap3A_397, %swap3A_398] {strides = array<i32>} : memref<2x8x4096xf32, #tpu.memory_space<vmem>>, vector<1x1x16xf32>,
        %swap3A_400 = vector.shape_cast %swap3A_399 : vector<1x1x16xf32> to vector<16xf32>
        %swap3A_401 = vector.shape_cast %get3A_394 : vector<16xf32> to vector<1x1x16xf32>
        tpu.vector_store %arg5[%swap3A_396, %swap3A_397, %swap3A_398], %swap3A_401 {strides = array<i32>} : memref<2x8x4096xf32, #tpu.memory_space<vmem>>, vector<1x1x16xf32>,
        %mul3A_402 = arith.constant 128 : i32
        %mul3A_403 = arith.muli %mul3A_402, %scan3A_73 : i32
        %add3A_404 = arith.constant 80 : i32
        %add3A_405 = arith.addi %mul3A_403, %add3A_404 : i32
        %add3A_406 = arith.addi %add3A_326, %add3A_405 : i32
        %get3A_407 = arith.index_cast %add3A_406 : i32 to index
        %get3A_408 = tpu.vector_load %arg4[%get3A_407] {strides = array<i32>} : memref<4224xf32, #tpu.memory_space<vmem>>, vector<16xf32>,
        %get3A_409 = vector.shape_cast %get3A_408 : vector<16xf32> to vector<16xf32>
        %swap3A_410 = arith.constant 2 : i32
        %swap3A_411 = arith.index_cast %rem3A_54 : i32 to index
        %swap3A_412 = arith.index_cast %swap3A_410 : i32 to index
        %swap3A_413 = arith.index_cast %add3A_405 : i32 to index
        %swap3A_414 = tpu.vector_load %arg5[%swap3A_411, %swap3A_412, %swap3A_413] {strides = array<i32>} : memref<2x8x4096xf32, #tpu.memory_space<vmem>>, vector<1x1x16xf32>,
        %swap3A_415 = vector.shape_cast %swap3A_414 : vector<1x1x16xf32> to vector<16xf32>
        %swap3A_416 = vector.shape_cast %get3A_409 : vector<16xf32> to vector<1x1x16xf32>
        tpu.vector_store %arg5[%swap3A_411, %swap3A_412, %swap3A_413], %swap3A_416 {strides = array<i32>} : memref<2x8x4096xf32, #tpu.memory_space<vmem>>, vector<1x1x16xf32>,
        %mul3A_417 = arith.constant 128 : i32
        %mul3A_418 = arith.muli %mul3A_417, %scan3A_73 : i32
        %add3A_419 = arith.constant 96 : i32
        %add3A_420 = arith.addi %mul3A_418, %add3A_419 : i32
        %add3A_421 = arith.addi %add3A_326, %add3A_420 : i32
        %get3A_422 = arith.index_cast %add3A_421 : i32 to index
        %get3A_423 = tpu.vector_load %arg4[%get3A_422] {strides = array<i32>} : memref<4224xf32, #tpu.memory_space<vmem>>, vector<16xf32>,
        %get3A_424 = vector.shape_cast %get3A_423 : vector<16xf32> to vector<16xf32>
        %swap3A_425 = arith.constant 2 : i32
        %swap3A_426 = arith.index_cast %rem3A_54 : i32 to index
        %swap3A_427 = arith.index_cast %swap3A_425 : i32 to index
        %swap3A_428 = arith.index_cast %add3A_420 : i32 to index
        %swap3A_429 = tpu.vector_load %arg5[%swap3A_426, %swap3A_427, %swap3A_428] {strides = array<i32>} : memref<2x8x4096xf32, #tpu.memory_space<vmem>>, vector<1x1x16xf32>,
        %swap3A_430 = vector.shape_cast %swap3A_429 : vector<1x1x16xf32> to vector<16xf32>
        %swap3A_431 = vector.shape_cast %get3A_424 : vector<16xf32> to vector<1x1x16xf32>
        tpu.vector_store %arg5[%swap3A_426, %swap3A_427, %swap3A_428], %swap3A_431 {strides = array<i32>} : memref<2x8x4096xf32, #tpu.memory_space<vmem>>, vector<1x1x16xf32>,
        %mul3A_432 = arith.constant 128 : i32
        %mul3A_433 = arith.muli %mul3A_432, %scan3A_73 : i32
        %add3A_434 = arith.constant 112 : i32
        %add3A_435 = arith.addi %mul3A_433, %add3A_434 : i32
        %add3A_436 = arith.addi %add3A_326, %add3A_435 : i32
        %get3A_437 = arith.index_cast %add3A_436 : i32 to index
        %get3A_438 = tpu.vector_load %arg4[%get3A_437] {strides = array<i32>} : memref<4224xf32, #tpu.memory_space<vmem>>, vector<16xf32>,
        %get3A_439 = vector.shape_cast %get3A_438 : vector<16xf32> to vector<16xf32>
        %swap3A_440 = arith.constant 2 : i32
        %swap3A_441 = arith.index_cast %rem3A_54 : i32 to index
        %swap3A_442 = arith.index_cast %swap3A_440 : i32 to index
        %swap3A_443 = arith.index_cast %add3A_435 : i32 to index
        %swap3A_444 = tpu.vector_load %arg5[%swap3A_441, %swap3A_442, %swap3A_443] {strides = array<i32>} : memref<2x8x4096xf32, #tpu.memory_space<vmem>>, vector<1x1x16xf32>,
        %swap3A_445 = vector.shape_cast %swap3A_444 : vector<1x1x16xf32> to vector<16xf32>
        %swap3A_446 = vector.shape_cast %get3A_439 : vector<16xf32> to vector<1x1x16xf32>
        tpu.vector_store %arg5[%swap3A_441, %swap3A_442, %swap3A_443], %swap3A_446 {strides = array<i32>} : memref<2x8x4096xf32, #tpu.memory_space<vmem>>, vector<1x1x16xf32>,
        %mul3A_447 = arith.constant 8 : i32
        %mul3A_448 = arith.muli %mul3A_447, %add3A_76 : i32
        %add3A_449 = arith.constant 4 : i32
        %add3A_450 = arith.addi %mul3A_448, %add3A_449 : i32
        %mul3A_451 = arith.constant 128 : i32
        %mul3A_452 = arith.muli %mul3A_451, %scan3A_73 : i32
        %add3A_453 = arith.constant 0 : i32
        %add3A_454 = arith.addi %mul3A_452, %add3A_453 : i32
        %add3A_455 = arith.addi %add3A_450, %add3A_454 : i32
        %get3A_456 = arith.index_cast %add3A_455 : i32 to index
        %get3A_457 = tpu.vector_load %arg4[%get3A_456] {strides = array<i32>} : memref<4224xf32, #tpu.memory_space<vmem>>, vector<16xf32>,
        %get3A_458 = vector.shape_cast %get3A_457 : vector<16xf32> to vector<16xf32>
        %swap3A_459 = arith.constant 3 : i32
        %swap3A_460 = arith.index_cast %rem3A_54 : i32 to index
        %swap3A_461 = arith.index_cast %swap3A_459 : i32 to index
        %swap3A_462 = arith.index_cast %add3A_454 : i32 to index
        %swap3A_463 = tpu.vector_load %arg5[%swap3A_460, %swap3A_461, %swap3A_462] {strides = array<i32>} : memref<2x8x4096xf32, #tpu.memory_space<vmem>>, vector<1x1x16xf32>,
        %swap3A_464 = vector.shape_cast %swap3A_463 : vector<1x1x16xf32> to vector<16xf32>
        %swap3A_465 = vector.shape_cast %get3A_458 : vector<16xf32> to vector<1x1x16xf32>
        tpu.vector_store %arg5[%swap3A_460, %swap3A_461, %swap3A_462], %swap3A_465 {strides = array<i32>} : memref<2x8x4096xf32, #tpu.memory_space<vmem>>, vector<1x1x16xf32>,
        %mul3A_466 = arith.constant 128 : i32
        %mul3A_467 = arith.muli %mul3A_466, %scan3A_73 : i32
        %add3A_468 = arith.constant 16 : i32
        %add3A_469 = arith.addi %mul3A_467, %add3A_468 : i32
        %add3A_470 = arith.addi %add3A_450, %add3A_469 : i32
        %get3A_471 = arith.index_cast %add3A_470 : i32 to index
        %get3A_472 = tpu.vector_load %arg4[%get3A_471] {strides = array<i32>} : memref<4224xf32, #tpu.memory_space<vmem>>, vector<16xf32>,
        %get3A_473 = vector.shape_cast %get3A_472 : vector<16xf32> to vector<16xf32>
        %swap3A_474 = arith.constant 3 : i32
        %swap3A_475 = arith.index_cast %rem3A_54 : i32 to index
        %swap3A_476 = arith.index_cast %swap3A_474 : i32 to index
        %swap3A_477 = arith.index_cast %add3A_469 : i32 to index
        %swap3A_478 = tpu.vector_load %arg5[%swap3A_475, %swap3A_476, %swap3A_477] {strides = array<i32>} : memref<2x8x4096xf32, #tpu.memory_space<vmem>>, vector<1x1x16xf32>,
        %swap3A_479 = vector.shape_cast %swap3A_478 : vector<1x1x16xf32> to vector<16xf32>
        %swap3A_480 = vector.shape_cast %get3A_473 : vector<16xf32> to vector<1x1x16xf32>
        tpu.vector_store %arg5[%swap3A_475, %swap3A_476, %swap3A_477], %swap3A_480 {strides = array<i32>} : memref<2x8x4096xf32, #tpu.memory_space<vmem>>, vector<1x1x16xf32>,
        %mul3A_481 = arith.constant 128 : i32
        %mul3A_482 = arith.muli %mul3A_481, %scan3A_73 : i32
        %add3A_483 = arith.constant 32 : i32
        %add3A_484 = arith.addi %mul3A_482, %add3A_483 : i32
        %add3A_485 = arith.addi %add3A_450, %add3A_484 : i32
        %get3A_486 = arith.index_cast %add3A_485 : i32 to index
        %get3A_487 = tpu.vector_load %arg4[%get3A_486] {strides = array<i32>} : memref<4224xf32, #tpu.memory_space<vmem>>, vector<16xf32>,
        %get3A_488 = vector.shape_cast %get3A_487 : vector<16xf32> to vector<16xf32>
        %swap3A_489 = arith.constant 3 : i32
        %swap3A_490 = arith.index_cast %rem3A_54 : i32 to index
        %swap3A_491 = arith.index_cast %swap3A_489 : i32 to index
        %swap3A_492 = arith.index_cast %add3A_484 : i32 to index
        %swap3A_493 = tpu.vector_load %arg5[%swap3A_490, %swap3A_491, %swap3A_492] {strides = array<i32>} : memref<2x8x4096xf32, #tpu.memory_space<vmem>>, vector<1x1x16xf32>,
        %swap3A_494 = vector.shape_cast %swap3A_493 : vector<1x1x16xf32> to vector<16xf32>
        %swap3A_495 = vector.shape_cast %get3A_488 : vector<16xf32> to vector<1x1x16xf32>
        tpu.vector_store %arg5[%swap3A_490, %swap3A_491, %swap3A_492], %swap3A_495 {strides = array<i32>} : memref<2x8x4096xf32, #tpu.memory_space<vmem>>, vector<1x1x16xf32>,
        %mul3A_496 = arith.constant 128 : i32
        %mul3A_497 = arith.muli %mul3A_496, %scan3A_73 : i32
        %add3A_498 = arith.constant 48 : i32
        %add3A_499 = arith.addi %mul3A_497, %add3A_498 : i32
        %add3A_500 = arith.addi %add3A_450, %add3A_499 : i32
        %get3A_501 = arith.index_cast %add3A_500 : i32 to index
        %get3A_502 = tpu.vector_load %arg4[%get3A_501] {strides = array<i32>} : memref<4224xf32, #tpu.memory_space<vmem>>, vector<16xf32>,
        %get3A_503 = vector.shape_cast %get3A_502 : vector<16xf32> to vector<16xf32>
        %swap3A_504 = arith.constant 3 : i32
        %swap3A_505 = arith.index_cast %rem3A_54 : i32 to index
        %swap3A_506 = arith.index_cast %swap3A_504 : i32 to index
        %swap3A_507 = arith.index_cast %add3A_499 : i32 to index
        %swap3A_508 = tpu.vector_load %arg5[%swap3A_505, %swap3A_506, %swap3A_507] {strides = array<i32>} : memref<2x8x4096xf32, #tpu.memory_space<vmem>>, vector<1x1x16xf32>,
        %swap3A_509 = vector.shape_cast %swap3A_508 : vector<1x1x16xf32> to vector<16xf32>
        %swap3A_510 = vector.shape_cast %get3A_503 : vector<16xf32> to vector<1x1x16xf32>
        tpu.vector_store %arg5[%swap3A_505, %swap3A_506, %swap3A_507], %swap3A_510 {strides = array<i32>} : memref<2x8x4096xf32, #tpu.memory_space<vmem>>, vector<1x1x16xf32>,
        %mul3A_511 = arith.constant 128 : i32
        %mul3A_512 = arith.muli %mul3A_511, %scan3A_73 : i32
        %add3A_513 = arith.constant 64 : i32
        %add3A_514 = arith.addi %mul3A_512, %add3A_513 : i32
        %add3A_515 = arith.addi %add3A_450, %add3A_514 : i32
        %get3A_516 = arith.index_cast %add3A_515 : i32 to index
        %get3A_517 = tpu.vector_load %arg4[%get3A_516] {strides = array<i32>} : memref<4224xf32, #tpu.memory_space<vmem>>, vector<16xf32>,
        %get3A_518 = vector.shape_cast %get3A_517 : vector<16xf32> to vector<16xf32>
        %swap3A_519 = arith.constant 3 : i32
        %swap3A_520 = arith.index_cast %rem3A_54 : i32 to index
        %swap3A_521 = arith.index_cast %swap3A_519 : i32 to index
        %swap3A_522 = arith.index_cast %add3A_514 : i32 to index
        %swap3A_523 = tpu.vector_load %arg5[%swap3A_520, %swap3A_521, %swap3A_522] {strides = array<i32>} : memref<2x8x4096xf32, #tpu.memory_space<vmem>>, vector<1x1x16xf32>,
        %swap3A_524 = vector.shape_cast %swap3A_523 : vector<1x1x16xf32> to vector<16xf32>
        %swap3A_525 = vector.shape_cast %get3A_518 : vector<16xf32> to vector<1x1x16xf32>
        tpu.vector_store %arg5[%swap3A_520, %swap3A_521, %swap3A_522], %swap3A_525 {strides = array<i32>} : memref<2x8x4096xf32, #tpu.memory_space<vmem>>, vector<1x1x16xf32>,
        %mul3A_526 = arith.constant 128 : i32
        %mul3A_527 = arith.muli %mul3A_526, %scan3A_73 : i32
        %add3A_528 = arith.constant 80 : i32
        %add3A_529 = arith.addi %mul3A_527, %add3A_528 : i32
        %add3A_530 = arith.addi %add3A_450, %add3A_529 : i32
        %get3A_531 = arith.index_cast %add3A_530 : i32 to index
        %get3A_532 = tpu.vector_load %arg4[%get3A_531] {strides = array<i32>} : memref<4224xf32, #tpu.memory_space<vmem>>, vector<16xf32>,
        %get3A_533 = vector.shape_cast %get3A_532 : vector<16xf32> to vector<16xf32>
        %swap3A_534 = arith.constant 3 : i32
        %swap3A_535 = arith.index_cast %rem3A_54 : i32 to index
        %swap3A_536 = arith.index_cast %swap3A_534 : i32 to index
        %swap3A_537 = arith.index_cast %add3A_529 : i32 to index
        %swap3A_538 = tpu.vector_load %arg5[%swap3A_535, %swap3A_536, %swap3A_537] {strides = array<i32>} : memref<2x8x4096xf32, #tpu.memory_space<vmem>>, vector<1x1x16xf32>,
        %swap3A_539 = vector.shape_cast %swap3A_538 : vector<1x1x16xf32> to vector<16xf32>
        %swap3A_540 = vector.shape_cast %get3A_533 : vector<16xf32> to vector<1x1x16xf32>
        tpu.vector_store %arg5[%swap3A_535, %swap3A_536, %swap3A_537], %swap3A_540 {strides = array<i32>} : memref<2x8x4096xf32, #tpu.memory_space<vmem>>, vector<1x1x16xf32>,
        %mul3A_541 = arith.constant 128 : i32
        %mul3A_542 = arith.muli %mul3A_541, %scan3A_73 : i32
        %add3A_543 = arith.constant 96 : i32
        %add3A_544 = arith.addi %mul3A_542, %add3A_543 : i32
        %add3A_545 = arith.addi %add3A_450, %add3A_544 : i32
        %get3A_546 = arith.index_cast %add3A_545 : i32 to index
        %get3A_547 = tpu.vector_load %arg4[%get3A_546] {strides = array<i32>} : memref<4224xf32, #tpu.memory_space<vmem>>, vector<16xf32>,
        %get3A_548 = vector.shape_cast %get3A_547 : vector<16xf32> to vector<16xf32>
        %swap3A_549 = arith.constant 3 : i32
        %swap3A_550 = arith.index_cast %rem3A_54 : i32 to index
        %swap3A_551 = arith.index_cast %swap3A_549 : i32 to index
        %swap3A_552 = arith.index_cast %add3A_544 : i32 to index
        %swap3A_553 = tpu.vector_load %arg5[%swap3A_550, %swap3A_551, %swap3A_552] {strides = array<i32>} : memref<2x8x4096xf32, #tpu.memory_space<vmem>>, vector<1x1x16xf32>,
        %swap3A_554 = vector.shape_cast %swap3A_553 : vector<1x1x16xf32> to vector<16xf32>
        %swap3A_555 = vector.shape_cast %get3A_548 : vector<16xf32> to vector<1x1x16xf32>
        tpu.vector_store %arg5[%swap3A_550, %swap3A_551, %swap3A_552], %swap3A_555 {strides = array<i32>} : memref<2x8x4096xf32, #tpu.memory_space<vmem>>, vector<1x1x16xf32>,
        %mul3A_556 = arith.constant 128 : i32
        %mul3A_557 = arith.muli %mul3A_556, %scan3A_73 : i32
        %add3A_558 = arith.constant 112 : i32
        %add3A_559 = arith.addi %mul3A_557, %add3A_558 : i32
        %add3A_560 = arith.addi %add3A_450, %add3A_559 : i32
        %get3A_561 = arith.index_cast %add3A_560 : i32 to index
        %get3A_562 = tpu.vector_load %arg4[%get3A_561] {strides = array<i32>} : memref<4224xf32, #tpu.memory_space<vmem>>, vector<16xf32>,
        %get3A_563 = vector.shape_cast %get3A_562 : vector<16xf32> to vector<16xf32>
        %swap3A_564 = arith.constant 3 : i32
        %swap3A_565 = arith.index_cast %rem3A_54 : i32 to index
        %swap3A_566 = arith.index_cast %swap3A_564 : i32 to index
        %swap3A_567 = arith.index_cast %add3A_559 : i32 to index
        %swap3A_568 = tpu.vector_load %arg5[%swap3A_565, %swap3A_566, %swap3A_567] {strides = array<i32>} : memref<2x8x4096xf32, #tpu.memory_space<vmem>>, vector<1x1x16xf32>,
        %swap3A_569 = vector.shape_cast %swap3A_568 : vector<1x1x16xf32> to vector<16xf32>
        %swap3A_570 = vector.shape_cast %get3A_563 : vector<16xf32> to vector<1x1x16xf32>
        tpu.vector_store %arg5[%swap3A_565, %swap3A_566, %swap3A_567], %swap3A_570 {strides = array<i32>} : memref<2x8x4096xf32, #tpu.memory_space<vmem>>, vector<1x1x16xf32>,
        %mul3A_571 = arith.constant 8 : i32
        %mul3A_572 = arith.muli %mul3A_571, %add3A_76 : i32
        %add3A_573 = arith.constant 3 : i32
        %add3A_574 = arith.addi %mul3A_572, %add3A_573 : i32
        %mul3A_575 = arith.constant 128 : i32
        %mul3A_576 = arith.muli %mul3A_575, %scan3A_73 : i32
        %add3A_577 = arith.constant 0 : i32
        %add3A_578 = arith.addi %mul3A_576, %add3A_577 : i32
        %add3A_579 = arith.addi %add3A_574, %add3A_578 : i32
        %get3A_580 = arith.index_cast %add3A_579 : i32 to index
        %get3A_581 = tpu.vector_load %arg4[%get3A_580] {strides = array<i32>} : memref<4224xf32, #tpu.memory_space<vmem>>, vector<16xf32>,
        %get3A_582 = vector.shape_cast %get3A_581 : vector<16xf32> to vector<16xf32>
        %swap3A_583 = arith.constant 4 : i32
        %swap3A_584 = arith.index_cast %rem3A_54 : i32 to index
        %swap3A_585 = arith.index_cast %swap3A_583 : i32 to index
        %swap3A_586 = arith.index_cast %add3A_578 : i32 to index
        %swap3A_587 = tpu.vector_load %arg5[%swap3A_584, %swap3A_585, %swap3A_586] {strides = array<i32>} : memref<2x8x4096xf32, #tpu.memory_space<vmem>>, vector<1x1x16xf32>,
        %swap3A_588 = vector.shape_cast %swap3A_587 : vector<1x1x16xf32> to vector<16xf32>
        %swap3A_589 = vector.shape_cast %get3A_582 : vector<16xf32> to vector<1x1x16xf32>
        tpu.vector_store %arg5[%swap3A_584, %swap3A_585, %swap3A_586], %swap3A_589 {strides = array<i32>} : memref<2x8x4096xf32, #tpu.memory_space<vmem>>, vector<1x1x16xf32>,
        %mul3A_590 = arith.constant 128 : i32
        %mul3A_591 = arith.muli %mul3A_590, %scan3A_73 : i32
        %add3A_592 = arith.constant 16 : i32
        %add3A_593 = arith.addi %mul3A_591, %add3A_592 : i32
        %add3A_594 = arith.addi %add3A_574, %add3A_593 : i32
        %get3A_595 = arith.index_cast %add3A_594 : i32 to index
        %get3A_596 = tpu.vector_load %arg4[%get3A_595] {strides = array<i32>} : memref<4224xf32, #tpu.memory_space<vmem>>, vector<16xf32>,
        %get3A_597 = vector.shape_cast %get3A_596 : vector<16xf32> to vector<16xf32>
        %swap3A_598 = arith.constant 4 : i32
        %swap3A_599 = arith.index_cast %rem3A_54 : i32 to index
        %swap3A_600 = arith.index_cast %swap3A_598 : i32 to index
        %swap3A_601 = arith.index_cast %add3A_593 : i32 to index
        %swap3A_602 = tpu.vector_load %arg5[%swap3A_599, %swap3A_600, %swap3A_601] {strides = array<i32>} : memref<2x8x4096xf32, #tpu.memory_space<vmem>>, vector<1x1x16xf32>,
        %swap3A_603 = vector.shape_cast %swap3A_602 : vector<1x1x16xf32> to vector<16xf32>
        %swap3A_604 = vector.shape_cast %get3A_597 : vector<16xf32> to vector<1x1x16xf32>
        tpu.vector_store %arg5[%swap3A_599, %swap3A_600, %swap3A_601], %swap3A_604 {strides = array<i32>} : memref<2x8x4096xf32, #tpu.memory_space<vmem>>, vector<1x1x16xf32>,
        %mul3A_605 = arith.constant 128 : i32
        %mul3A_606 = arith.muli %mul3A_605, %scan3A_73 : i32
        %add3A_607 = arith.constant 32 : i32
        %add3A_608 = arith.addi %mul3A_606, %add3A_607 : i32
        %add3A_609 = arith.addi %add3A_574, %add3A_608 : i32
        %get3A_610 = arith.index_cast %add3A_609 : i32 to index
        %get3A_611 = tpu.vector_load %arg4[%get3A_610] {strides = array<i32>} : memref<4224xf32, #tpu.memory_space<vmem>>, vector<16xf32>,
        %get3A_612 = vector.shape_cast %get3A_611 : vector<16xf32> to vector<16xf32>
        %swap3A_613 = arith.constant 4 : i32
        %swap3A_614 = arith.index_cast %rem3A_54 : i32 to index
        %swap3A_615 = arith.index_cast %swap3A_613 : i32 to index
        %swap3A_616 = arith.index_cast %add3A_608 : i32 to index
        %swap3A_617 = tpu.vector_load %arg5[%swap3A_614, %swap3A_615, %swap3A_616] {strides = array<i32>} : memref<2x8x4096xf32, #tpu.memory_space<vmem>>, vector<1x1x16xf32>,
        %swap3A_618 = vector.shape_cast %swap3A_617 : vector<1x1x16xf32> to vector<16xf32>
        %swap3A_619 = vector.shape_cast %get3A_612 : vector<16xf32> to vector<1x1x16xf32>
        tpu.vector_store %arg5[%swap3A_614, %swap3A_615, %swap3A_616], %swap3A_619 {strides = array<i32>} : memref<2x8x4096xf32, #tpu.memory_space<vmem>>, vector<1x1x16xf32>,
        %mul3A_620 = arith.constant 128 : i32
        %mul3A_621 = arith.muli %mul3A_620, %scan3A_73 : i32
        %add3A_622 = arith.constant 48 : i32
        %add3A_623 = arith.addi %mul3A_621, %add3A_622 : i32
        %add3A_624 = arith.addi %add3A_574, %add3A_623 : i32
        %get3A_625 = arith.index_cast %add3A_624 : i32 to index
        %get3A_626 = tpu.vector_load %arg4[%get3A_625] {strides = array<i32>} : memref<4224xf32, #tpu.memory_space<vmem>>, vector<16xf32>,
        %get3A_627 = vector.shape_cast %get3A_626 : vector<16xf32> to vector<16xf32>
        %swap3A_628 = arith.constant 4 : i32
        %swap3A_629 = arith.index_cast %rem3A_54 : i32 to index
        %swap3A_630 = arith.index_cast %swap3A_628 : i32 to index
        %swap3A_631 = arith.index_cast %add3A_623 : i32 to index
        %swap3A_632 = tpu.vector_load %arg5[%swap3A_629, %swap3A_630, %swap3A_631] {strides = array<i32>} : memref<2x8x4096xf32, #tpu.memory_space<vmem>>, vector<1x1x16xf32>,
        %swap3A_633 = vector.shape_cast %swap3A_632 : vector<1x1x16xf32> to vector<16xf32>
        %swap3A_634 = vector.shape_cast %get3A_627 : vector<16xf32> to vector<1x1x16xf32>
        tpu.vector_store %arg5[%swap3A_629, %swap3A_630, %swap3A_631], %swap3A_634 {strides = array<i32>} : memref<2x8x4096xf32, #tpu.memory_space<vmem>>, vector<1x1x16xf32>,
        %mul3A_635 = arith.constant 128 : i32
        %mul3A_636 = arith.muli %mul3A_635, %scan3A_73 : i32
        %add3A_637 = arith.constant 64 : i32
        %add3A_638 = arith.addi %mul3A_636, %add3A_637 : i32
        %add3A_639 = arith.addi %add3A_574, %add3A_638 : i32
        %get3A_640 = arith.index_cast %add3A_639 : i32 to index
        %get3A_641 = tpu.vector_load %arg4[%get3A_640] {strides = array<i32>} : memref<4224xf32, #tpu.memory_space<vmem>>, vector<16xf32>,
        %get3A_642 = vector.shape_cast %get3A_641 : vector<16xf32> to vector<16xf32>
        %swap3A_643 = arith.constant 4 : i32
        %swap3A_644 = arith.index_cast %rem3A_54 : i32 to index
        %swap3A_645 = arith.index_cast %swap3A_643 : i32 to index
        %swap3A_646 = arith.index_cast %add3A_638 : i32 to index
        %swap3A_647 = tpu.vector_load %arg5[%swap3A_644, %swap3A_645, %swap3A_646] {strides = array<i32>} : memref<2x8x4096xf32, #tpu.memory_space<vmem>>, vector<1x1x16xf32>,
        %swap3A_648 = vector.shape_cast %swap3A_647 : vector<1x1x16xf32> to vector<16xf32>
        %swap3A_649 = vector.shape_cast %get3A_642 : vector<16xf32> to vector<1x1x16xf32>
        tpu.vector_store %arg5[%swap3A_644, %swap3A_645, %swap3A_646], %swap3A_649 {strides = array<i32>} : memref<2x8x4096xf32, #tpu.memory_space<vmem>>, vector<1x1x16xf32>,
        %mul3A_650 = arith.constant 128 : i32
        %mul3A_651 = arith.muli %mul3A_650, %scan3A_73 : i32
        %add3A_652 = arith.constant 80 : i32
        %add3A_653 = arith.addi %mul3A_651, %add3A_652 : i32
        %add3A_654 = arith.addi %add3A_574, %add3A_653 : i32
        %get3A_655 = arith.index_cast %add3A_654 : i32 to index
        %get3A_656 = tpu.vector_load %arg4[%get3A_655] {strides = array<i32>} : memref<4224xf32, #tpu.memory_space<vmem>>, vector<16xf32>,
        %get3A_657 = vector.shape_cast %get3A_656 : vector<16xf32> to vector<16xf32>
        %swap3A_658 = arith.constant 4 : i32
        %swap3A_659 = arith.index_cast %rem3A_54 : i32 to index
        %swap3A_660 = arith.index_cast %swap3A_658 : i32 to index
        %swap3A_661 = arith.index_cast %add3A_653 : i32 to index
        %swap3A_662 = tpu.vector_load %arg5[%swap3A_659, %swap3A_660, %swap3A_661] {strides = array<i32>} : memref<2x8x4096xf32, #tpu.memory_space<vmem>>, vector<1x1x16xf32>,
        %swap3A_663 = vector.shape_cast %swap3A_662 : vector<1x1x16xf32> to vector<16xf32>
        %swap3A_664 = vector.shape_cast %get3A_657 : vector<16xf32> to vector<1x1x16xf32>
        tpu.vector_store %arg5[%swap3A_659, %swap3A_660, %swap3A_661], %swap3A_664 {strides = array<i32>} : memref<2x8x4096xf32, #tpu.memory_space<vmem>>, vector<1x1x16xf32>,
        %mul3A_665 = arith.constant 128 : i32
        %mul3A_666 = arith.muli %mul3A_665, %scan3A_73 : i32
        %add3A_667 = arith.constant 96 : i32
        %add3A_668 = arith.addi %mul3A_666, %add3A_667 : i32
        %add3A_669 = arith.addi %add3A_574, %add3A_668 : i32
        %get3A_670 = arith.index_cast %add3A_669 : i32 to index
        %get3A_671 = tpu.vector_load %arg4[%get3A_670] {strides = array<i32>} : memref<4224xf32, #tpu.memory_space<vmem>>, vector<16xf32>,
        %get3A_672 = vector.shape_cast %get3A_671 : vector<16xf32> to vector<16xf32>
        %swap3A_673 = arith.constant 4 : i32
        %swap3A_674 = arith.index_cast %rem3A_54 : i32 to index
        %swap3A_675 = arith.index_cast %swap3A_673 : i32 to index
        %swap3A_676 = arith.index_cast %add3A_668 : i32 to index
        %swap3A_677 = tpu.vector_load %arg5[%swap3A_674, %swap3A_675, %swap3A_676] {strides = array<i32>} : memref<2x8x4096xf32, #tpu.memory_space<vmem>>, vector<1x1x16xf32>,
        %swap3A_678 = vector.shape_cast %swap3A_677 : vector<1x1x16xf32> to vector<16xf32>
        %swap3A_679 = vector.shape_cast %get3A_672 : vector<16xf32> to vector<1x1x16xf32>
        tpu.vector_store %arg5[%swap3A_674, %swap3A_675, %swap3A_676], %swap3A_679 {strides = array<i32>} : memref<2x8x4096xf32, #tpu.memory_space<vmem>>, vector<1x1x16xf32>,
        %mul3A_680 = arith.constant 128 : i32
        %mul3A_681 = arith.muli %mul3A_680, %scan3A_73 : i32
        %add3A_682 = arith.constant 112 : i32
        %add3A_683 = arith.addi %mul3A_681, %add3A_682 : i32
        %add3A_684 = arith.addi %add3A_574, %add3A_683 : i32
        %get3A_685 = arith.index_cast %add3A_684 : i32 to index
        %get3A_686 = tpu.vector_load %arg4[%get3A_685] {strides = array<i32>} : memref<4224xf32, #tpu.memory_space<vmem>>, vector<16xf32>,
        %get3A_687 = vector.shape_cast %get3A_686 : vector<16xf32> to vector<16xf32>
        %swap3A_688 = arith.constant 4 : i32
        %swap3A_689 = arith.index_cast %rem3A_54 : i32 to index
        %swap3A_690 = arith.index_cast %swap3A_688 : i32 to index
        %swap3A_691 = arith.index_cast %add3A_683 : i32 to index
        %swap3A_692 = tpu.vector_load %arg5[%swap3A_689, %swap3A_690, %swap3A_691] {strides = array<i32>} : memref<2x8x4096xf32, #tpu.memory_space<vmem>>, vector<1x1x16xf32>,
        %swap3A_693 = vector.shape_cast %swap3A_692 : vector<1x1x16xf32> to vector<16xf32>
        %swap3A_694 = vector.shape_cast %get3A_687 : vector<16xf32> to vector<1x1x16xf32>
        tpu.vector_store %arg5[%swap3A_689, %swap3A_690, %swap3A_691], %swap3A_694 {strides = array<i32>} : memref<2x8x4096xf32, #tpu.memory_space<vmem>>, vector<1x1x16xf32>,
        %mul3A_695 = arith.constant 8 : i32
        %mul3A_696 = arith.muli %mul3A_695, %add3A_76 : i32
        %add3A_697 = arith.constant 2 : i32
        %add3A_698 = arith.addi %mul3A_696, %add3A_697 : i32
        %mul3A_699 = arith.constant 128 : i32
        %mul3A_700 = arith.muli %mul3A_699, %scan3A_73 : i32
        %add3A_701 = arith.constant 0 : i32
        %add3A_702 = arith.addi %mul3A_700, %add3A_701 : i32
        %add3A_703 = arith.addi %add3A_698, %add3A_702 : i32
        %get3A_704 = arith.index_cast %add3A_703 : i32 to index
        %get3A_705 = tpu.vector_load %arg4[%get3A_704] {strides = array<i32>} : memref<4224xf32, #tpu.memory_space<vmem>>, vector<16xf32>,
        %get3A_706 = vector.shape_cast %get3A_705 : vector<16xf32> to vector<16xf32>
        %swap3A_707 = arith.constant 5 : i32
        %swap3A_708 = arith.index_cast %rem3A_54 : i32 to index
        %swap3A_709 = arith.index_cast %swap3A_707 : i32 to index
        %swap3A_710 = arith.index_cast %add3A_702 : i32 to index
        %swap3A_711 = tpu.vector_load %arg5[%swap3A_708, %swap3A_709, %swap3A_710] {strides = array<i32>} : memref<2x8x4096xf32, #tpu.memory_space<vmem>>, vector<1x1x16xf32>,
        %swap3A_712 = vector.shape_cast %swap3A_711 : vector<1x1x16xf32> to vector<16xf32>
        %swap3A_713 = vector.shape_cast %get3A_706 : vector<16xf32> to vector<1x1x16xf32>
        tpu.vector_store %arg5[%swap3A_708, %swap3A_709, %swap3A_710], %swap3A_713 {strides = array<i32>} : memref<2x8x4096xf32, #tpu.memory_space<vmem>>, vector<1x1x16xf32>,
        %mul3A_714 = arith.constant 128 : i32
        %mul3A_715 = arith.muli %mul3A_714, %scan3A_73 : i32
        %add3A_716 = arith.constant 16 : i32
        %add3A_717 = arith.addi %mul3A_715, %add3A_716 : i32
        %add3A_718 = arith.addi %add3A_698, %add3A_717 : i32
        %get3A_719 = arith.index_cast %add3A_718 : i32 to index
        %get3A_720 = tpu.vector_load %arg4[%get3A_719] {strides = array<i32>} : memref<4224xf32, #tpu.memory_space<vmem>>, vector<16xf32>,
        %get3A_721 = vector.shape_cast %get3A_720 : vector<16xf32> to vector<16xf32>
        %swap3A_722 = arith.constant 5 : i32
        %swap3A_723 = arith.index_cast %rem3A_54 : i32 to index
        %swap3A_724 = arith.index_cast %swap3A_722 : i32 to index
        %swap3A_725 = arith.index_cast %add3A_717 : i32 to index
        %swap3A_726 = tpu.vector_load %arg5[%swap3A_723, %swap3A_724, %swap3A_725] {strides = array<i32>} : memref<2x8x4096xf32, #tpu.memory_space<vmem>>, vector<1x1x16xf32>,
        %swap3A_727 = vector.shape_cast %swap3A_726 : vector<1x1x16xf32> to vector<16xf32>
        %swap3A_728 = vector.shape_cast %get3A_721 : vector<16xf32> to vector<1x1x16xf32>
        tpu.vector_store %arg5[%swap3A_723, %swap3A_724, %swap3A_725], %swap3A_728 {strides = array<i32>} : memref<2x8x4096xf32, #tpu.memory_space<vmem>>, vector<1x1x16xf32>,
        %mul3A_729 = arith.constant 128 : i32
        %mul3A_730 = arith.muli %mul3A_729, %scan3A_73 : i32
        %add3A_731 = arith.constant 32 : i32
        %add3A_732 = arith.addi %mul3A_730, %add3A_731 : i32
        %add3A_733 = arith.addi %add3A_698, %add3A_732 : i32
        %get3A_734 = arith.index_cast %add3A_733 : i32 to index
        %get3A_735 = tpu.vector_load %arg4[%get3A_734] {strides = array<i32>} : memref<4224xf32, #tpu.memory_space<vmem>>, vector<16xf32>,
        %get3A_736 = vector.shape_cast %get3A_735 : vector<16xf32> to vector<16xf32>
        %swap3A_737 = arith.constant 5 : i32
        %swap3A_738 = arith.index_cast %rem3A_54 : i32 to index
        %swap3A_739 = arith.index_cast %swap3A_737 : i32 to index
        %swap3A_740 = arith.index_cast %add3A_732 : i32 to index
        %swap3A_741 = tpu.vector_load %arg5[%swap3A_738, %swap3A_739, %swap3A_740] {strides = array<i32>} : memref<2x8x4096xf32, #tpu.memory_space<vmem>>, vector<1x1x16xf32>,
        %swap3A_742 = vector.shape_cast %swap3A_741 : vector<1x1x16xf32> to vector<16xf32>
        %swap3A_743 = vector.shape_cast %get3A_736 : vector<16xf32> to vector<1x1x16xf32>
        tpu.vector_store %arg5[%swap3A_738, %swap3A_739, %swap3A_740], %swap3A_743 {strides = array<i32>} : memref<2x8x4096xf32, #tpu.memory_space<vmem>>, vector<1x1x16xf32>,
        %mul3A_744 = arith.constant 128 : i32
        %mul3A_745 = arith.muli %mul3A_744, %scan3A_73 : i32
        %add3A_746 = arith.constant 48 : i32
        %add3A_747 = arith.addi %mul3A_745, %add3A_746 : i32
        %add3A_748 = arith.addi %add3A_698, %add3A_747 : i32
        %get3A_749 = arith.index_cast %add3A_748 : i32 to index
        %get3A_750 = tpu.vector_load %arg4[%get3A_749] {strides = array<i32>} : memref<4224xf32, #tpu.memory_space<vmem>>, vector<16xf32>,
        %get3A_751 = vector.shape_cast %get3A_750 : vector<16xf32> to vector<16xf32>
        %swap3A_752 = arith.constant 5 : i32
        %swap3A_753 = arith.index_cast %rem3A_54 : i32 to index
        %swap3A_754 = arith.index_cast %swap3A_752 : i32 to index
        %swap3A_755 = arith.index_cast %add3A_747 : i32 to index
        %swap3A_756 = tpu.vector_load %arg5[%swap3A_753, %swap3A_754, %swap3A_755] {strides = array<i32>} : memref<2x8x4096xf32, #tpu.memory_space<vmem>>, vector<1x1x16xf32>,
        %swap3A_757 = vector.shape_cast %swap3A_756 : vector<1x1x16xf32> to vector<16xf32>
        %swap3A_758 = vector.shape_cast %get3A_751 : vector<16xf32> to vector<1x1x16xf32>
        tpu.vector_store %arg5[%swap3A_753, %swap3A_754, %swap3A_755], %swap3A_758 {strides = array<i32>} : memref<2x8x4096xf32, #tpu.memory_space<vmem>>, vector<1x1x16xf32>,
        %mul3A_759 = arith.constant 128 : i32
        %mul3A_760 = arith.muli %mul3A_759, %scan3A_73 : i32
        %add3A_761 = arith.constant 64 : i32
        %add3A_762 = arith.addi %mul3A_760, %add3A_761 : i32
        %add3A_763 = arith.addi %add3A_698, %add3A_762 : i32
        %get3A_764 = arith.index_cast %add3A_763 : i32 to index
        %get3A_765 = tpu.vector_load %arg4[%get3A_764] {strides = array<i32>} : memref<4224xf32, #tpu.memory_space<vmem>>, vector<16xf32>,
        %get3A_766 = vector.shape_cast %get3A_765 : vector<16xf32> to vector<16xf32>
        %swap3A_767 = arith.constant 5 : i32
        %swap3A_768 = arith.index_cast %rem3A_54 : i32 to index
        %swap3A_769 = arith.index_cast %swap3A_767 : i32 to index
        %swap3A_770 = arith.index_cast %add3A_762 : i32 to index
        %swap3A_771 = tpu.vector_load %arg5[%swap3A_768, %swap3A_769, %swap3A_770] {strides = array<i32>} : memref<2x8x4096xf32, #tpu.memory_space<vmem>>, vector<1x1x16xf32>,
        %swap3A_772 = vector.shape_cast %swap3A_771 : vector<1x1x16xf32> to vector<16xf32>
        %swap3A_773 = vector.shape_cast %get3A_766 : vector<16xf32> to vector<1x1x16xf32>
        tpu.vector_store %arg5[%swap3A_768, %swap3A_769, %swap3A_770], %swap3A_773 {strides = array<i32>} : memref<2x8x4096xf32, #tpu.memory_space<vmem>>, vector<1x1x16xf32>,
        %mul3A_774 = arith.constant 128 : i32
        %mul3A_775 = arith.muli %mul3A_774, %scan3A_73 : i32
        %add3A_776 = arith.constant 80 : i32
        %add3A_777 = arith.addi %mul3A_775, %add3A_776 : i32
        %add3A_778 = arith.addi %add3A_698, %add3A_777 : i32
        %get3A_779 = arith.index_cast %add3A_778 : i32 to index
        %get3A_780 = tpu.vector_load %arg4[%get3A_779] {strides = array<i32>} : memref<4224xf32, #tpu.memory_space<vmem>>, vector<16xf32>,
        %get3A_781 = vector.shape_cast %get3A_780 : vector<16xf32> to vector<16xf32>
        %swap3A_782 = arith.constant 5 : i32
        %swap3A_783 = arith.index_cast %rem3A_54 : i32 to index
        %swap3A_784 = arith.index_cast %swap3A_782 : i32 to index
        %swap3A_785 = arith.index_cast %add3A_777 : i32 to index
        %swap3A_786 = tpu.vector_load %arg5[%swap3A_783, %swap3A_784, %swap3A_785] {strides = array<i32>} : memref<2x8x4096xf32, #tpu.memory_space<vmem>>, vector<1x1x16xf32>,
        %swap3A_787 = vector.shape_cast %swap3A_786 : vector<1x1x16xf32> to vector<16xf32>
        %swap3A_788 = vector.shape_cast %get3A_781 : vector<16xf32> to vector<1x1x16xf32>
        tpu.vector_store %arg5[%swap3A_783, %swap3A_784, %swap3A_785], %swap3A_788 {strides = array<i32>} : memref<2x8x4096xf32, #tpu.memory_space<vmem>>, vector<1x1x16xf32>,
        %mul3A_789 = arith.constant 128 : i32
        %mul3A_790 = arith.muli %mul3A_789, %scan3A_73 : i32
        %add3A_791 = arith.constant 96 : i32
        %add3A_792 = arith.addi %mul3A_790, %add3A_791 : i32
        %add3A_793 = arith.addi %add3A_698, %add3A_792 : i32
        %get3A_794 = arith.index_cast %add3A_793 : i32 to index
        %get3A_795 = tpu.vector_load %arg4[%get3A_794] {strides = array<i32>} : memref<4224xf32, #tpu.memory_space<vmem>>, vector<16xf32>,
        %get3A_796 = vector.shape_cast %get3A_795 : vector<16xf32> to vector<16xf32>
        %swap3A_797 = arith.constant 5 : i32
        %swap3A_798 = arith.index_cast %rem3A_54 : i32 to index
        %swap3A_799 = arith.index_cast %swap3A_797 : i32 to index
        %swap3A_800 = arith.index_cast %add3A_792 : i32 to index
        %swap3A_801 = tpu.vector_load %arg5[%swap3A_798, %swap3A_799, %swap3A_800] {strides = array<i32>} : memref<2x8x4096xf32, #tpu.memory_space<vmem>>, vector<1x1x16xf32>,
        %swap3A_802 = vector.shape_cast %swap3A_801 : vector<1x1x16xf32> to vector<16xf32>
        %swap3A_803 = vector.shape_cast %get3A_796 : vector<16xf32> to vector<1x1x16xf32>
        tpu.vector_store %arg5[%swap3A_798, %swap3A_799, %swap3A_800], %swap3A_803 {strides = array<i32>} : memref<2x8x4096xf32, #tpu.memory_space<vmem>>, vector<1x1x16xf32>,
        %mul3A_804 = arith.constant 128 : i32
        %mul3A_805 = arith.muli %mul3A_804, %scan3A_73 : i32
        %add3A_806 = arith.constant 112 : i32
        %add3A_807 = arith.addi %mul3A_805, %add3A_806 : i32
        %add3A_808 = arith.addi %add3A_698, %add3A_807 : i32
        %get3A_809 = arith.index_cast %add3A_808 : i32 to index
        %get3A_810 = tpu.vector_load %arg4[%get3A_809] {strides = array<i32>} : memref<4224xf32, #tpu.memory_space<vmem>>, vector<16xf32>,
        %get3A_811 = vector.shape_cast %get3A_810 : vector<16xf32> to vector<16xf32>
        %swap3A_812 = arith.constant 5 : i32
        %swap3A_813 = arith.index_cast %rem3A_54 : i32 to index
        %swap3A_814 = arith.index_cast %swap3A_812 : i32 to index
        %swap3A_815 = arith.index_cast %add3A_807 : i32 to index
        %swap3A_816 = tpu.vector_load %arg5[%swap3A_813, %swap3A_814, %swap3A_815] {strides = array<i32>} : memref<2x8x4096xf32, #tpu.memory_space<vmem>>, vector<1x1x16xf32>,
        %swap3A_817 = vector.shape_cast %swap3A_816 : vector<1x1x16xf32> to vector<16xf32>
        %swap3A_818 = vector.shape_cast %get3A_811 : vector<16xf32> to vector<1x1x16xf32>
        tpu.vector_store %arg5[%swap3A_813, %swap3A_814, %swap3A_815], %swap3A_818 {strides = array<i32>} : memref<2x8x4096xf32, #tpu.memory_space<vmem>>, vector<1x1x16xf32>,
        %mul3A_819 = arith.constant 8 : i32
        %mul3A_820 = arith.muli %mul3A_819, %add3A_76 : i32
        %add3A_821 = arith.constant 1 : i32
        %add3A_822 = arith.addi %mul3A_820, %add3A_821 : i32
        %mul3A_823 = arith.constant 128 : i32
        %mul3A_824 = arith.muli %mul3A_823, %scan3A_73 : i32
        %add3A_825 = arith.constant 0 : i32
        %add3A_826 = arith.addi %mul3A_824, %add3A_825 : i32
        %add3A_827 = arith.addi %add3A_822, %add3A_826 : i32
        %get3A_828 = arith.index_cast %add3A_827 : i32 to index
        %get3A_829 = tpu.vector_load %arg4[%get3A_828] {strides = array<i32>} : memref<4224xf32, #tpu.memory_space<vmem>>, vector<16xf32>,
        %get3A_830 = vector.shape_cast %get3A_829 : vector<16xf32> to vector<16xf32>
        %swap3A_831 = arith.constant 6 : i32
        %swap3A_832 = arith.index_cast %rem3A_54 : i32 to index
        %swap3A_833 = arith.index_cast %swap3A_831 : i32 to index
        %swap3A_834 = arith.index_cast %add3A_826 : i32 to index
        %swap3A_835 = tpu.vector_load %arg5[%swap3A_832, %swap3A_833, %swap3A_834] {strides = array<i32>} : memref<2x8x4096xf32, #tpu.memory_space<vmem>>, vector<1x1x16xf32>,
        %swap3A_836 = vector.shape_cast %swap3A_835 : vector<1x1x16xf32> to vector<16xf32>
        %swap3A_837 = vector.shape_cast %get3A_830 : vector<16xf32> to vector<1x1x16xf32>
        tpu.vector_store %arg5[%swap3A_832, %swap3A_833, %swap3A_834], %swap3A_837 {strides = array<i32>} : memref<2x8x4096xf32, #tpu.memory_space<vmem>>, vector<1x1x16xf32>,
        %mul3A_838 = arith.constant 128 : i32
        %mul3A_839 = arith.muli %mul3A_838, %scan3A_73 : i32
        %add3A_840 = arith.constant 16 : i32
        %add3A_841 = arith.addi %mul3A_839, %add3A_840 : i32
        %add3A_842 = arith.addi %add3A_822, %add3A_841 : i32
        %get3A_843 = arith.index_cast %add3A_842 : i32 to index
        %get3A_844 = tpu.vector_load %arg4[%get3A_843] {strides = array<i32>} : memref<4224xf32, #tpu.memory_space<vmem>>, vector<16xf32>,
        %get3A_845 = vector.shape_cast %get3A_844 : vector<16xf32> to vector<16xf32>
        %swap3A_846 = arith.constant 6 : i32
        %swap3A_847 = arith.index_cast %rem3A_54 : i32 to index
        %swap3A_848 = arith.index_cast %swap3A_846 : i32 to index
        %swap3A_849 = arith.index_cast %add3A_841 : i32 to index
        %swap3A_850 = tpu.vector_load %arg5[%swap3A_847, %swap3A_848, %swap3A_849] {strides = array<i32>} : memref<2x8x4096xf32, #tpu.memory_space<vmem>>, vector<1x1x16xf32>,
        %swap3A_851 = vector.shape_cast %swap3A_850 : vector<1x1x16xf32> to vector<16xf32>
        %swap3A_852 = vector.shape_cast %get3A_845 : vector<16xf32> to vector<1x1x16xf32>
        tpu.vector_store %arg5[%swap3A_847, %swap3A_848, %swap3A_849], %swap3A_852 {strides = array<i32>} : memref<2x8x4096xf32, #tpu.memory_space<vmem>>, vector<1x1x16xf32>,
        %mul3A_853 = arith.constant 128 : i32
        %mul3A_854 = arith.muli %mul3A_853, %scan3A_73 : i32
        %add3A_855 = arith.constant 32 : i32
        %add3A_856 = arith.addi %mul3A_854, %add3A_855 : i32
        %add3A_857 = arith.addi %add3A_822, %add3A_856 : i32
        %get3A_858 = arith.index_cast %add3A_857 : i32 to index
        %get3A_859 = tpu.vector_load %arg4[%get3A_858] {strides = array<i32>} : memref<4224xf32, #tpu.memory_space<vmem>>, vector<16xf32>,
        %get3A_860 = vector.shape_cast %get3A_859 : vector<16xf32> to vector<16xf32>
        %swap3A_861 = arith.constant 6 : i32
        %swap3A_862 = arith.index_cast %rem3A_54 : i32 to index
        %swap3A_863 = arith.index_cast %swap3A_861 : i32 to index
        %swap3A_864 = arith.index_cast %add3A_856 : i32 to index
        %swap3A_865 = tpu.vector_load %arg5[%swap3A_862, %swap3A_863, %swap3A_864] {strides = array<i32>} : memref<2x8x4096xf32, #tpu.memory_space<vmem>>, vector<1x1x16xf32>,
        %swap3A_866 = vector.shape_cast %swap3A_865 : vector<1x1x16xf32> to vector<16xf32>
        %swap3A_867 = vector.shape_cast %get3A_860 : vector<16xf32> to vector<1x1x16xf32>
        tpu.vector_store %arg5[%swap3A_862, %swap3A_863, %swap3A_864], %swap3A_867 {strides = array<i32>} : memref<2x8x4096xf32, #tpu.memory_space<vmem>>, vector<1x1x16xf32>,
        %mul3A_868 = arith.constant 128 : i32
        %mul3A_869 = arith.muli %mul3A_868, %scan3A_73 : i32
        %add3A_870 = arith.constant 48 : i32
        %add3A_871 = arith.addi %mul3A_869, %add3A_870 : i32
        %add3A_872 = arith.addi %add3A_822, %add3A_871 : i32
        %get3A_873 = arith.index_cast %add3A_872 : i32 to index
        %get3A_874 = tpu.vector_load %arg4[%get3A_873] {strides = array<i32>} : memref<4224xf32, #tpu.memory_space<vmem>>, vector<16xf32>,
        %get3A_875 = vector.shape_cast %get3A_874 : vector<16xf32> to vector<16xf32>
        %swap3A_876 = arith.constant 6 : i32
        %swap3A_877 = arith.index_cast %rem3A_54 : i32 to index
        %swap3A_878 = arith.index_cast %swap3A_876 : i32 to index
        %swap3A_879 = arith.index_cast %add3A_871 : i32 to index
        %swap3A_880 = tpu.vector_load %arg5[%swap3A_877, %swap3A_878, %swap3A_879] {strides = array<i32>} : memref<2x8x4096xf32, #tpu.memory_space<vmem>>, vector<1x1x16xf32>,
        %swap3A_881 = vector.shape_cast %swap3A_880 : vector<1x1x16xf32> to vector<16xf32>
        %swap3A_882 = vector.shape_cast %get3A_875 : vector<16xf32> to vector<1x1x16xf32>
        tpu.vector_store %arg5[%swap3A_877, %swap3A_878, %swap3A_879], %swap3A_882 {strides = array<i32>} : memref<2x8x4096xf32, #tpu.memory_space<vmem>>, vector<1x1x16xf32>,
        %mul3A_883 = arith.constant 128 : i32
        %mul3A_884 = arith.muli %mul3A_883, %scan3A_73 : i32
        %add3A_885 = arith.constant 64 : i32
        %add3A_886 = arith.addi %mul3A_884, %add3A_885 : i32
        %add3A_887 = arith.addi %add3A_822, %add3A_886 : i32
        %get3A_888 = arith.index_cast %add3A_887 : i32 to index
        %get3A_889 = tpu.vector_load %arg4[%get3A_888] {strides = array<i32>} : memref<4224xf32, #tpu.memory_space<vmem>>, vector<16xf32>,
        %get3A_890 = vector.shape_cast %get3A_889 : vector<16xf32> to vector<16xf32>
        %swap3A_891 = arith.constant 6 : i32
        %swap3A_892 = arith.index_cast %rem3A_54 : i32 to index
        %swap3A_893 = arith.index_cast %swap3A_891 : i32 to index
        %swap3A_894 = arith.index_cast %add3A_886 : i32 to index
        %swap3A_895 = tpu.vector_load %arg5[%swap3A_892, %swap3A_893, %swap3A_894] {strides = array<i32>} : memref<2x8x4096xf32, #tpu.memory_space<vmem>>, vector<1x1x16xf32>,
        %swap3A_896 = vector.shape_cast %swap3A_895 : vector<1x1x16xf32> to vector<16xf32>
        %swap3A_897 = vector.shape_cast %get3A_890 : vector<16xf32> to vector<1x1x16xf32>
        tpu.vector_store %arg5[%swap3A_892, %swap3A_893, %swap3A_894], %swap3A_897 {strides = array<i32>} : memref<2x8x4096xf32, #tpu.memory_space<vmem>>, vector<1x1x16xf32>,
        %mul3A_898 = arith.constant 128 : i32
        %mul3A_899 = arith.muli %mul3A_898, %scan3A_73 : i32
        %add3A_900 = arith.constant 80 : i32
        %add3A_901 = arith.addi %mul3A_899, %add3A_900 : i32
        %add3A_902 = arith.addi %add3A_822, %add3A_901 : i32
        %get3A_903 = arith.index_cast %add3A_902 : i32 to index
        %get3A_904 = tpu.vector_load %arg4[%get3A_903] {strides = array<i32>} : memref<4224xf32, #tpu.memory_space<vmem>>, vector<16xf32>,
        %get3A_905 = vector.shape_cast %get3A_904 : vector<16xf32> to vector<16xf32>
        %swap3A_906 = arith.constant 6 : i32
        %swap3A_907 = arith.index_cast %rem3A_54 : i32 to index
        %swap3A_908 = arith.index_cast %swap3A_906 : i32 to index
        %swap3A_909 = arith.index_cast %add3A_901 : i32 to index
        %swap3A_910 = tpu.vector_load %arg5[%swap3A_907, %swap3A_908, %swap3A_909] {strides = array<i32>} : memref<2x8x4096xf32, #tpu.memory_space<vmem>>, vector<1x1x16xf32>,
        %swap3A_911 = vector.shape_cast %swap3A_910 : vector<1x1x16xf32> to vector<16xf32>
        %swap3A_912 = vector.shape_cast %get3A_905 : vector<16xf32> to vector<1x1x16xf32>
        tpu.vector_store %arg5[%swap3A_907, %swap3A_908, %swap3A_909], %swap3A_912 {strides = array<i32>} : memref<2x8x4096xf32, #tpu.memory_space<vmem>>, vector<1x1x16xf32>,
        %mul3A_913 = arith.constant 128 : i32
        %mul3A_914 = arith.muli %mul3A_913, %scan3A_73 : i32
        %add3A_915 = arith.constant 96 : i32
        %add3A_916 = arith.addi %mul3A_914, %add3A_915 : i32
        %add3A_917 = arith.addi %add3A_822, %add3A_916 : i32
        %get3A_918 = arith.index_cast %add3A_917 : i32 to index
        %get3A_919 = tpu.vector_load %arg4[%get3A_918] {strides = array<i32>} : memref<4224xf32, #tpu.memory_space<vmem>>, vector<16xf32>,
        %get3A_920 = vector.shape_cast %get3A_919 : vector<16xf32> to vector<16xf32>
        %swap3A_921 = arith.constant 6 : i32
        %swap3A_922 = arith.index_cast %rem3A_54 : i32 to index
        %swap3A_923 = arith.index_cast %swap3A_921 : i32 to index
        %swap3A_924 = arith.index_cast %add3A_916 : i32 to index
        %swap3A_925 = tpu.vector_load %arg5[%swap3A_922, %swap3A_923, %swap3A_924] {strides = array<i32>} : memref<2x8x4096xf32, #tpu.memory_space<vmem>>, vector<1x1x16xf32>,
        %swap3A_926 = vector.shape_cast %swap3A_925 : vector<1x1x16xf32> to vector<16xf32>
        %swap3A_927 = vector.shape_cast %get3A_920 : vector<16xf32> to vector<1x1x16xf32>
        tpu.vector_store %arg5[%swap3A_922, %swap3A_923, %swap3A_924], %swap3A_927 {strides = array<i32>} : memref<2x8x4096xf32, #tpu.memory_space<vmem>>, vector<1x1x16xf32>,
        %mul3A_928 = arith.constant 128 : i32
        %mul3A_929 = arith.muli %mul3A_928, %scan3A_73 : i32
        %add3A_930 = arith.constant 112 : i32
        %add3A_931 = arith.addi %mul3A_929, %add3A_930 : i32
        %add3A_932 = arith.addi %add3A_822, %add3A_931 : i32
        %get3A_933 = arith.index_cast %add3A_932 : i32 to index
        %get3A_934 = tpu.vector_load %arg4[%get3A_933] {strides = array<i32>} : memref<4224xf32, #tpu.memory_space<vmem>>, vector<16xf32>,
        %get3A_935 = vector.shape_cast %get3A_934 : vector<16xf32> to vector<16xf32>
        %swap3A_936 = arith.constant 6 : i32
        %swap3A_937 = arith.index_cast %rem3A_54 : i32 to index
        %swap3A_938 = arith.index_cast %swap3A_936 : i32 to index
        %swap3A_939 = arith.index_cast %add3A_931 : i32 to index
        %swap3A_940 = tpu.vector_load %arg5[%swap3A_937, %swap3A_938, %swap3A_939] {strides = array<i32>} : memref<2x8x4096xf32, #tpu.memory_space<vmem>>, vector<1x1x16xf32>,
        %swap3A_941 = vector.shape_cast %swap3A_940 : vector<1x1x16xf32> to vector<16xf32>
        %swap3A_942 = vector.shape_cast %get3A_935 : vector<16xf32> to vector<1x1x16xf32>
        tpu.vector_store %arg5[%swap3A_937, %swap3A_938, %swap3A_939], %swap3A_942 {strides = array<i32>} : memref<2x8x4096xf32, #tpu.memory_space<vmem>>, vector<1x1x16xf32>,
        %mul3A_943 = arith.constant 8 : i32
        %mul3A_944 = arith.muli %mul3A_943, %add3A_76 : i32
        %add3A_945 = arith.constant 0 : i32
        %add3A_946 = arith.addi %mul3A_944, %add3A_945 : i32
        %mul3A_947 = arith.constant 128 : i32
        %mul3A_948 = arith.muli %mul3A_947, %scan3A_73 : i32
        %add3A_949 = arith.constant 0 : i32
        %add3A_950 = arith.addi %mul3A_948, %add3A_949 : i32
        %add3A_951 = arith.addi %add3A_946, %add3A_950 : i32
        %get3A_952 = arith.index_cast %add3A_951 : i32 to index
        %get3A_953 = tpu.vector_load %arg4[%get3A_952] {strides = array<i32>} : memref<4224xf32, #tpu.memory_space<vmem>>, vector<16xf32>,
        %get3A_954 = vector.shape_cast %get3A_953 : vector<16xf32> to vector<16xf32>
        %swap3A_955 = arith.constant 7 : i32
        %swap3A_956 = arith.index_cast %rem3A_54 : i32 to index
        %swap3A_957 = arith.index_cast %swap3A_955 : i32 to index
        %swap3A_958 = arith.index_cast %add3A_950 : i32 to index
        %swap3A_959 = tpu.vector_load %arg5[%swap3A_956, %swap3A_957, %swap3A_958] {strides = array<i32>} : memref<2x8x4096xf32, #tpu.memory_space<vmem>>, vector<1x1x16xf32>,
        %swap3A_960 = vector.shape_cast %swap3A_959 : vector<1x1x16xf32> to vector<16xf32>
        %swap3A_961 = vector.shape_cast %get3A_954 : vector<16xf32> to vector<1x1x16xf32>
        tpu.vector_store %arg5[%swap3A_956, %swap3A_957, %swap3A_958], %swap3A_961 {strides = array<i32>} : memref<2x8x4096xf32, #tpu.memory_space<vmem>>, vector<1x1x16xf32>,
        %mul3A_962 = arith.constant 128 : i32
        %mul3A_963 = arith.muli %mul3A_962, %scan3A_73 : i32
        %add3A_964 = arith.constant 16 : i32
        %add3A_965 = arith.addi %mul3A_963, %add3A_964 : i32
        %add3A_966 = arith.addi %add3A_946, %add3A_965 : i32
        %get3A_967 = arith.index_cast %add3A_966 : i32 to index
        %get3A_968 = tpu.vector_load %arg4[%get3A_967] {strides = array<i32>} : memref<4224xf32, #tpu.memory_space<vmem>>, vector<16xf32>,
        %get3A_969 = vector.shape_cast %get3A_968 : vector<16xf32> to vector<16xf32>
        %swap3A_970 = arith.constant 7 : i32
        %swap3A_971 = arith.index_cast %rem3A_54 : i32 to index
        %swap3A_972 = arith.index_cast %swap3A_970 : i32 to index
        %swap3A_973 = arith.index_cast %add3A_965 : i32 to index
        %swap3A_974 = tpu.vector_load %arg5[%swap3A_971, %swap3A_972, %swap3A_973] {strides = array<i32>} : memref<2x8x4096xf32, #tpu.memory_space<vmem>>, vector<1x1x16xf32>,
        %swap3A_975 = vector.shape_cast %swap3A_974 : vector<1x1x16xf32> to vector<16xf32>
        %swap3A_976 = vector.shape_cast %get3A_969 : vector<16xf32> to vector<1x1x16xf32>
        tpu.vector_store %arg5[%swap3A_971, %swap3A_972, %swap3A_973], %swap3A_976 {strides = array<i32>} : memref<2x8x4096xf32, #tpu.memory_space<vmem>>, vector<1x1x16xf32>,
        %mul3A_977 = arith.constant 128 : i32
        %mul3A_978 = arith.muli %mul3A_977, %scan3A_73 : i32
        %add3A_979 = arith.constant 32 : i32
        %add3A_980 = arith.addi %mul3A_978, %add3A_979 : i32
        %add3A_981 = arith.addi %add3A_946, %add3A_980 : i32
        %get3A_982 = arith.index_cast %add3A_981 : i32 to index
        %get3A_983 = tpu.vector_load %arg4[%get3A_982] {strides = array<i32>} : memref<4224xf32, #tpu.memory_space<vmem>>, vector<16xf32>,
        %get3A_984 = vector.shape_cast %get3A_983 : vector<16xf32> to vector<16xf32>
        %swap3A_985 = arith.constant 7 : i32
        %swap3A_986 = arith.index_cast %rem3A_54 : i32 to index
        %swap3A_987 = arith.index_cast %swap3A_985 : i32 to index
        %swap3A_988 = arith.index_cast %add3A_980 : i32 to index
        %swap3A_989 = tpu.vector_load %arg5[%swap3A_986, %swap3A_987, %swap3A_988] {strides = array<i32>} : memref<2x8x4096xf32, #tpu.memory_space<vmem>>, vector<1x1x16xf32>,
        %swap3A_990 = vector.shape_cast %swap3A_989 : vector<1x1x16xf32> to vector<16xf32>
        %swap3A_991 = vector.shape_cast %get3A_984 : vector<16xf32> to vector<1x1x16xf32>
        tpu.vector_store %arg5[%swap3A_986, %swap3A_987, %swap3A_988], %swap3A_991 {strides = array<i32>} : memref<2x8x4096xf32, #tpu.memory_space<vmem>>, vector<1x1x16xf32>,
        %mul3A_992 = arith.constant 128 : i32
        %mul3A_993 = arith.muli %mul3A_992, %scan3A_73 : i32
        %add3A_994 = arith.constant 48 : i32
        %add3A_995 = arith.addi %mul3A_993, %add3A_994 : i32
        %add3A_996 = arith.addi %add3A_946, %add3A_995 : i32
        %get3A_997 = arith.index_cast %add3A_996 : i32 to index
        %get3A_998 = tpu.vector_load %arg4[%get3A_997] {strides = array<i32>} : memref<4224xf32, #tpu.memory_space<vmem>>, vector<16xf32>,
        %get3A_999 = vector.shape_cast %get3A_998 : vector<16xf32> to vector<16xf32>
        %swap3A_1000 = arith.constant 7 : i32
        %swap3A_1001 = arith.index_cast %rem3A_54 : i32 to index
        %swap3A_1002 = arith.index_cast %swap3A_1000 : i32 to index
        %swap3A_1003 = arith.index_cast %add3A_995 : i32 to index
        %swap3A_1004 = tpu.vector_load %arg5[%swap3A_1001, %swap3A_1002, %swap3A_1003] {strides = array<i32>} : memref<2x8x4096xf32, #tpu.memory_space<vmem>>, vector<1x1x16xf32>,
        %swap3A_1005 = vector.shape_cast %swap3A_1004 : vector<1x1x16xf32> to vector<16xf32>
        %swap3A_1006 = vector.shape_cast %get3A_999 : vector<16xf32> to vector<1x1x16xf32>
        tpu.vector_store %arg5[%swap3A_1001, %swap3A_1002, %swap3A_1003], %swap3A_1006 {strides = array<i32>} : memref<2x8x4096xf32, #tpu.memory_space<vmem>>, vector<1x1x16xf32>,
        %mul3A_1007 = arith.constant 128 : i32
        %mul3A_1008 = arith.muli %mul3A_1007, %scan3A_73 : i32
        %add3A_1009 = arith.constant 64 : i32
        %add3A_1010 = arith.addi %mul3A_1008, %add3A_1009 : i32
        %add3A_1011 = arith.addi %add3A_946, %add3A_1010 : i32
        %get3A_1012 = arith.index_cast %add3A_1011 : i32 to index
        %get3A_1013 = tpu.vector_load %arg4[%get3A_1012] {strides = array<i32>} : memref<4224xf32, #tpu.memory_space<vmem>>, vector<16xf32>,
        %get3A_1014 = vector.shape_cast %get3A_1013 : vector<16xf32> to vector<16xf32>
        %swap3A_1015 = arith.constant 7 : i32
        %swap3A_1016 = arith.index_cast %rem3A_54 : i32 to index
        %swap3A_1017 = arith.index_cast %swap3A_1015 : i32 to index
        %swap3A_1018 = arith.index_cast %add3A_1010 : i32 to index
        %swap3A_1019 = tpu.vector_load %arg5[%swap3A_1016, %swap3A_1017, %swap3A_1018] {strides = array<i32>} : memref<2x8x4096xf32, #tpu.memory_space<vmem>>, vector<1x1x16xf32>,
        %swap3A_1020 = vector.shape_cast %swap3A_1019 : vector<1x1x16xf32> to vector<16xf32>
        %swap3A_1021 = vector.shape_cast %get3A_1014 : vector<16xf32> to vector<1x1x16xf32>
        tpu.vector_store %arg5[%swap3A_1016, %swap3A_1017, %swap3A_1018], %swap3A_1021 {strides = array<i32>} : memref<2x8x4096xf32, #tpu.memory_space<vmem>>, vector<1x1x16xf32>,
        %mul3A_1022 = arith.constant 128 : i32
        %mul3A_1023 = arith.muli %mul3A_1022, %scan3A_73 : i32
        %add3A_1024 = arith.constant 80 : i32
        %add3A_1025 = arith.addi %mul3A_1023, %add3A_1024 : i32
        %add3A_1026 = arith.addi %add3A_946, %add3A_1025 : i32
        %get3A_1027 = arith.index_cast %add3A_1026 : i32 to index
        %get3A_1028 = tpu.vector_load %arg4[%get3A_1027] {strides = array<i32>} : memref<4224xf32, #tpu.memory_space<vmem>>, vector<16xf32>,
        %get3A_1029 = vector.shape_cast %get3A_1028 : vector<16xf32> to vector<16xf32>
        %swap3A_1030 = arith.constant 7 : i32
        %swap3A_1031 = arith.index_cast %rem3A_54 : i32 to index
        %swap3A_1032 = arith.index_cast %swap3A_1030 : i32 to index
        %swap3A_1033 = arith.index_cast %add3A_1025 : i32 to index
        %swap3A_1034 = tpu.vector_load %arg5[%swap3A_1031, %swap3A_1032, %swap3A_1033] {strides = array<i32>} : memref<2x8x4096xf32, #tpu.memory_space<vmem>>, vector<1x1x16xf32>,
        %swap3A_1035 = vector.shape_cast %swap3A_1034 : vector<1x1x16xf32> to vector<16xf32>
        %swap3A_1036 = vector.shape_cast %get3A_1029 : vector<16xf32> to vector<1x1x16xf32>
        tpu.vector_store %arg5[%swap3A_1031, %swap3A_1032, %swap3A_1033], %swap3A_1036 {strides = array<i32>} : memref<2x8x4096xf32, #tpu.memory_space<vmem>>, vector<1x1x16xf32>,
        %mul3A_1037 = arith.constant 128 : i32
        %mul3A_1038 = arith.muli %mul3A_1037, %scan3A_73 : i32
        %add3A_1039 = arith.constant 96 : i32
        %add3A_1040 = arith.addi %mul3A_1038, %add3A_1039 : i32
        %add3A_1041 = arith.addi %add3A_946, %add3A_1040 : i32
        %get3A_1042 = arith.index_cast %add3A_1041 : i32 to index
        %get3A_1043 = tpu.vector_load %arg4[%get3A_1042] {strides = array<i32>} : memref<4224xf32, #tpu.memory_space<vmem>>, vector<16xf32>,
        %get3A_1044 = vector.shape_cast %get3A_1043 : vector<16xf32> to vector<16xf32>
        %swap3A_1045 = arith.constant 7 : i32
        %swap3A_1046 = arith.index_cast %rem3A_54 : i32 to index
        %swap3A_1047 = arith.index_cast %swap3A_1045 : i32 to index
        %swap3A_1048 = arith.index_cast %add3A_1040 : i32 to index
        %swap3A_1049 = tpu.vector_load %arg5[%swap3A_1046, %swap3A_1047, %swap3A_1048] {strides = array<i32>} : memref<2x8x4096xf32, #tpu.memory_space<vmem>>, vector<1x1x16xf32>,
        %swap3A_1050 = vector.shape_cast %swap3A_1049 : vector<1x1x16xf32> to vector<16xf32>
        %swap3A_1051 = vector.shape_cast %get3A_1044 : vector<16xf32> to vector<1x1x16xf32>
        tpu.vector_store %arg5[%swap3A_1046, %swap3A_1047, %swap3A_1048], %swap3A_1051 {strides = array<i32>} : memref<2x8x4096xf32, #tpu.memory_space<vmem>>, vector<1x1x16xf32>,
        %mul3A_1052 = arith.constant 128 : i32
        %mul3A_1053 = arith.muli %mul3A_1052, %scan3A_73 : i32
        %add3A_1054 = arith.constant 112 : i32
        %add3A_1055 = arith.addi %mul3A_1053, %add3A_1054 : i32
        %add3A_1056 = arith.addi %add3A_946, %add3A_1055 : i32
        %get3A_1057 = arith.index_cast %add3A_1056 : i32 to index
        %get3A_1058 = tpu.vector_load %arg4[%get3A_1057] {strides = array<i32>} : memref<4224xf32, #tpu.memory_space<vmem>>, vector<16xf32>,
        %get3A_1059 = vector.shape_cast %get3A_1058 : vector<16xf32> to vector<16xf32>
        %swap3A_1060 = arith.constant 7 : i32
        %swap3A_1061 = arith.index_cast %rem3A_54 : i32 to index
        %swap3A_1062 = arith.index_cast %swap3A_1060 : i32 to index
        %swap3A_1063 = arith.index_cast %add3A_1055 : i32 to index
        %swap3A_1064 = tpu.vector_load %arg5[%swap3A_1061, %swap3A_1062, %swap3A_1063] {strides = array<i32>} : memref<2x8x4096xf32, #tpu.memory_space<vmem>>, vector<1x1x16xf32>,
        %swap3A_1065 = vector.shape_cast %swap3A_1064 : vector<1x1x16xf32> to vector<16xf32>
        %swap3A_1066 = vector.shape_cast %get3A_1059 : vector<16xf32> to vector<1x1x16xf32>
        tpu.vector_store %arg5[%swap3A_1061, %swap3A_1062, %swap3A_1063], %swap3A_1066 {strides = array<i32>} : memref<2x8x4096xf32, #tpu.memory_space<vmem>>, vector<1x1x16xf32>,
      }
      %scan3A_60 = arith.constant 32 : i32
      %scan3A_61 = arith.constant 0 : i32
      %scan3A_62 = arith.constant 0 : i32
      %scan3A_63 = arith.constant 16 : i32
      %scan3A_64 = arith.addi %scan3A_62, %scan3A_63 : i32
      %scan3A_65 = arith.constant 1 : i32
      scf.for %scan3A_73 = %scan3A_62 to %scan3A_64 step %scan3A_65  : i32 {
        %mul3A_74 = arith.constant 2 : i32
        %mul3A_75 = arith.muli %mul3A_74, %scan3A_52 : i32
        %add3A_76 = arith.addi %mul3A_75, %sub3A_32 : i32
        %sub3A_77 = arith.constant 15 : i32
        %sub3A_78 = arith.subi %sub3A_77, %add3A_76 : i32
        %sub3A_79 = arith.constant 15 : i32
        %sub3A_80 = arith.subi %sub3A_79, %scan3A_73 : i32
        %mul3A_81 = arith.constant 128 : i32
        %mul3A_82 = arith.muli %mul3A_81, %sub3A_80 : i32
        %multiple_of3A_83 = tpu.assume_multiple %mul3A_82, 128 : i32
        %mul3A_84 = arith.constant 16 : i32
        %mul3A_85 = arith.muli %mul3A_84, %scan3A_73 : i32
        %add3A_86 = arith.addi %sub3A_78, %mul3A_85 : i32
        %mul3A_87 = arith.constant 8 : i32
        %mul3A_88 = arith.muli %mul3A_87, %add3A_86 : i32
        %multiple_of3A_89 = tpu.assume_multiple %mul3A_88, 8 : i32
        %dma_start3A = arith.constant 0 : i32
        %dma_start3A_90 = tpu.memref_slice %arg5[%rem3A_54, %dma_start3A, %multiple_of3A_83] : memref<2x8x4096xf32, #tpu.memory_space<vmem>> -> memref<1x8x2048xf32, #tpu.memory_space<vmem>>
        %dma_start3A_91 = tpu.memref_squeeze %dma_start3A_90 : memref<1x8x2048xf32, #tpu.memory_space<vmem>> -> memref<8x2048xf32, #tpu.memory_space<vmem>>
        %dma_start3A_92 = arith.constant 0 : i32
        %dma_start3A_93 = tpu.memref_slice %arg3[%select_n3A, %multiple_of3A_89, %dma_start3A_92] : memref<16x2048x2048xf32, #tpu.memory_space<hbm>> -> memref<1x8x2048xf32, #tpu.memory_space<hbm>>
        %dma_start3A_94 = tpu.memref_squeeze %dma_start3A_93 : memref<1x8x2048xf32, #tpu.memory_space<hbm>> -> memref<8x2048xf32, #tpu.memory_space<hbm>>
        %dma_start3A_95 = arith.constant 0 : i32
        %dma_start3A_96 = tpu.memref_slice %arg3[%select_n3A, %multiple_of3A_89, %dma_start3A_95] : memref<16x2048x2048xf32, #tpu.memory_space<hbm>> -> memref<1x8x2048xf32, #tpu.memory_space<hbm>>
        %dma_start3A_97 = tpu.memref_squeeze %dma_start3A_96 : memref<1x8x2048xf32, #tpu.memory_space<hbm>> -> memref<8x2048xf32, #tpu.memory_space<hbm>>
        %dma_start3A_98 = arith.constant 0 : i32
        %dma_start3A_99 = tpu.memref_slice %arg5[%rem3A_54, %dma_start3A_98, %multiple_of3A_83] : memref<2x8x4096xf32, #tpu.memory_space<vmem>> -> memref<1x8x2048xf32, #tpu.memory_space<vmem>>
        %dma_start3A_100 = tpu.memref_squeeze %dma_start3A_99 : memref<1x8x2048xf32, #tpu.memory_space<vmem>> -> memref<8x2048xf32, #tpu.memory_space<vmem>>
        tpu.enqueue_dma source(%dma_start3A_100 : memref<8x2048xf32, #tpu.memory_space<vmem>>) target(%dma_start3A_97 : memref<8x2048xf32, #tpu.memory_space<hbm>>) target_semaphore(%arg6 : memref<!tpu.dma_semaphore, #tpu.memory_space<semaphore_mem>>)
      }
      %scan3A_66 = arith.constant 16 : i32
      %scan3A_67 = arith.constant 0 : i32
      %scan3A_68 = arith.constant 0 : i32
      %scan3A_69 = arith.constant 16 : i32
      %scan3A_70 = arith.addi %scan3A_68, %scan3A_69 : i32
      %scan3A_71 = arith.constant 1 : i32
      scf.for %scan3A_73 = %scan3A_68 to %scan3A_70 step %scan3A_71  : i32 {
        %dma_wait3A = arith.constant 0 : i32
        %dma_wait3A_74 = arith.constant 0 : i32
        %dma_wait3A_75 = arith.constant 0 : i32
        %dma_wait3A_76 = tpu.memref_slice %arg5[%dma_wait3A, %dma_wait3A_74, %dma_wait3A_75] : memref<2x8x4096xf32, #tpu.memory_space<vmem>> -> memref<1x8x2048xf32, #tpu.memory_space<vmem>>
        %dma_wait3A_77 = tpu.memref_squeeze %dma_wait3A_76 : memref<1x8x2048xf32, #tpu.memory_space<vmem>> -> memref<8x2048xf32, #tpu.memory_space<vmem>>
        %dma_wait3A_78 = arith.constant 0 : i32
        %dma_wait3A_79 = arith.constant 0 : i32
        %dma_wait3A_80 = tpu.memref_slice %arg3[%select_n3A, %dma_wait3A_78, %dma_wait3A_79] : memref<16x2048x2048xf32, #tpu.memory_space<hbm>> -> memref<1x8x2048xf32, #tpu.memory_space<hbm>>
        %dma_wait3A_81 = tpu.memref_squeeze %dma_wait3A_80 : memref<1x8x2048xf32, #tpu.memory_space<hbm>> -> memref<8x2048xf32, #tpu.memory_space<hbm>>
        %dma_wait3A_82 = arith.constant 0 : i32
        %dma_wait3A_83 = arith.constant 0 : i32
        %dma_wait3A_84 = tpu.memref_slice %arg3[%select_n3A, %dma_wait3A_82, %dma_wait3A_83] : memref<16x2048x2048xf32, #tpu.memory_space<hbm>> -> memref<1x8x2048xf32, #tpu.memory_space<hbm>>
        %dma_wait3A_85 = tpu.memref_squeeze %dma_wait3A_84 : memref<1x8x2048xf32, #tpu.memory_space<hbm>> -> memref<8x2048xf32, #tpu.memory_space<hbm>>
        %dma_wait3A_86 = arith.constant 0 : i32
        %dma_wait3A_87 = arith.constant 0 : i32
        %dma_wait3A_88 = tpu.memref_slice %arg5[%dma_wait3A, %dma_wait3A_86, %dma_wait3A_87] : memref<2x8x4096xf32, #tpu.memory_space<vmem>> -> memref<1x8x2048xf32, #tpu.memory_space<vmem>>
        %dma_wait3A_89 = tpu.memref_squeeze %dma_wait3A_88 : memref<1x8x2048xf32, #tpu.memory_space<vmem>> -> memref<8x2048xf32, #tpu.memory_space<vmem>>
        tpu.wait_dma2 semaphore(%arg6 : memref<!tpu.dma_semaphore, #tpu.memory_space<semaphore_mem>>) src(%dma_wait3A_89 : memref<8x2048xf32, #tpu.memory_space<vmem>>) dst(%dma_wait3A_85 : memref<8x2048xf32, #tpu.memory_space<hbm>>)
      }
      %scan3A_72 = arith.constant 16 : i32
    }
    %scan3A_45 = arith.constant 7 : i32
    %scan3A_46 = arith.constant 0 : i32
    %scan3A_47 = arith.constant 0 : i32
    %scan3A_48 = arith.constant 16 : i32
    %scan3A_49 = arith.addi %scan3A_47, %scan3A_48 : i32
    %scan3A_50 = arith.constant 1 : i32
    scf.for %scan3A_52 = %scan3A_47 to %scan3A_49 step %scan3A_50  : i32 {
      %dma_wait3A = arith.constant 0 : i32
      %dma_wait3A_53 = arith.constant 0 : i32
      %dma_wait3A_54 = arith.constant 0 : i32
      %dma_wait3A_55 = tpu.memref_slice %arg5[%dma_wait3A, %dma_wait3A_53, %dma_wait3A_54] : memref<2x8x4096xf32, #tpu.memory_space<vmem>> -> memref<1x8x2048xf32, #tpu.memory_space<vmem>>
      %dma_wait3A_56 = tpu.memref_squeeze %dma_wait3A_55 : memref<1x8x2048xf32, #tpu.memory_space<vmem>> -> memref<8x2048xf32, #tpu.memory_space<vmem>>
      %dma_wait3A_57 = arith.constant 0 : i32
      %dma_wait3A_58 = arith.constant 0 : i32
      %dma_wait3A_59 = tpu.memref_slice %arg3[%select_n3A, %dma_wait3A_57, %dma_wait3A_58] : memref<16x2048x2048xf32, #tpu.memory_space<hbm>> -> memref<1x8x2048xf32, #tpu.memory_space<hbm>>
      %dma_wait3A_60 = tpu.memref_squeeze %dma_wait3A_59 : memref<1x8x2048xf32, #tpu.memory_space<hbm>> -> memref<8x2048xf32, #tpu.memory_space<hbm>>
      %dma_wait3A_61 = arith.constant 0 : i32
      %dma_wait3A_62 = arith.constant 0 : i32
      %dma_wait3A_63 = tpu.memref_slice %arg3[%select_n3A, %dma_wait3A_61, %dma_wait3A_62] : memref<16x2048x2048xf32, #tpu.memory_space<hbm>> -> memref<1x8x2048xf32, #tpu.memory_space<hbm>>
      %dma_wait3A_64 = tpu.memref_squeeze %dma_wait3A_63 : memref<1x8x2048xf32, #tpu.memory_space<hbm>> -> memref<8x2048xf32, #tpu.memory_space<hbm>>
      %dma_wait3A_65 = arith.constant 0 : i32
      %dma_wait3A_66 = arith.constant 0 : i32
      %dma_wait3A_67 = tpu.memref_slice %arg5[%dma_wait3A, %dma_wait3A_65, %dma_wait3A_66] : memref<2x8x4096xf32, #tpu.memory_space<vmem>> -> memref<1x8x2048xf32, #tpu.memory_space<vmem>>
      %dma_wait3A_68 = tpu.memref_squeeze %dma_wait3A_67 : memref<1x8x2048xf32, #tpu.memory_space<vmem>> -> memref<8x2048xf32, #tpu.memory_space<vmem>>
      tpu.wait_dma2 semaphore(%arg6 : memref<!tpu.dma_semaphore, #tpu.memory_space<semaphore_mem>>) src(%dma_wait3A_68 : memref<8x2048xf32, #tpu.memory_space<vmem>>) dst(%dma_wait3A_64 : memref<8x2048xf32, #tpu.memory_space<hbm>>)
    }
    %scan3A_51 = arith.constant 16 : i32
    return
  }
}

</mosaic_0001>

<sc_bundles>
// kernel: kernel.3.cloned.1.call-start
scs
__scs_entry_jumppad:
0x0: {  	(pc) =	sbr.rel $0x88, $3  }
0x1: {  	(tag) =	ssettag $0x0;
	lr =	simm.s32 $0x1  }
0x2: {  	[smem:$0x3FA0] =	sst lr;
	_ =	strace $0xD0000000  }
0x3: {  	_ = 	snop  }
0x4: {  	_ = 	snop  }
0x5: {  	_ = 	snop  }
0x6: {  	_ = 	snop  }
0x7: {  	_ = 	snop  }
__scs_overlays_trampoline_lowered:
0x8: {  	[smem:$0x3FAF] =	sst s0  }
0x9: {  	[smem:$0x3FB0] =	sst s1  }
0xa: {  	[smem:$0x3FB1] =	sst s2  }
0xb: {  	[smem:$0x3FB2] =	sst s3  }
0xc: {  	[smem:$0x3FB3] =	sst s4  }
0xd: {  	[smem:$0x3FB4] =	sst s5  }
0xe: {  	[smem:$0x3FB5] =	sst s6  }
0xf: {  	[smem:$0x3FB6] =	sst s7  }
0x10: {  	[smem:$0x3FB7] =	sst s8  }
0x11: {  	[smem:$0x3FB8] =	sst s9;
	s0 =	simm.s32 @!p0 $0x0  }
0x12: {  	s1 =	sld [smem:$0x3F9E];
	s0 =	simm.s32 @p0 $0x1  }
0x13: {  	[smem:$0x3FB9] =	sst s0;
	s0 =	simm.s32 @!p1 $0x0  }
0x14: {  	s2 =	sld [smem:$0x3F9D];
	s0 =	simm.s32 @p1 $0x1  }
0x15: {  	[smem:$0x3FBA] =	sst s0;
	s0 =	simm.s32 @!p2 $0x0  }
0x16: {  	s3 =	sld [smem:$0x3FDB];
	s0 =	simm.s32 @p2 $0x1  }
0x17: {  	s4 =	simm.s32 $0x1BF5;
	[smem:$0x3FBC] =	sst s0  }
0x18: {  	s0 =	sld [smem:$0x3F9F];
	_ =	swait.ge [sflag:s4], $0x0  }
0x19: {  	s7 =	sld [smem:$0x3FA0]  }
0x1a: {  	s8 =	sadd.s32 $0xFFFFE003, lr  }
0x1b: {  	s9 =	sadd.s32 $0xFFFFFEF7, lr;
	s5 =	simm.s32 $0xFFFFFFFF;
	p2 =	slt.u32 s8, $0xFFFFF086  }
0x1c: {  	p1 =	slt.u32 s9, $0xF7A;
	s5 =	simm.s32 @!p2 $0x0  }
0x1d: {  	s5 =	simm.s32 @p1 $0x1;
	p0 =	seq.s32 s7, s2  }
0x1e: {  	s7 =	smul.u32 @!p0 $0xF7A, s2;
	p2 =	seq.s32 @!p0 s5, $0x0  }
0x1f: {  	s9 =	smul.u32 $0xF7A, s1;
	s8 =	simm.s32 @!p0 $0x1BF5;
	p2 =	por !p2, p0  }
0x20: {  	[sflag:s8] =	ssyncset.s32 @!p0 $0xFFFFF086;
	s6 =	sadd.s32 @!p0 s3, s7;
	s7 =	simm.s32 @!p0 $0x108  }
0x21: {  	s3 =	sadd.s32 s3, s9;
	s6 =	sadd.s32 @!p0 $0x88, s6;
	s7 =	simm.s32 @p2 $0x1082  }
0x22: {  	[simem:s7], [sflag:s8] =	dma.local @!p0 [hbm:s6], $0xF7A  }
0x23: {  	s9 =	sor.u32 $0xD0000000, s2;
	s6 =	simm.s32 $0x108;
	_ =	swait.ge @!p0 [sflag:s8], $0x0  }
0x24: {  	s3 =	sadd.s32 $0x88, s3;
	s6 =	simm.s32 @!p1 $0x1082;
	[sflag:s4] =	ssyncset.s32 $0xFFFFF086  }
0x25: {  	[simem:s6], [sflag:s4] =	dma.local [hbm:s3], $0xF7A  }
0x26: {  	[smem:$0x3FA0] =	sst s1;
	(tag) =	ssettag s2;
	_ =	strace s9  }
0x27: {  	s1 =	sld [smem:$0x3FB0]  }
0x28: {  	s2 =	sld [smem:$0x3FB1]  }
0x29: {  	s4 =	sld [smem:$0x3FB3]  }
0x2a: {  	p0 =	seq.s32 s5, $0x0;
	s5 =	sld [smem:$0x3FB4]  }
0x2b: {  	s6 =	sld [smem:$0x3FB5]  }
0x2c: {  	s7 =	sld [smem:$0x3FB6]  }
0x2d: {  	s3 =	simm.s32 $0x108;
	s8 =	sld [smem:$0x3FB7]  }
0x2e: {  	s3 =	simm.s32 @!p0 $0x1082;
	s9 =	sld [smem:$0x3FB8]  }
0x2f: {  	lr =	sadd.s32 s0, s3;
	s0 =	sld [smem:$0x3FAF]  }
0x30: {  	s3 =	sld [smem:$0x3FB2]  }
0x31: {  	[smem:$0x3FBB] =	sst s10  }
0x32: {  	s10 =	sld [smem:$0x3FB9];
	_ =	sdelay $0x3  }
0x33: {  	p0 =	seq.s32 s10, $0x1;
	s10 =	sld [smem:$0x3FBB];
	_ =	sdelay $0x3  }
0x34: {  	[smem:$0x3FBB] =	sst s10  }
0x35: {  	s10 =	sld [smem:$0x3FBA];
	_ =	sdelay $0x3  }
0x36: {  	p1 =	seq.s32 s10, $0x1;
	s10 =	sld [smem:$0x3FBB];
	_ =	sdelay $0x3  }
0x37: {  	[smem:$0x3FBB] =	sst s10  }
0x38: {  	s10 =	sld [smem:$0x3FBC]  }
0x39: {  	_ = 	snop;
	(pc) =	sbr.ind lr, $3  }
0x3a: {  	_ = 	snop  }
0x3b: {  	_ = 	snop  }
0x3c: {  	p2 =	seq.s32 s10, $0x1;
	s10 =	sld [smem:$0x3FBB]  }
0x3d: {  	_ =	shalt  }
0x3e: {  	_ =	shalt  }
0x3f: {  	_ =	shalt  }
0x40: {  	_ =	shalt  }
0x41: {  	_ =	shalt  }
0x42: {  	_ =	shalt  }
0x43: {  	_ =	shalt  }
0x44: {  	_ =	shalt  }
0x45: {  	_ =	shalt  }
0x46: {  	_ =	shalt  }
0x47: {  	_ =	shalt  }
0x48: {  	_ =	shalt  }
0x49: {  	_ =	shalt  }
0x4a: {  	_ =	shalt  }
0x4b: {  	_ =	shalt  }
0x4c: {  	_ =	shalt  }
0x4d: {  	_ =	shalt  }
0x4e: {  	_ =	shalt  }
0x4f: {  	_ =	shalt  }
0x50: {  	_ =	shalt  }
0x51: {  	_ =	shalt  }
0x52: {  	_ =	shalt  }
0x53: {  	_ =	shalt  }
0x54: {  	_ =	shalt  }
0x55: {  	_ =	shalt  }
0x56: {  	_ =	shalt  }
0x57: {  	_ =	shalt  }
0x58: {  	_ =	shalt  }
0x59: {  	_ =	shalt  }
0x5a: {  	_ =	shalt  }
0x5b: {  	_ =	shalt  }
0x5c: {  	_ =	shalt  }
0x5d: {  	_ =	shalt  }
0x5e: {  	_ =	shalt  }
0x5f: {  	_ =	shalt  }
0x60: {  	_ =	shalt  }
0x61: {  	_ =	shalt  }
0x62: {  	_ =	shalt  }
0x63: {  	_ =	shalt  }
0x64: {  	_ =	shalt  }
0x65: {  	_ =	shalt  }
0x66: {  	_ =	shalt  }
0x67: {  	_ =	shalt  }
0x68: {  	_ =	shalt  }
0x69: {  	_ =	shalt  }
0x6a: {  	_ =	shalt  }
0x6b: {  	_ =	shalt  }
0x6c: {  	_ =	shalt  }
0x6d: {  	_ =	shalt  }
0x6e: {  	_ =	shalt  }
0x6f: {  	_ =	shalt  }
0x70: {  	_ =	shalt  }
0x71: {  	_ =	shalt  }
0x72: {  	_ =	shalt  }
0x73: {  	_ =	shalt  }
0x74: {  	_ =	shalt  }
0x75: {  	_ =	shalt  }
0x76: {  	_ =	shalt  }
0x77: {  	_ =	shalt  }
0x78: {  	_ =	shalt  }
0x79: {  	_ =	shalt  }
0x7a: {  	_ =	shalt  }
0x7b: {  	_ =	shalt  }
0x7c: {  	_ =	shalt  }
0x7d: {  	_ =	shalt  }
0x7e: {  	_ =	shalt  }
0x7f: {  	_ =	shalt  }
0x80: {  	_ =	shalt  }
0x81: {  	_ =	shalt  }
0x82: {  	_ =	shalt  }
0x83: {  	_ =	shalt  }
0x84: {  	_ =	shalt  }
0x85: {  	_ =	shalt  }
0x86: {  	_ =	shalt  }
0x87: {  	_ =	shalt  }
.Lfunc_end0:
.L_simem_size_0:
called_computation_lowered:
.L_overlay_start_0:
0x88: {  	s2 =	sld [smem:$0x3FD9]  }
0x89: {  	s3 =	sld [smem:$0x3FFE];
	_ =	sdelay $0x1  }
0x8a: {  	s1 =	srdreg.scid  }
0x8b: {  	s0 =	sand.u32 $0x1, s1  }
0x8c: {  	s17 =	sshll.u32 s0, $0xA;
	s2 =	sadd.s32 s3, s2  }
0x8d: {  	s2 =	sadd.s32 s2, s17  }
0x8e: {  	[smem:$0x3FC7] =	sst s2  }
0x8f: {  	_ = 	snop  }
0x90: {  	s2 =	sld [smem:$0x3FD0];
	(tm) =	ssettm $0x1  }
0x91: {  	s18 =	sld [smem:$0x3FFB];
	_ =	sdelay $0x3  }
0x92: {  	_ =	strace s18  }
0x93: {  	s3 =	sld [smem:$0x3FFC];
	_ =	sdelay $0x3  }
0x94: {  	_ =	strace s3  }
0x95: {  	s3 =	sld [smem:$0x3FFD];
	_ =	sdelay $0x3  }
0x96: {  	_ =	strace s3  }
0x97: {  	_ =	strace $0x8FFFFFFF  }
0x98: {  	s19 =	sld [smem:$0x3FDB];
	_ =	sdelay $0x1  }
0x99: {  	s4 =	simm.s32 $_scs_section_size  }
0x9a: {  	s5 =	simm.s32 $_size__tile_overlayer_lowered;
	s6 =	simm.s32 $_tile_overlayer_lowered  }
0x9b: {  	s22 =	simm.s32 $0x1BFF;
	s21 =	sshll.u32 s6, $0x1;
	s3 =	sadd.s32 s4, s19  }
0x9c: {  	s7 =	simm.s32 $0x0;
	s20 =	sshll.u32 s5, $0x1;
	s5 =	sadd.s32 s21, s3  }
0x9d: {  	[timem:s7], [sflag:s22] =	dma.local [hbm:s5], s20  }
0x9e: {  	_ =	swait.ge [sflag:s22], s20  }
0x9f: {  	s4 =	ssub.s32 $0x0, s20;
	[sflag:s22] =	ssyncset.done $0x0  }
0xa0: {  	[sflag:s22] =	ssyncadd.s32 s4;
	_ =	sdelay $0x1  }
0xa1: {  	s23 =	simm.s32 $0x1B8B  }
0xa2: {  	_ =	swait.ge [sflag:s23], $0x1  }
0xa3: {  	[sflag:s23] =	ssyncset.done $0x0  }
0xa4: {  	s25 =	simm.s32 $0x1B8E;
	s24 =	sld [smem:$0x3FFE];
	[sflag:s23] =	ssyncadd.s32 $0xFFFFFFFF  }
0xa5: {  	s26 =	simm.s32 $execute0_lowered;
	[smem:$0x3FD2] =	sst s25  }
0xa6: {  	s5 =	sshll.u32 s26, $0x1;
	_ =	strace $0x80000046;
	[dreg:$0x1] =	wrdreg $0xFFFFFFFF  }
0xa7: {  	s28 =	simm.s32 $_size_execute0_lowered;
	s3 =	sadd.s32 s3, s5;
	[dreg:$0x0] =	wrdreg $0x0  }
0xa8: {  	s5 =	sshll.u32 s28, $0x1;
	[dreg:$0x2] =	wrdreg s3  }
0xa9: {  	[dreg:$0x3] =	wrdreg s5  }
0xaa: {  	[dreg:$0x4] =	wrdreg $0xC0  }
0xab: {  	_ =	task [dreg:s7], $0x5FFFF  }
0xac: {  	[dreg:$0x1] =	wrdreg $0xFFFFFFFF  }
0xad: {  	[dreg:$0x0] =	wrdreg $0x60  }
0xae: {  	[dreg:$0x2] =	wrdreg s24  }
0xaf: {  	[dreg:$0x3] =	wrdreg s2  }
0xb0: {  	[dreg:$0x4] =	wrdreg $0x9  }
0xb1: {  	_ =	task.clear_ibuf [dreg:s7], $0x5FFFF;
	_ =	strace $0x90000046  }
0xb2: {  	s29 =	simm.s32 $0x9;
	_ =	strace $0x80000048  }
0xb3: {  	_ =	swait.ge [sflag:s29], $0x1  }
0xb4: {  	[sflag:s29] =	ssyncadd.s32 $0xFFFFFFFF  }
0xb5: {  	_ =	strace $0x90000048  }
0xb6: {  	_ =	sfence  }
0xb7: {  	s30 =	sld [smem:$0x0];
	_ =	sdelay $0x2  }
0xb8: {  	s31 =	sshll.u32 s1, $0xD;
	s1 =	sshrl.u32 s1, $0x2  }
0xb9: {  	s3 =	sand.u32 $0x4000, s31;
	s1 =	sadd.s32 s1, s30  }
0xba: {  	s0 =	sor.u32 s3, s0;
	s1 =	sshll.u32 s1, $0x11  }
0xbb: {  	s0 =	sor.u32 s1, s0  }
0xbc: {  	s0 =	sadd.s32 $0x8F2B, s0  }
0xbd: {  	[sflag:s0] =	ssyncadd.remote.s32 $0x1  }
0xbe: {  	_ =	sfence.sel $0xFFFF  }
0xbf: {  	[dreg:$0x0] =	wrdreg $0xFFFFFFFF;
	(pc) =	sbr.abs _section_cstart, $3  }
0xc0: {  	[dreg:$0x1] =	wrdreg $0xFFFFFFFF  }
0xc1: {  	_ =	task.clear_ibuf [dreg:s7], $0x2FFFF;
	_ =	strace $0x9FFFFFFF  }
0xc2: {  	(tm) =	ssettm $0x7FFFFFFF  }
0xc3: {  	_ =	shalt  }
tec
execute0_lowered:
.L_overlay_start_1:
0x0: {  	(tag) =	ssettag $0x1  }
0x1: {  	s0 =	srdreg.scid  }
0x2: {  	s5 =	sand.u32 $0x1, s0  }
0x3: {  	s4 =	rddreg [dreg:$0x0];
	s3 =	sxor.u32 $0x1, s5  }
0x4: {  	s1 =	rddreg [dreg:$0x1];
	s2 =	simm.s32 $0x0;
	s0 =	sshll.u32 s3, $0x3  }
0x5: {  	[smem:$0x7FF] =	sst s2;
	s6 =	sor.u32 $0x17, s0  }
0x6: {  	_ =	strace $0x80000047;
	s22 =	sor.u32 $0x27, s0;
	[dreg:$0x3] =	wrdreg s6  }
0x7: {  	s23 =	sor.u32 $0x37, s0;
	[dreg:$0x4] =	wrdreg s22  }
0x8: {  	s24 =	sor.u32 $0x47, s0;
	[dreg:$0x5] =	wrdreg s23  }
0x9: {  	s25 =	sor.u32 $0x57, s0;
	[dreg:$0x6] =	wrdreg s24  }
0xa: {  	s26 =	sor.u32 $0x67, s0;
	[dreg:$0x7] =	wrdreg s25  }
0xb: {  	s28 =	sor.u32 $0x77, s0;
	[dreg:$0x8] =	wrdreg s26  }
0xc: {  	s29 =	sor.u32 $0x16, s0;
	[dreg:$0x9] =	wrdreg s28  }
0xd: {  	s30 =	sor.u32 $0x26, s0;
	[dreg:$0xa] =	wrdreg s29  }
0xe: {  	s31 =	sor.u32 $0x36, s0;
	[dreg:$0xb] =	wrdreg s30  }
0xf: {  	s7 =	sor.u32 $0x46, s0;
	[dreg:$0xc] =	wrdreg s31  }
0x10: {  	s8 =	sor.u32 $0x56, s0;
	[dreg:$0xd] =	wrdreg s7  }
0x11: {  	s9 =	sor.u32 $0x66, s0;
	[dreg:$0xe] =	wrdreg s8  }
0x12: {  	s10 =	sor.u32 $0x76, s0;
	[dreg:$0xf] =	wrdreg s9  }
0x13: {  	s11 =	sor.u32 $0x15, s0;
	[dreg:$0x10] =	wrdreg s10  }
0x14: {  	s12 =	sor.u32 $0x25, s0;
	[dreg:$0x11] =	wrdreg s11  }
0x15: {  	s13 =	sor.u32 $0x35, s0;
	[dreg:$0x12] =	wrdreg s12  }
0x16: {  	s14 =	sor.u32 $0x45, s0;
	[dreg:$0x13] =	wrdreg s13  }
0x17: {  	s15 =	sor.u32 $0x55, s0;
	[dreg:$0x14] =	wrdreg s14  }
0x18: {  	s16 =	sor.u32 $0x65, s0;
	[dreg:$0x15] =	wrdreg s15  }
0x19: {  	s17 =	sor.u32 $0x75, s0;
	[dreg:$0x16] =	wrdreg s16  }
0x1a: {  	s18 =	sor.u32 $0x14, s0;
	[dreg:$0x17] =	wrdreg s17  }
0x1b: {  	s19 =	sor.u32 $0x24, s0;
	[dreg:$0x18] =	wrdreg s18  }
0x1c: {  	s20 =	sor.u32 $0x34, s0;
	[dreg:$0x19] =	wrdreg s19  }
0x1d: {  	s21 =	sor.u32 $0x44, s0;
	[dreg:$0x1a] =	wrdreg s20  }
0x1e: {  	[dreg:$0x1b] =	wrdreg s21;
	s22 =	sor.u32 $0x54, s0  }
0x1f: {  	s23 =	sor.u32 $0x64, s0;
	[dreg:$0x1c] =	wrdreg s22  }
0x20: {  	s24 =	sor.u32 $0x74, s0;
	[dreg:$0x1d] =	wrdreg s23  }
0x21: {  	s25 =	sor.u32 $0x13, s0;
	[dreg:$0x1e] =	wrdreg s24  }
0x22: {  	s26 =	sor.u32 $0x23, s0;
	[dreg:$0x1f] =	wrdreg s25  }
0x23: {  	s28 =	sor.u32 $0x33, s0;
	[smem:$0x7DD] =	sst s26  }
0x24: {  	s29 =	sor.u32 $0x43, s0;
	[smem:$0x7DE] =	sst s28  }
0x25: {  	s30 =	sor.u32 $0x53, s0;
	[smem:$0x7DF] =	sst s29  }
0x26: {  	s31 =	sor.u32 $0x63, s0;
	[smem:$0x7E0] =	sst s30  }
0x27: {  	s7 =	sor.u32 $0x73, s0;
	[smem:$0x7E1] =	sst s31  }
0x28: {  	s8 =	sor.u32 $0x12, s0;
	[smem:$0x7E2] =	sst s7  }
0x29: {  	s9 =	sor.u32 $0x22, s0;
	[smem:$0x7E3] =	sst s8  }
0x2a: {  	s10 =	sor.u32 $0x32, s0;
	[smem:$0x7E4] =	sst s9  }
0x2b: {  	s11 =	sor.u32 $0x42, s0;
	[smem:$0x7E5] =	sst s10  }
0x2c: {  	s12 =	sor.u32 $0x52, s0;
	[smem:$0x7E6] =	sst s11  }
0x2d: {  	s13 =	sor.u32 $0x62, s0;
	[smem:$0x7E7] =	sst s12  }
0x2e: {  	s14 =	sor.u32 $0x72, s0;
	[smem:$0x7E8] =	sst s13  }
0x2f: {  	s15 =	sor.u32 $0x11, s0;
	[smem:$0x7E9] =	sst s14  }
0x30: {  	s16 =	sor.u32 $0x21, s0;
	[smem:$0x7EA] =	sst s15  }
0x31: {  	s17 =	sor.u32 $0x31, s0;
	[smem:$0x7EB] =	sst s16  }
0x32: {  	s18 =	sor.u32 $0x41, s0;
	[smem:$0x7EC] =	sst s17  }
0x33: {  	s19 =	sor.u32 $0x51, s0;
	[smem:$0x7ED] =	sst s18  }
0x34: {  	p1 =	seq.s32 s5, $0x1;
	s20 =	sor.u32 $0x61, s0;
	[smem:$0x7EE] =	sst s19  }
0x35: {  	s21 =	sor.u32 $0x71, s0;
	s8 =	stileid.u32;
	[smem:$0x7EF] =	sst s20  }
0x36: {  	[smem:$0x7F0] =	sst s21;
	s22 =	sor.u32 $0x10, s0;
	s23 =	sor.u32 $0x20, s0  }
0x37: {  	s24 =	sor.u32 $0x30, s0;
	s25 =	sor.u32 $0x40, s0;
	[smem:$0x7F1] =	sst s22  }
0x38: {  	s26 =	ssub.s32 $0x2, s5;
	s28 =	sor.u32 $0x50, s0;
	[smem:$0x7F2] =	sst s23  }
0x39: {  	s10 =	sor.u32 $0x60, s0;
	s29 =	sor.u32 $0x70, s0;
	[smem:$0x7F3] =	sst s24  }
0x3a: {  	s30 =	sor.u32 $0xF07, s0;
	s7 =	sor.u32 s5, s8;
	[smem:$0x7F4] =	sst s25  }
0x3b: {  	s0 =	sor.u32 $0x87, s0;
	[smem:$0x7F5] =	sst s28;
	p0 =	seq.s32 s7, $0x0  }
0x3c: {  	s9 =	sshrl.u32 s26, $0x1;
	[smem:$0x7F6] =	sst s10;
	p0 =	por !p0, !p1  }
0x3d: {  	[smem:$0x7F8] =	sst s29;
	s7 =	simm.s32 $0x1;
	p0 =	por !p0, !p0  }
0x3e: {  	s5 =	sshll.u32 s5, $0xE;
	[smem:$0x7FB] =	sst s30;
	s7 =	simm.s32 @!p0 $0x0  }
0x3f: {  	[smem:$0x7FC] =	sst s0;
	s6 =	ssub.s32 s26, s9;
	s7 =	ssub.s32 s8, s7  }
0x40: {  	s6 =	smax.u32 s6, $0x1;
	s8 =	smul.u32 $0x1080, s7;
	s7 =	sshll.u32 s7, $0x16  }
0x41: {  	s3 =	sshll.u32 s3, $0xE;
	[smem:$0x7F9] =	sst s6;
	s5 =	sor.u32 s5, s7  }
0x42: {  	s31 =	ssub.s32 s7, s3;
	s8 =	sshrl.u32 s8, $0x3;
	s5 =	sadd.s32 $0xFFC78000, s5  }
0x43: {  	s0 =	sadd.s32 $0x34000, s31;
	s8 =	sadd.s32 s8, s4;
	[smem:$0x7FA] =	sst s5  }
0x44: {  	[smem:$0x7FD] =	sst s0;
	s8 =	sadd.s32 $0x400, s8  }
0x45: {  	s12 =	simm.s32 $0x0;
	s4 =	simm.s32 $0x1;
	[smem:$0x7F7] =	sst s8  }
.LBB2_1:
0x46: {  	s0 =	sld [smem:$0x7F7];
	_ =	sdelay $0x1  }
0x47: {  	s31 =	simm.s32 $0x2  }
0x48: {  	[tilespmem:s2], [sflag:$0x2] =	stream.linear.gather [hbm4b:s0+s2], $0x1080, $0x38;
	[tilespmem:$0x11080] =	vst v63  }
0x49: {  	_ =	swait.ge [sflag:s31], $0x1080  }
0x4a: {  	s13 =	simm.s32 $0xF10;
	s15 =	sld [smem:$0x7FB]  }
0x4b: {  	s14 =	simm.s32 $0x7880;
	s16 =	simm.s32 $0x0;
	[sflag:s31] =	ssyncset.done $0x0  }
0x4c: {  	s18 =	simm.s32 $0x0;
	s17 =	sld [smem:$0x7FA];
	[sflag:s31] =	ssyncadd.s32 $0xFFFFEF80  }
.LBB2_2:
0x4d: {  	v0 =	vld [tilespmem:s15+$0x0];
	_ =	sdelay $0x3  }
0x4e: {  	s0 =	rddreg [dreg:$0x3];
	s19 =	sshra.s32 s16, $0x2  }
0x4f: {  	s0 =	sor.u32 s0, s13;
	[tilespmem:s19+$0x8880] =	vst v0  }
0x50: {  	v0 =	vld [tilespmem:s0+$0x0];
	_ =	sdelay $0x3  }
0x51: {  	s3 =	rddreg [dreg:$0x4];
	s20 =	sadd.s32 $0x10, s13;
	s0 =	sand.u32 $0x7C00, s14  }
0x52: {  	s3 =	sor.u32 s3, s20;
	[tilespmem:s0+$0x1090] =	vst v0  }
0x53: {  	v0 =	vld [tilespmem:s3+$0x0];
	_ =	sdelay $0x2  }
0x54: {  	s21 =	sadd.s32 $0x80, s14  }
0x55: {  	s9 =	rddreg [dreg:$0x5];
	s22 =	sadd.s32 $0x20, s13;
	s7 =	sand.u32 $0x7C00, s21  }
0x56: {  	s3 =	sor.u32 s9, s22;
	[tilespmem:s7+$0x10A0] =	vst v0  }
0x57: {  	v0 =	vld [tilespmem:s3+$0x0];
	_ =	sdelay $0x2  }
0x58: {  	s23 =	sadd.s32 $0x100, s14  }
0x59: {  	s5 =	rddreg [dreg:$0x6];
	s24 =	sadd.s32 $0x30, s13;
	s3 =	sand.u32 $0x7C00, s23  }
0x5a: {  	s5 =	sor.u32 s5, s24;
	[tilespmem:s3+$0x10B0] =	vst v0  }
0x5b: {  	v0 =	vld [tilespmem:s5+$0x0];
	_ =	sdelay $0x2  }
0x5c: {  	s25 =	sadd.s32 $0x180, s14  }
0x5d: {  	s10 =	rddreg [dreg:$0x7];
	s26 =	sadd.s32 $0x40, s13;
	s9 =	sand.u32 $0x7C00, s25  }
0x5e: {  	s5 =	sor.u32 s10, s26;
	[tilespmem:s9+$0x10C0] =	vst v0  }
0x5f: {  	v0 =	vld [tilespmem:s5+$0x0];
	_ =	sdelay $0x2  }
0x60: {  	s28 =	sadd.s32 $0x200, s14  }
0x61: {  	s6 =	rddreg [dreg:$0x8];
	s29 =	sadd.s32 $0x50, s13;
	s5 =	sand.u32 $0x7C00, s28  }
0x62: {  	s6 =	sor.u32 s6, s29;
	[tilespmem:s5+$0x10D0] =	vst v0  }
0x63: {  	v0 =	vld [tilespmem:s6+$0x0];
	_ =	sdelay $0x2  }
0x64: {  	s30 =	sadd.s32 $0x280, s14  }
0x65: {  	s11 =	rddreg [dreg:$0x9];
	s31 =	sadd.s32 $0x60, s13;
	s8 =	sand.u32 $0x7C00, s30  }
0x66: {  	s6 =	sor.u32 s11, s31;
	[tilespmem:s8+$0x10E0] =	vst v0  }
0x67: {  	v0 =	vld [tilespmem:s6+$0x0];
	_ =	sdelay $0x2  }
0x68: {  	s10 =	sadd.s32 $0x300, s14  }
0x69: {  	s6 =	sand.u32 $0x7C00, s10  }
0x6a: {  	[tilespmem:s6+$0x10F0] =	vst v0  }
0x6b: {  	v0 =	vld [tilespmem:s15+$0xFFFFFFFF];
	_ =	sdelay $0x3  }
0x6c: {  	s10 =	rddreg [dreg:$0xa]  }
0x6d: {  	s10 =	sor.u32 s10, s13;
	[tilespmem:s19+$0x8900] =	vst v0  }
0x6e: {  	v0 =	vld [tilespmem:s10+$0x0];
	_ =	sdelay $0x3  }
0x6f: {  	s11 =	rddreg [dreg:$0xb]  }
0x70: {  	s10 =	sor.u32 s11, s20;
	[tilespmem:s19+$0x8910] =	vst v0  }
0x71: {  	v0 =	vld [tilespmem:s10+$0x0];
	_ =	sdelay $0x3  }
0x72: {  	s11 =	rddreg [dreg:$0xc]  }
0x73: {  	s10 =	sor.u32 s11, s22;
	[tilespmem:s7+$0x1120] =	vst v0  }
0x74: {  	v0 =	vld [tilespmem:s10+$0x0];
	_ =	sdelay $0x3  }
0x75: {  	s11 =	rddreg [dreg:$0xd]  }
0x76: {  	s10 =	sor.u32 s11, s24;
	[tilespmem:s3+$0x1130] =	vst v0  }
0x77: {  	v0 =	vld [tilespmem:s10+$0x0];
	_ =	sdelay $0x3  }
0x78: {  	s11 =	rddreg [dreg:$0xe]  }
0x79: {  	s10 =	sor.u32 s11, s26;
	[tilespmem:s9+$0x1140] =	vst v0  }
0x7a: {  	v0 =	vld [tilespmem:s10+$0x0];
	_ =	sdelay $0x3  }
0x7b: {  	s11 =	rddreg [dreg:$0xf]  }
0x7c: {  	s10 =	sor.u32 s11, s29;
	[tilespmem:s5+$0x1150] =	vst v0  }
0x7d: {  	v0 =	vld [tilespmem:s10+$0x0];
	_ =	sdelay $0x3  }
0x7e: {  	s11 =	rddreg [dreg:$0x10]  }
0x7f: {  	s10 =	sor.u32 s11, s31;
	[tilespmem:s8+$0x1160] =	vst v0  }
0x80: {  	v0 =	vld [tilespmem:s10+$0x0];
	_ =	sdelay $0x4  }
0x81: {  	[tilespmem:s6+$0x1170] =	vst v0  }
0x82: {  	v0 =	vld [tilespmem:s15+$0xFFFFFFFE];
	_ =	sdelay $0x3  }
0x83: {  	s11 =	rddreg [dreg:$0x11]  }
0x84: {  	s10 =	sor.u32 s11, s13;
	[tilespmem:s19+$0x8980] =	vst v0  }
0x85: {  	v0 =	vld [tilespmem:s10+$0x0];
	_ =	sdelay $0x3  }
0x86: {  	s11 =	rddreg [dreg:$0x12]  }
0x87: {  	s10 =	sor.u32 s11, s20;
	[tilespmem:s0+$0x1190] =	vst v0  }
0x88: {  	v0 =	vld [tilespmem:s10+$0x0];
	_ =	sdelay $0x3  }
0x89: {  	s11 =	rddreg [dreg:$0x13]  }
0x8a: {  	s10 =	sor.u32 s11, s22;
	[tilespmem:s19+$0x89A0] =	vst v0  }
0x8b: {  	v0 =	vld [tilespmem:s10+$0x0];
	_ =	sdelay $0x3  }
0x8c: {  	s11 =	rddreg [dreg:$0x14]  }
0x8d: {  	s10 =	sor.u32 s11, s24;
	[tilespmem:s3+$0x11B0] =	vst v0  }
0x8e: {  	v0 =	vld [tilespmem:s10+$0x0];
	_ =	sdelay $0x3  }
0x8f: {  	s11 =	rddreg [dreg:$0x15]  }
0x90: {  	s10 =	sor.u32 s11, s26;
	[tilespmem:s9+$0x11C0] =	vst v0  }
0x91: {  	v0 =	vld [tilespmem:s10+$0x0];
	_ =	sdelay $0x3  }
0x92: {  	s11 =	rddreg [dreg:$0x16]  }
0x93: {  	s10 =	sor.u32 s11, s29;
	[tilespmem:s5+$0x11D0] =	vst v0  }
0x94: {  	v0 =	vld [tilespmem:s10+$0x0];
	_ =	sdelay $0x3  }
0x95: {  	s11 =	rddreg [dreg:$0x17]  }
0x96: {  	s10 =	sor.u32 s11, s31;
	[tilespmem:s8+$0x11E0] =	vst v0  }
0x97: {  	v0 =	vld [tilespmem:s10+$0x0];
	_ =	sdelay $0x4  }
0x98: {  	[tilespmem:s6+$0x11F0] =	vst v0  }
0x99: {  	v0 =	vld [tilespmem:s15+$0xFFFFFFFD];
	_ =	sdelay $0x3  }
0x9a: {  	s11 =	rddreg [dreg:$0x18]  }
0x9b: {  	s10 =	sor.u32 s11, s13;
	[tilespmem:s19+$0x8A00] =	vst v0  }
0x9c: {  	v0 =	vld [tilespmem:s10+$0x0];
	_ =	sdelay $0x3  }
0x9d: {  	s11 =	sor.u32 $0x190, s14;
	s10 =	rddreg [dreg:$0x19]  }
0x9e: {  	s10 =	sor.u32 s10, s20;
	[tilespmem:s11+$0x1080] =	vst v0  }
0x9f: {  	v0 =	vld [tilespmem:s10+$0x0];
	_ =	sdelay $0x3  }
0xa0: {  	s11 =	sor.u32 $0x1A0, s21;
	s10 =	rddreg [dreg:$0x1a]  }
0xa1: {  	s10 =	sor.u32 s10, s22;
	[tilespmem:s11+$0x1080] =	vst v0  }
0xa2: {  	v0 =	vld [tilespmem:s10+$0x0];
	_ =	sdelay $0x3  }
0xa3: {  	s11 =	rddreg [dreg:$0x1b]  }
0xa4: {  	s10 =	sor.u32 s11, s24;
	[tilespmem:s19+$0x8A30] =	vst v0  }
0xa5: {  	v0 =	vld [tilespmem:s10+$0x0];
	_ =	sdelay $0x3  }
0xa6: {  	s11 =	rddreg [dreg:$0x1c]  }
0xa7: {  	s10 =	sor.u32 s11, s26;
	[tilespmem:s9+$0x1240] =	vst v0  }
0xa8: {  	v0 =	vld [tilespmem:s10+$0x0];
	_ =	sdelay $0x3  }
0xa9: {  	s11 =	rddreg [dreg:$0x1d]  }
0xaa: {  	s9 =	sor.u32 s11, s29;
	[tilespmem:s5+$0x1250] =	vst v0  }
0xab: {  	v0 =	vld [tilespmem:s9+$0x0];
	_ =	sdelay $0x3  }
0xac: {  	s10 =	rddreg [dreg:$0x1e]  }
0xad: {  	s9 =	sor.u32 s10, s31;
	[tilespmem:s8+$0x1260] =	vst v0  }
0xae: {  	v0 =	vld [tilespmem:s9+$0x0];
	_ =	sdelay $0x4  }
0xaf: {  	[tilespmem:s6+$0x1270] =	vst v0  }
0xb0: {  	v0 =	vld [tilespmem:s15+$0xFFFFFFFC];
	_ =	sdelay $0x3  }
0xb1: {  	s11 =	rddreg [dreg:$0x1f]  }
0xb2: {  	s9 =	sor.u32 s11, s13;
	[tilespmem:s19+$0x8A80] =	vst v0  }
0xb3: {  	v0 =	vld [tilespmem:s9+$0x0];
	_ =	sdelay $0x1  }
0xb4: {  	s10 =	sld [smem:$0x7DD];
	_ =	sdelay $0x2  }
0xb5: {  	s9 =	sor.u32 s10, s20;
	[tilespmem:s0+$0x1290] =	vst v0  }
0xb6: {  	v0 =	vld [tilespmem:s9+$0x0];
	_ =	sdelay $0x1  }
0xb7: {  	s11 =	sld [smem:$0x7DE];
	_ =	sdelay $0x2  }
0xb8: {  	s9 =	sor.u32 s11, s22;
	[tilespmem:s7+$0x12A0] =	vst v0  }
0xb9: {  	v0 =	vld [tilespmem:s9+$0x0];
	_ =	sdelay $0x1  }
0xba: {  	s10 =	sld [smem:$0x7DF];
	_ =	sdelay $0x2  }
0xbb: {  	s9 =	sor.u32 s10, s24;
	[tilespmem:s3+$0x12B0] =	vst v0  }
0xbc: {  	v0 =	vld [tilespmem:s9+$0x0];
	_ =	sdelay $0x1  }
0xbd: {  	s11 =	sld [smem:$0x7E0];
	_ =	sdelay $0x2  }
0xbe: {  	s9 =	sor.u32 s11, s26;
	[tilespmem:s19+$0x8AC0] =	vst v0  }
0xbf: {  	v0 =	vld [tilespmem:s9+$0x0];
	_ =	sdelay $0x1  }
0xc0: {  	s10 =	sld [smem:$0x7E1];
	_ =	sdelay $0x2  }
0xc1: {  	s9 =	sor.u32 s10, s29;
	[tilespmem:s5+$0x12D0] =	vst v0  }
0xc2: {  	v0 =	vld [tilespmem:s9+$0x0];
	_ =	sdelay $0x1  }
0xc3: {  	s11 =	sld [smem:$0x7E2];
	_ =	sdelay $0x2  }
0xc4: {  	s9 =	sor.u32 s11, s31;
	[tilespmem:s8+$0x12E0] =	vst v0  }
0xc5: {  	v0 =	vld [tilespmem:s9+$0x0];
	_ =	sdelay $0x4  }
0xc6: {  	[tilespmem:s6+$0x12F0] =	vst v0  }
0xc7: {  	v0 =	vld [tilespmem:s15+$0xFFFFFFFB];
	_ =	sdelay $0x1  }
0xc8: {  	s10 =	sld [smem:$0x7E3];
	_ =	sdelay $0x2  }
0xc9: {  	s9 =	sor.u32 s10, s13;
	[tilespmem:s19+$0x8B00] =	vst v0  }
0xca: {  	v0 =	vld [tilespmem:s9+$0x0];
	_ =	sdelay $0x1  }
0xcb: {  	s9 =	sld [smem:$0x7E4];
	_ =	sdelay $0x1  }
0xcc: {  	s11 =	sor.u32 $0x290, s14  }
0xcd: {  	s9 =	sor.u32 s9, s20;
	[tilespmem:s11+$0x1080] =	vst v0  }
0xce: {  	v0 =	vld [tilespmem:s9+$0x0];
	_ =	sdelay $0x1  }
0xcf: {  	s10 =	sld [smem:$0x7E5];
	_ =	sdelay $0x2  }
0xd0: {  	s11 =	sor.u32 s10, s22;
	[tilespmem:s7+$0x1320] =	vst v0  }
0xd1: {  	v0 =	vld [tilespmem:s11+$0x0];
	_ =	sdelay $0x1  }
0xd2: {  	s9 =	sld [smem:$0x7E6];
	_ =	sdelay $0x2  }
0xd3: {  	s7 =	sor.u32 s9, s24;
	[tilespmem:s3+$0x1330] =	vst v0  }
0xd4: {  	v0 =	vld [tilespmem:s7+$0x0];
	_ =	sdelay $0x1  }
0xd5: {  	s10 =	sld [smem:$0x7E7];
	_ =	sdelay $0x1  }
0xd6: {  	s11 =	sor.u32 $0x2C0, s25  }
0xd7: {  	s7 =	sor.u32 s10, s26;
	[tilespmem:s11+$0x1080] =	vst v0  }
0xd8: {  	v0 =	vld [tilespmem:s7+$0x0];
	_ =	sdelay $0x1  }
0xd9: {  	s10 =	sld [smem:$0x7E8];
	_ =	sdelay $0x2  }
0xda: {  	s7 =	sor.u32 s10, s29;
	[tilespmem:s19+$0x8B50] =	vst v0  }
0xdb: {  	v0 =	vld [tilespmem:s7+$0x0];
	_ =	sdelay $0x1  }
0xdc: {  	s11 =	sld [smem:$0x7E9];
	_ =	sdelay $0x2  }
0xdd: {  	s7 =	sor.u32 s11, s31;
	[tilespmem:s8+$0x1360] =	vst v0  }
0xde: {  	v0 =	vld [tilespmem:s7+$0x0];
	_ =	sdelay $0x4  }
0xdf: {  	[tilespmem:s6+$0x1370] =	vst v0  }
0xe0: {  	v0 =	vld [tilespmem:s15+$0xFFFFFFFA];
	_ =	sdelay $0x1  }
0xe1: {  	s8 =	sld [smem:$0x7EA];
	_ =	sdelay $0x2  }
0xe2: {  	s7 =	sor.u32 s8, s13;
	[tilespmem:s19+$0x8B80] =	vst v0  }
0xe3: {  	v0 =	vld [tilespmem:s7+$0x0];
	_ =	sdelay $0x1  }
0xe4: {  	s9 =	sld [smem:$0x7EB];
	_ =	sdelay $0x2  }
0xe5: {  	s10 =	sor.u32 s9, s20;
	[tilespmem:s0+$0x1390] =	vst v0  }
0xe6: {  	v0 =	vld [tilespmem:s10+$0x0];
	_ =	sdelay $0x1  }
0xe7: {  	s11 =	sld [smem:$0x7EC];
	_ =	sdelay $0x1  }
0xe8: {  	s8 =	sor.u32 $0x320, s21  }
0xe9: {  	s0 =	sor.u32 s11, s22;
	[tilespmem:s8+$0x1080] =	vst v0  }
0xea: {  	v0 =	vld [tilespmem:s0+$0x0];
	_ =	sdelay $0x1  }
0xeb: {  	s9 =	sld [smem:$0x7ED];
	_ =	sdelay $0x2  }
0xec: {  	s0 =	sor.u32 s9, s24;
	[tilespmem:s3+$0x13B0] =	vst v0  }
0xed: {  	v0 =	vld [tilespmem:s0+$0x0];
	_ =	sdelay $0x1  }
0xee: {  	s10 =	sld [smem:$0x7EE];
	_ =	sdelay $0x1  }
0xef: {  	s11 =	sor.u32 $0x340, s25  }
0xf0: {  	s0 =	sor.u32 s10, s26;
	[tilespmem:s11+$0x1080] =	vst v0  }
0xf1: {  	v0 =	vld [tilespmem:s0+$0x0];
	_ =	sdelay $0x1  }
0xf2: {  	s7 =	sld [smem:$0x7EF];
	_ =	sdelay $0x2  }
0xf3: {  	s0 =	sor.u32 s7, s29;
	[tilespmem:s5+$0x13D0] =	vst v0  }
0xf4: {  	v0 =	vld [tilespmem:s0+$0x0];
	_ =	sdelay $0x1  }
0xf5: {  	s8 =	sld [smem:$0x7F0];
	_ =	sdelay $0x2  }
0xf6: {  	s0 =	sor.u32 s8, s31;
	[tilespmem:s19+$0x8BE0] =	vst v0  }
0xf7: {  	v0 =	vld [tilespmem:s0+$0x0];
	_ =	sdelay $0x4  }
0xf8: {  	[tilespmem:s6+$0x13F0] =	vst v0  }
0xf9: {  	v0 =	vld [tilespmem:s15+$0xFFFFFFF9];
	_ =	sdelay $0x1  }
0xfa: {  	s9 =	sld [smem:$0x7F1];
	_ =	sdelay $0x2  }
0xfb: {  	s0 =	sor.u32 s9, s13;
	[tilespmem:s19+$0x8C00] =	vst v0  }
0xfc: {  	v0 =	vld [tilespmem:s0+$0x0];
	_ =	sdelay $0x1  }
0xfd: {  	s10 =	sld [smem:$0x7F2];
	_ =	sdelay $0x1  }
0xfe: {  	s11 =	sor.u32 $0x390, s14  }
0xff: {  	s0 =	sor.u32 s10, s20;
	[tilespmem:s11+$0x1080] =	vst v0  }
0x100: {  	v0 =	vld [tilespmem:s0+$0x0];
	_ =	sdelay $0x1  }
0x101: {  	s20 =	sld [smem:$0x7F3];
	_ =	sdelay $0x1  }
0x102: {  	s21 =	sor.u32 $0x3A0, s21  }
0x103: {  	s0 =	sor.u32 s20, s22;
	[tilespmem:s21+$0x1080] =	vst v0  }
0x104: {  	v0 =	vld [tilespmem:s0+$0x0];
	_ =	sdelay $0x1  }
0x105: {  	s22 =	sld [smem:$0x7F4];
	_ =	sdelay $0x1  }
0x106: {  	s23 =	sor.u32 $0x3B0, s23  }
0x107: {  	s0 =	sor.u32 s22, s24;
	[tilespmem:s23+$0x1080] =	vst v0  }
0x108: {  	v0 =	vld [tilespmem:s0+$0x0];
	_ =	sdelay $0x1  }
0x109: {  	s24 =	sld [smem:$0x7F5];
	_ =	sdelay $0x1  }
0x10a: {  	s25 =	sor.u32 $0x3C0, s25  }
0x10b: {  	s0 =	sor.u32 s24, s26;
	[tilespmem:s25+$0x1080] =	vst v0  }
0x10c: {  	v0 =	vld [tilespmem:s0+$0x0];
	_ =	sdelay $0x1  }
0x10d: {  	s26 =	sld [smem:$0x7F6];
	_ =	sdelay $0x1  }
0x10e: {  	s28 =	sor.u32 $0x3D0, s28  }
0x10f: {  	s0 =	sor.u32 s26, s29;
	[tilespmem:s28+$0x1080] =	vst v0  }
0x110: {  	v0 =	vld [tilespmem:s0+$0x0];
	_ =	sdelay $0x1  }
0x111: {  	s29 =	sld [smem:$0x7F8];
	_ =	sdelay $0x1  }
0x112: {  	s30 =	sor.u32 $0x3E0, s30  }
0x113: {  	s0 =	sor.u32 s29, s31;
	[tilespmem:s30+$0x1080] =	vst v0  }
0x114: {  	v0 =	vld [tilespmem:s0+$0x0];
	_ =	sdelay $0x2  }
0x115: {  	p0 =	slt.u32 s18, $0xF  }
0x116: {  	s16 =	sadd.s32 $0xFFFFF000, s16;
	s0 =	sshrl.u32 @!p0 s17, $0x3  }
0x117: {  	s3 =	sadd.s32 $0x8880, s19;
	s5 =	simm.s32 @!p0 $0x0;
	s0 =	sadd.s32 @!p0 s1, s0;
	[tilespmem:s19+$0x8C70] =	vst v0  }
0x118: {  	[hbm4b:s0+s5] =	stream.linear.scatter @!p0 [tilespmem:s3], [sflag:$0x1], $0x4000, $0x38;
	[tilespmem:$0x11080] =	vst v63  }
0x119: {  	p0 =	sne.s32 s16, $0xFFFE1000  }
.Ltmp0:
0x11a: {  	_ = 	snop;
	(pc) =	sbr.rel @p0 .LBB2_2-.Ltmp0, $3  }
0x11b: {  	_ =	sdelay $0x1  }
0x11c: {  	s18 =	sadd.s32 $0x1, s18;
	s14 =	sadd.s32 $0xFFFFFC00, s14  }
0x11d: {  	s13 =	sadd.s32 $0xFFFFFF80, s13;
	s15 =	sadd.s32 $0xFFFFFF80, s15;
	s17 =	sadd.s32 $0x40000, s17  }
0x11e: {  	s14 =	sld [smem:$0x7FD]  }
0x11f: {  	s13 =	simm.s32 $0x1;
	p0 =	por $0x1, $0x1;
	s15 =	sld [smem:$0x7FC]  }
.LBB2_4:
0x120: {  	_ =	sdelay $0x1  }
0x121: {  	v0 =	vmov s15;
	_ =	sdelay $0x3  }
0x122: {  	s0 =	simm.s32 $0x0  }
0x123: {  	v1 =	vld.idx.msk [tilespmem:v0+s0+$0xFFFFFF90 ss:$0x1], $0xffff  }
0x124: {  	s3 =	simm.s32 $0x1  }
0x125: {  	s3 =	simm.s32 @!p0 $0x0  }
0x126: {  	s3 =	sshll.u32 s3, $0xF  }
0x127: {  	s17 =	sor.u32 $0x1280, s3  }
0x128: {  	[tilespmem:s17+$0xFFFFFE00] =	vst v1  }
0x129: {  	v1 =	vld.idx.msk [tilespmem:v0+s0+$0xFFFFFFA0 ss:$0x1], $0xffff;
	_ =	sdelay $0x4  }
0x12a: {  	[tilespmem:s17+$0xFFFFFE10] =	vst v1  }
0x12b: {  	v1 =	vld.idx.msk [tilespmem:v0+s0+$0xFFFFFFB0 ss:$0x1], $0xffff;
	_ =	sdelay $0x4  }
0x12c: {  	[tilespmem:s17+$0xFFFFFE20] =	vst v1  }
0x12d: {  	v1 =	vld.idx.msk [tilespmem:v0+s0+$0xFFFFFFC0 ss:$0x1], $0xffff;
	_ =	sdelay $0x4  }
0x12e: {  	[tilespmem:s17+$0xFFFFFE30] =	vst v1  }
0x12f: {  	v1 =	vld.idx.msk [tilespmem:v0+s0+$0xFFFFFFD0 ss:$0x1], $0xffff;
	_ =	sdelay $0x4  }
0x130: {  	[tilespmem:s17+$0xFFFFFE40] =	vst v1  }
0x131: {  	v1 =	vld.idx.msk [tilespmem:v0+s0+$0xFFFFFFE0 ss:$0x1], $0xffff;
	_ =	sdelay $0x4  }
0x132: {  	[tilespmem:s17+$0xFFFFFE50] =	vst v1  }
0x133: {  	v1 =	vld.idx.msk [tilespmem:v0+s0+$0xFFFFFFF0 ss:$0x1], $0xffff;
	_ =	sdelay $0x4  }
0x134: {  	[tilespmem:s17+$0xFFFFFE60] =	vst v1  }
0x135: {  	v1 =	vld.idx.msk [tilespmem:v0+s0+$0x0 ss:$0x1], $0xffff;
	_ =	sdelay $0x4  }
0x136: {  	[tilespmem:s17+$0xFFFFFE70] =	vst v1  }
0x137: {  	v1 =	vld.idx.msk [tilespmem:v0+s0+$0xFFFFFF8F ss:$0x1], $0xffff;
	_ =	sdelay $0x4  }
0x138: {  	[tilespmem:s17+$0xFFFFFE80] =	vst v1  }
0x139: {  	v1 =	vld.idx.msk [tilespmem:v0+s0+$0xFFFFFF9F ss:$0x1], $0xffff;
	_ =	sdelay $0x4  }
0x13a: {  	[tilespmem:s17+$0xFFFFFE90] =	vst v1  }
0x13b: {  	v1 =	vld.idx.msk [tilespmem:v0+s0+$0xFFFFFFAF ss:$0x1], $0xffff;
	_ =	sdelay $0x4  }
0x13c: {  	[tilespmem:s17+$0xFFFFFEA0] =	vst v1  }
0x13d: {  	v1 =	vld.idx.msk [tilespmem:v0+s0+$0xFFFFFFBF ss:$0x1], $0xffff;
	_ =	sdelay $0x4  }
0x13e: {  	[tilespmem:s17+$0xFFFFFEB0] =	vst v1  }
0x13f: {  	v1 =	vld.idx.msk [tilespmem:v0+s0+$0xFFFFFFCF ss:$0x1], $0xffff;
	_ =	sdelay $0x4  }
0x140: {  	[tilespmem:s17+$0xFFFFFEC0] =	vst v1  }
0x141: {  	v1 =	vld.idx.msk [tilespmem:v0+s0+$0xFFFFFFDF ss:$0x1], $0xffff;
	_ =	sdelay $0x4  }
0x142: {  	[tilespmem:s17+$0xFFFFFED0] =	vst v1  }
0x143: {  	v1 =	vld.idx.msk [tilespmem:v0+s0+$0xFFFFFFEF ss:$0x1], $0xffff;
	_ =	sdelay $0x4  }
0x144: {  	[tilespmem:s17+$0xFFFFFEE0] =	vst v1  }
0x145: {  	v1 =	vld.idx.msk [tilespmem:v0+s0+$0xFFFFFFFF ss:$0x1], $0xffff;
	_ =	sdelay $0x4  }
0x146: {  	[tilespmem:s17+$0xFFFFFEF0] =	vst v1  }
0x147: {  	v1 =	vld.idx.msk [tilespmem:v0+s0+$0xFFFFFF8E ss:$0x1], $0xffff;
	_ =	sdelay $0x4  }
0x148: {  	[tilespmem:s17+$0xFFFFFF00] =	vst v1  }
0x149: {  	v1 =	vld.idx.msk [tilespmem:v0+s0+$0xFFFFFF9E ss:$0x1], $0xffff;
	_ =	sdelay $0x4  }
0x14a: {  	[tilespmem:s17+$0xFFFFFF10] =	vst v1  }
0x14b: {  	v1 =	vld.idx.msk [tilespmem:v0+s0+$0xFFFFFFAE ss:$0x1], $0xffff;
	_ =	sdelay $0x4  }
0x14c: {  	[tilespmem:s17+$0xFFFFFF20] =	vst v1  }
0x14d: {  	v1 =	vld.idx.msk [tilespmem:v0+s0+$0xFFFFFFBE ss:$0x1], $0xffff;
	_ =	sdelay $0x4  }
0x14e: {  	[tilespmem:s17+$0xFFFFFF30] =	vst v1  }
0x14f: {  	v1 =	vld.idx.msk [tilespmem:v0+s0+$0xFFFFFFCE ss:$0x1], $0xffff;
	_ =	sdelay $0x4  }
0x150: {  	[tilespmem:s17+$0xFFFFFF40] =	vst v1  }
0x151: {  	v1 =	vld.idx.msk [tilespmem:v0+s0+$0xFFFFFFDE ss:$0x1], $0xffff;
	_ =	sdelay $0x4  }
0x152: {  	[tilespmem:s17+$0xFFFFFF50] =	vst v1  }
0x153: {  	v1 =	vld.idx.msk [tilespmem:v0+s0+$0xFFFFFFEE ss:$0x1], $0xffff;
	_ =	sdelay $0x4  }
0x154: {  	[tilespmem:s17+$0xFFFFFF60] =	vst v1  }
0x155: {  	v1 =	vld.idx.msk [tilespmem:v0+s0+$0xFFFFFFFE ss:$0x1], $0xffff;
	_ =	sdelay $0x4  }
0x156: {  	[tilespmem:s17+$0xFFFFFF70] =	vst v1  }
0x157: {  	v1 =	vld.idx.msk [tilespmem:v0+s0+$0xFFFFFF8D ss:$0x1], $0xffff;
	_ =	sdelay $0x4  }
0x158: {  	[tilespmem:s17+$0xFFFFFF80] =	vst v1  }
0x159: {  	v1 =	vld.idx.msk [tilespmem:v0+s0+$0xFFFFFF9D ss:$0x1], $0xffff;
	_ =	sdelay $0x4  }
0x15a: {  	[tilespmem:s17+$0xFFFFFF90] =	vst v1  }
0x15b: {  	v1 =	vld.idx.msk [tilespmem:v0+s0+$0xFFFFFFAD ss:$0x1], $0xffff;
	_ =	sdelay $0x4  }
0x15c: {  	[tilespmem:s17+$0xFFFFFFA0] =	vst v1  }
0x15d: {  	v1 =	vld.idx.msk [tilespmem:v0+s0+$0xFFFFFFBD ss:$0x1], $0xffff;
	_ =	sdelay $0x4  }
0x15e: {  	[tilespmem:s17+$0xFFFFFFB0] =	vst v1  }
0x15f: {  	v1 =	vld.idx.msk [tilespmem:v0+s0+$0xFFFFFFCD ss:$0x1], $0xffff;
	_ =	sdelay $0x4  }
0x160: {  	[tilespmem:s17+$0xFFFFFFC0] =	vst v1  }
0x161: {  	v1 =	vld.idx.msk [tilespmem:v0+s0+$0xFFFFFFDD ss:$0x1], $0xffff;
	_ =	sdelay $0x4  }
0x162: {  	[tilespmem:s17+$0xFFFFFFD0] =	vst v1  }
0x163: {  	v1 =	vld.idx.msk [tilespmem:v0+s0+$0xFFFFFFED ss:$0x1], $0xffff;
	_ =	sdelay $0x4  }
0x164: {  	[tilespmem:s17+$0xFFFFFFE0] =	vst v1  }
0x165: {  	v1 =	vld.idx.msk [tilespmem:v0+s0+$0xFFFFFFFD ss:$0x1], $0xffff;
	_ =	sdelay $0x4  }
0x166: {  	[tilespmem:s17+$0xFFFFFFF0] =	vst v1  }
0x167: {  	v1 =	vld.idx.msk [tilespmem:v0+s0+$0xFFFFFF8C ss:$0x1], $0xffff;
	_ =	sdelay $0x4  }
0x168: {  	[tilespmem:s17+$0x0] =	vst v1  }
0x169: {  	v1 =	vld.idx.msk [tilespmem:v0+s0+$0xFFFFFF9C ss:$0x1], $0xffff;
	_ =	sdelay $0x4  }
0x16a: {  	[tilespmem:s17+$0x10] =	vst v1  }
0x16b: {  	v1 =	vld.idx.msk [tilespmem:v0+s0+$0xFFFFFFAC ss:$0x1], $0xffff;
	_ =	sdelay $0x4  }
0x16c: {  	[tilespmem:s17+$0x20] =	vst v1  }
0x16d: {  	v1 =	vld.idx.msk [tilespmem:v0+s0+$0xFFFFFFBC ss:$0x1], $0xffff;
	_ =	sdelay $0x4  }
0x16e: {  	[tilespmem:s17+$0x30] =	vst v1  }
0x16f: {  	v1 =	vld.idx.msk [tilespmem:v0+s0+$0xFFFFFFCC ss:$0x1], $0xffff;
	_ =	sdelay $0x4  }
0x170: {  	[tilespmem:s17+$0x40] =	vst v1  }
0x171: {  	v1 =	vld.idx.msk [tilespmem:v0+s0+$0xFFFFFFDC ss:$0x1], $0xffff;
	_ =	sdelay $0x4  }
0x172: {  	[tilespmem:s17+$0x50] =	vst v1  }
0x173: {  	v1 =	vld.idx.msk [tilespmem:v0+s0+$0xFFFFFFEC ss:$0x1], $0xffff;
	_ =	sdelay $0x4  }
0x174: {  	[tilespmem:s17+$0x60] =	vst v1  }
0x175: {  	v1 =	vld.idx.msk [tilespmem:v0+s0+$0xFFFFFFFC ss:$0x1], $0xffff;
	_ =	sdelay $0x4  }
0x176: {  	[tilespmem:s17+$0x70] =	vst v1  }
0x177: {  	v1 =	vld.idx.msk [tilespmem:v0+s0+$0xFFFFFF8B ss:$0x1], $0xffff;
	_ =	sdelay $0x4  }
0x178: {  	[tilespmem:s17+$0x80] =	vst v1  }
0x179: {  	v1 =	vld.idx.msk [tilespmem:v0+s0+$0xFFFFFF9B ss:$0x1], $0xffff;
	_ =	sdelay $0x4  }
0x17a: {  	[tilespmem:s17+$0x90] =	vst v1  }
0x17b: {  	v1 =	vld.idx.msk [tilespmem:v0+s0+$0xFFFFFFAB ss:$0x1], $0xffff;
	_ =	sdelay $0x4  }
0x17c: {  	[tilespmem:s17+$0xA0] =	vst v1  }
0x17d: {  	v1 =	vld.idx.msk [tilespmem:v0+s0+$0xFFFFFFBB ss:$0x1], $0xffff;
	_ =	sdelay $0x4  }
0x17e: {  	[tilespmem:s17+$0xB0] =	vst v1  }
0x17f: {  	v1 =	vld.idx.msk [tilespmem:v0+s0+$0xFFFFFFCB ss:$0x1], $0xffff;
	_ =	sdelay $0x4  }
0x180: {  	[tilespmem:s17+$0xC0] =	vst v1  }
0x181: {  	v1 =	vld.idx.msk [tilespmem:v0+s0+$0xFFFFFFDB ss:$0x1], $0xffff;
	_ =	sdelay $0x4  }
0x182: {  	[tilespmem:s17+$0xD0] =	vst v1  }
0x183: {  	v1 =	vld.idx.msk [tilespmem:v0+s0+$0xFFFFFFEB ss:$0x1], $0xffff;
	_ =	sdelay $0x4  }
0x184: {  	[tilespmem:s17+$0xE0] =	vst v1  }
0x185: {  	v1 =	vld.idx.msk [tilespmem:v0+s0+$0xFFFFFFFB ss:$0x1], $0xffff;
	_ =	sdelay $0x4  }
0x186: {  	[tilespmem:s17+$0xF0] =	vst v1  }
0x187: {  	v1 =	vld.idx.msk [tilespmem:v0+s0+$0xFFFFFF8A ss:$0x1], $0xffff;
	_ =	sdelay $0x4  }
0x188: {  	[tilespmem:s17+$0x100] =	vst v1  }
0x189: {  	v1 =	vld.idx.msk [tilespmem:v0+s0+$0xFFFFFF9A ss:$0x1], $0xffff;
	_ =	sdelay $0x4  }
0x18a: {  	[tilespmem:s17+$0x110] =	vst v1  }
0x18b: {  	v1 =	vld.idx.msk [tilespmem:v0+s0+$0xFFFFFFAA ss:$0x1], $0xffff;
	_ =	sdelay $0x4  }
0x18c: {  	[tilespmem:s17+$0x120] =	vst v1  }
0x18d: {  	v1 =	vld.idx.msk [tilespmem:v0+s0+$0xFFFFFFBA ss:$0x1], $0xffff;
	_ =	sdelay $0x4  }
0x18e: {  	[tilespmem:s17+$0x130] =	vst v1  }
0x18f: {  	v1 =	vld.idx.msk [tilespmem:v0+s0+$0xFFFFFFCA ss:$0x1], $0xffff;
	_ =	sdelay $0x4  }
0x190: {  	[tilespmem:s17+$0x140] =	vst v1  }
0x191: {  	v1 =	vld.idx.msk [tilespmem:v0+s0+$0xFFFFFFDA ss:$0x1], $0xffff;
	_ =	sdelay $0x4  }
0x192: {  	[tilespmem:s17+$0x150] =	vst v1  }
0x193: {  	v1 =	vld.idx.msk [tilespmem:v0+s0+$0xFFFFFFEA ss:$0x1], $0xffff;
	_ =	sdelay $0x4  }
0x194: {  	[tilespmem:s17+$0x160] =	vst v1  }
0x195: {  	v1 =	vld.idx.msk [tilespmem:v0+s0+$0xFFFFFFFA ss:$0x1], $0xffff;
	_ =	sdelay $0x4  }
0x196: {  	[tilespmem:s17+$0x170] =	vst v1  }
0x197: {  	v1 =	vld.idx.msk [tilespmem:v0+s0+$0xFFFFFF89 ss:$0x1], $0xffff;
	_ =	sdelay $0x4  }
0x198: {  	[tilespmem:s17+$0x180] =	vst v1  }
0x199: {  	v1 =	vld.idx.msk [tilespmem:v0+s0+$0xFFFFFF99 ss:$0x1], $0xffff;
	_ =	sdelay $0x4  }
0x19a: {  	[tilespmem:s17+$0x190] =	vst v1  }
0x19b: {  	v1 =	vld.idx.msk [tilespmem:v0+s0+$0xFFFFFFA9 ss:$0x1], $0xffff;
	_ =	sdelay $0x4  }
0x19c: {  	[tilespmem:s17+$0x1A0] =	vst v1  }
0x19d: {  	v1 =	vld.idx.msk [tilespmem:v0+s0+$0xFFFFFFB9 ss:$0x1], $0xffff;
	_ =	sdelay $0x4  }
0x19e: {  	[tilespmem:s17+$0x1B0] =	vst v1  }
0x19f: {  	v1 =	vld.idx.msk [tilespmem:v0+s0+$0xFFFFFFC9 ss:$0x1], $0xffff;
	_ =	sdelay $0x4  }
0x1a0: {  	[tilespmem:s17+$0x1C0] =	vst v1  }
0x1a1: {  	v1 =	vld.idx.msk [tilespmem:v0+s0+$0xFFFFFFD9 ss:$0x1], $0xffff;
	_ =	sdelay $0x4  }
0x1a2: {  	[tilespmem:s17+$0x1D0] =	vst v1  }
0x1a3: {  	v1 =	vld.idx.msk [tilespmem:v0+s0+$0xFFFFFFE9 ss:$0x1], $0xffff;
	_ =	sdelay $0x4  }
0x1a4: {  	[tilespmem:s17+$0x1E0] =	vst v1  }
0x1a5: {  	v1 =	vld.idx.msk [tilespmem:v0+s0+$0xFFFFFFF9 ss:$0x1], $0xffff;
	_ =	sdelay $0x4  }
0x1a6: {  	s18 =	simm.s32 $0x80;
	s19 =	simm.s32 $0x400;
	s16 =	sor.u32 $0x1080, s3;
	[tilespmem:s17+$0x1F0] =	vst v1  }
.LBB2_5:
0x1a7: {  	p1 =	sne.s32 s19, $0x3E00;
	v1 =	vld.idx.msk [tilespmem:v0+s18+$0xFFFFFF90 ss:$0x1], $0xffff;
	_ =	sdelay $0x4  }
0x1a8: {  	s17 =	sadd.s32 $0x400, s17  }
0x1a9: {  	[tilespmem:s17+$0xFFFFFE00] =	vst v1  }
0x1aa: {  	v1 =	vld.idx.msk [tilespmem:v0+s18+$0xFFFFFFA0 ss:$0x1], $0xffff;
	_ =	sdelay $0x5  }
0x1ab: {  	[tilespmem:s17+$0xFFFFFE10] =	vst v1  }
0x1ac: {  	v1 =	vld.idx.msk [tilespmem:v0+s18+$0xFFFFFFB0 ss:$0x1], $0xffff;
	_ =	sdelay $0x5  }
0x1ad: {  	[tilespmem:s17+$0xFFFFFE20] =	vst v1  }
0x1ae: {  	v1 =	vld.idx.msk [tilespmem:v0+s18+$0xFFFFFFC0 ss:$0x1], $0xffff;
	_ =	sdelay $0x5  }
0x1af: {  	[tilespmem:s17+$0xFFFFFE30] =	vst v1  }
0x1b0: {  	v1 =	vld.idx.msk [tilespmem:v0+s18+$0xFFFFFFD0 ss:$0x1], $0xffff;
	_ =	sdelay $0x5  }
0x1b1: {  	[tilespmem:s17+$0xFFFFFE40] =	vst v1  }
0x1b2: {  	v1 =	vld.idx.msk [tilespmem:v0+s18+$0xFFFFFFE0 ss:$0x1], $0xffff;
	_ =	sdelay $0x5  }
0x1b3: {  	[tilespmem:s17+$0xFFFFFE50] =	vst v1  }
0x1b4: {  	v1 =	vld.idx.msk [tilespmem:v0+s18+$0xFFFFFFF0 ss:$0x1], $0xffff;
	_ =	sdelay $0x5  }
0x1b5: {  	[tilespmem:s17+$0xFFFFFE60] =	vst v1  }
0x1b6: {  	v1 =	vld.idx.msk [tilespmem:v0+s18+$0x0 ss:$0x1], $0xffff;
	_ =	sdelay $0x5  }
0x1b7: {  	[tilespmem:s17+$0xFFFFFE70] =	vst v1  }
0x1b8: {  	v1 =	vld.idx.msk [tilespmem:v0+s18+$0xFFFFFF8F ss:$0x1], $0xffff;
	_ =	sdelay $0x5  }
0x1b9: {  	[tilespmem:s17+$0xFFFFFE80] =	vst v1  }
0x1ba: {  	v1 =	vld.idx.msk [tilespmem:v0+s18+$0xFFFFFF9F ss:$0x1], $0xffff;
	_ =	sdelay $0x5  }
0x1bb: {  	[tilespmem:s17+$0xFFFFFE90] =	vst v1  }
0x1bc: {  	v1 =	vld.idx.msk [tilespmem:v0+s18+$0xFFFFFFAF ss:$0x1], $0xffff;
	_ =	sdelay $0x5  }
0x1bd: {  	[tilespmem:s17+$0xFFFFFEA0] =	vst v1  }
0x1be: {  	v1 =	vld.idx.msk [tilespmem:v0+s18+$0xFFFFFFBF ss:$0x1], $0xffff;
	_ =	sdelay $0x5  }
0x1bf: {  	[tilespmem:s17+$0xFFFFFEB0] =	vst v1  }
0x1c0: {  	v1 =	vld.idx.msk [tilespmem:v0+s18+$0xFFFFFFCF ss:$0x1], $0xffff;
	_ =	sdelay $0x5  }
0x1c1: {  	[tilespmem:s17+$0xFFFFFEC0] =	vst v1  }
0x1c2: {  	v1 =	vld.idx.msk [tilespmem:v0+s18+$0xFFFFFFDF ss:$0x1], $0xffff;
	_ =	sdelay $0x5  }
0x1c3: {  	[tilespmem:s17+$0xFFFFFED0] =	vst v1  }
0x1c4: {  	v1 =	vld.idx.msk [tilespmem:v0+s18+$0xFFFFFFEF ss:$0x1], $0xffff;
	_ =	sdelay $0x5  }
0x1c5: {  	[tilespmem:s17+$0xFFFFFEE0] =	vst v1  }
0x1c6: {  	v1 =	vld.idx.msk [tilespmem:v0+s18+$0xFFFFFFFF ss:$0x1], $0xffff;
	_ =	sdelay $0x5  }
0x1c7: {  	[tilespmem:s17+$0xFFFFFEF0] =	vst v1  }
0x1c8: {  	v1 =	vld.idx.msk [tilespmem:v0+s18+$0xFFFFFF8E ss:$0x1], $0xffff;
	_ =	sdelay $0x5  }
0x1c9: {  	[tilespmem:s17+$0xFFFFFF00] =	vst v1  }
0x1ca: {  	v1 =	vld.idx.msk [tilespmem:v0+s18+$0xFFFFFF9E ss:$0x1], $0xffff;
	_ =	sdelay $0x5  }
0x1cb: {  	[tilespmem:s17+$0xFFFFFF10] =	vst v1  }
0x1cc: {  	v1 =	vld.idx.msk [tilespmem:v0+s18+$0xFFFFFFAE ss:$0x1], $0xffff;
	_ =	sdelay $0x5  }
0x1cd: {  	[tilespmem:s17+$0xFFFFFF20] =	vst v1  }
0x1ce: {  	v1 =	vld.idx.msk [tilespmem:v0+s18+$0xFFFFFFBE ss:$0x1], $0xffff;
	_ =	sdelay $0x5  }
0x1cf: {  	[tilespmem:s17+$0xFFFFFF30] =	vst v1  }
0x1d0: {  	v1 =	vld.idx.msk [tilespmem:v0+s18+$0xFFFFFFCE ss:$0x1], $0xffff;
	_ =	sdelay $0x5  }
0x1d1: {  	[tilespmem:s17+$0xFFFFFF40] =	vst v1  }
0x1d2: {  	v1 =	vld.idx.msk [tilespmem:v0+s18+$0xFFFFFFDE ss:$0x1], $0xffff;
	_ =	sdelay $0x5  }
0x1d3: {  	[tilespmem:s17+$0xFFFFFF50] =	vst v1  }
0x1d4: {  	v1 =	vld.idx.msk [tilespmem:v0+s18+$0xFFFFFFEE ss:$0x1], $0xffff;
	_ =	sdelay $0x5  }
0x1d5: {  	[tilespmem:s17+$0xFFFFFF60] =	vst v1  }
0x1d6: {  	v1 =	vld.idx.msk [tilespmem:v0+s18+$0xFFFFFFFE ss:$0x1], $0xffff;
	_ =	sdelay $0x5  }
0x1d7: {  	[tilespmem:s17+$0xFFFFFF70] =	vst v1  }
0x1d8: {  	v1 =	vld.idx.msk [tilespmem:v0+s18+$0xFFFFFF8D ss:$0x1], $0xffff;
	_ =	sdelay $0x5  }
0x1d9: {  	[tilespmem:s17+$0xFFFFFF80] =	vst v1  }
0x1da: {  	v1 =	vld.idx.msk [tilespmem:v0+s18+$0xFFFFFF9D ss:$0x1], $0xffff;
	_ =	sdelay $0x5  }
0x1db: {  	[tilespmem:s17+$0xFFFFFF90] =	vst v1  }
0x1dc: {  	v1 =	vld.idx.msk [tilespmem:v0+s18+$0xFFFFFFAD ss:$0x1], $0xffff;
	_ =	sdelay $0x5  }
0x1dd: {  	[tilespmem:s17+$0xFFFFFFA0] =	vst v1  }
0x1de: {  	v1 =	vld.idx.msk [tilespmem:v0+s18+$0xFFFFFFBD ss:$0x1], $0xffff;
	_ =	sdelay $0x5  }
0x1df: {  	[tilespmem:s17+$0xFFFFFFB0] =	vst v1  }
0x1e0: {  	v1 =	vld.idx.msk [tilespmem:v0+s18+$0xFFFFFFCD ss:$0x1], $0xffff;
	_ =	sdelay $0x5  }
0x1e1: {  	[tilespmem:s17+$0xFFFFFFC0] =	vst v1  }
0x1e2: {  	v1 =	vld.idx.msk [tilespmem:v0+s18+$0xFFFFFFDD ss:$0x1], $0xffff;
	_ =	sdelay $0x5  }
0x1e3: {  	[tilespmem:s17+$0xFFFFFFD0] =	vst v1  }
0x1e4: {  	v1 =	vld.idx.msk [tilespmem:v0+s18+$0xFFFFFFED ss:$0x1], $0xffff;
	_ =	sdelay $0x5  }
0x1e5: {  	[tilespmem:s17+$0xFFFFFFE0] =	vst v1  }
0x1e6: {  	v1 =	vld.idx.msk [tilespmem:v0+s18+$0xFFFFFFFD ss:$0x1], $0xffff;
	_ =	sdelay $0x5  }
0x1e7: {  	[tilespmem:s17+$0xFFFFFFF0] =	vst v1  }
0x1e8: {  	v1 =	vld.idx.msk [tilespmem:v0+s18+$0xFFFFFF8C ss:$0x1], $0xffff;
	_ =	sdelay $0x5  }
0x1e9: {  	[tilespmem:s17+$0x0] =	vst v1  }
0x1ea: {  	v1 =	vld.idx.msk [tilespmem:v0+s18+$0xFFFFFF9C ss:$0x1], $0xffff;
	_ =	sdelay $0x5  }
0x1eb: {  	[tilespmem:s17+$0x10] =	vst v1  }
0x1ec: {  	v1 =	vld.idx.msk [tilespmem:v0+s18+$0xFFFFFFAC ss:$0x1], $0xffff;
	_ =	sdelay $0x5  }
0x1ed: {  	[tilespmem:s17+$0x20] =	vst v1  }
0x1ee: {  	v1 =	vld.idx.msk [tilespmem:v0+s18+$0xFFFFFFBC ss:$0x1], $0xffff;
	_ =	sdelay $0x5  }
0x1ef: {  	[tilespmem:s17+$0x30] =	vst v1  }
0x1f0: {  	v1 =	vld.idx.msk [tilespmem:v0+s18+$0xFFFFFFCC ss:$0x1], $0xffff;
	_ =	sdelay $0x5  }
0x1f1: {  	[tilespmem:s17+$0x40] =	vst v1  }
0x1f2: {  	v1 =	vld.idx.msk [tilespmem:v0+s18+$0xFFFFFFDC ss:$0x1], $0xffff;
	_ =	sdelay $0x5  }
0x1f3: {  	[tilespmem:s17+$0x50] =	vst v1  }
0x1f4: {  	v1 =	vld.idx.msk [tilespmem:v0+s18+$0xFFFFFFEC ss:$0x1], $0xffff;
	_ =	sdelay $0x5  }
0x1f5: {  	[tilespmem:s17+$0x60] =	vst v1  }
0x1f6: {  	v1 =	vld.idx.msk [tilespmem:v0+s18+$0xFFFFFFFC ss:$0x1], $0xffff;
	_ =	sdelay $0x5  }
0x1f7: {  	[tilespmem:s17+$0x70] =	vst v1  }
0x1f8: {  	v1 =	vld.idx.msk [tilespmem:v0+s18+$0xFFFFFF8B ss:$0x1], $0xffff;
	_ =	sdelay $0x5  }
0x1f9: {  	[tilespmem:s17+$0x80] =	vst v1  }
0x1fa: {  	v1 =	vld.idx.msk [tilespmem:v0+s18+$0xFFFFFF9B ss:$0x1], $0xffff;
	_ =	sdelay $0x5  }
0x1fb: {  	[tilespmem:s17+$0x90] =	vst v1  }
0x1fc: {  	v1 =	vld.idx.msk [tilespmem:v0+s18+$0xFFFFFFAB ss:$0x1], $0xffff;
	_ =	sdelay $0x5  }
0x1fd: {  	[tilespmem:s17+$0xA0] =	vst v1  }
0x1fe: {  	v1 =	vld.idx.msk [tilespmem:v0+s18+$0xFFFFFFBB ss:$0x1], $0xffff;
	_ =	sdelay $0x5  }
0x1ff: {  	[tilespmem:s17+$0xB0] =	vst v1  }
0x200: {  	v1 =	vld.idx.msk [tilespmem:v0+s18+$0xFFFFFFCB ss:$0x1], $0xffff;
	_ =	sdelay $0x5  }
0x201: {  	[tilespmem:s17+$0xC0] =	vst v1  }
0x202: {  	v1 =	vld.idx.msk [tilespmem:v0+s18+$0xFFFFFFDB ss:$0x1], $0xffff;
	_ =	sdelay $0x5  }
0x203: {  	[tilespmem:s17+$0xD0] =	vst v1  }
0x204: {  	v1 =	vld.idx.msk [tilespmem:v0+s18+$0xFFFFFFEB ss:$0x1], $0xffff;
	_ =	sdelay $0x5  }
0x205: {  	[tilespmem:s17+$0xE0] =	vst v1  }
0x206: {  	v1 =	vld.idx.msk [tilespmem:v0+s18+$0xFFFFFFFB ss:$0x1], $0xffff;
	_ =	sdelay $0x5  }
0x207: {  	[tilespmem:s17+$0xF0] =	vst v1  }
0x208: {  	v1 =	vld.idx.msk [tilespmem:v0+s18+$0xFFFFFF8A ss:$0x1], $0xffff;
	_ =	sdelay $0x5  }
0x209: {  	[tilespmem:s17+$0x100] =	vst v1  }
0x20a: {  	v1 =	vld.idx.msk [tilespmem:v0+s18+$0xFFFFFF9A ss:$0x1], $0xffff;
	_ =	sdelay $0x5  }
0x20b: {  	[tilespmem:s17+$0x110] =	vst v1  }
0x20c: {  	v1 =	vld.idx.msk [tilespmem:v0+s18+$0xFFFFFFAA ss:$0x1], $0xffff;
	_ =	sdelay $0x5  }
0x20d: {  	[tilespmem:s17+$0x120] =	vst v1  }
0x20e: {  	v1 =	vld.idx.msk [tilespmem:v0+s18+$0xFFFFFFBA ss:$0x1], $0xffff;
	_ =	sdelay $0x5  }
0x20f: {  	[tilespmem:s17+$0x130] =	vst v1  }
0x210: {  	v1 =	vld.idx.msk [tilespmem:v0+s18+$0xFFFFFFCA ss:$0x1], $0xffff;
	_ =	sdelay $0x5  }
0x211: {  	[tilespmem:s17+$0x140] =	vst v1  }
0x212: {  	v1 =	vld.idx.msk [tilespmem:v0+s18+$0xFFFFFFDA ss:$0x1], $0xffff;
	_ =	sdelay $0x5  }
0x213: {  	[tilespmem:s17+$0x150] =	vst v1  }
0x214: {  	v1 =	vld.idx.msk [tilespmem:v0+s18+$0xFFFFFFEA ss:$0x1], $0xffff;
	_ =	sdelay $0x5  }
0x215: {  	[tilespmem:s17+$0x160] =	vst v1  }
0x216: {  	v1 =	vld.idx.msk [tilespmem:v0+s18+$0xFFFFFFFA ss:$0x1], $0xffff;
	_ =	sdelay $0x5  }
0x217: {  	[tilespmem:s17+$0x170] =	vst v1  }
0x218: {  	v1 =	vld.idx.msk [tilespmem:v0+s18+$0xFFFFFF89 ss:$0x1], $0xffff;
	_ =	sdelay $0x5  }
0x219: {  	[tilespmem:s17+$0x180] =	vst v1  }
0x21a: {  	v1 =	vld.idx.msk [tilespmem:v0+s18+$0xFFFFFF99 ss:$0x1], $0xffff;
	_ =	sdelay $0x5  }
0x21b: {  	[tilespmem:s17+$0x190] =	vst v1  }
0x21c: {  	v1 =	vld.idx.msk [tilespmem:v0+s18+$0xFFFFFFA9 ss:$0x1], $0xffff;
	_ =	sdelay $0x5  }
0x21d: {  	[tilespmem:s17+$0x1A0] =	vst v1  }
0x21e: {  	v1 =	vld.idx.msk [tilespmem:v0+s18+$0xFFFFFFB9 ss:$0x1], $0xffff;
	_ =	sdelay $0x5  }
0x21f: {  	[tilespmem:s17+$0x1B0] =	vst v1  }
0x220: {  	v1 =	vld.idx.msk [tilespmem:v0+s18+$0xFFFFFFC9 ss:$0x1], $0xffff;
	_ =	sdelay $0x5  }
0x221: {  	[tilespmem:s17+$0x1C0] =	vst v1  }
0x222: {  	v1 =	vld.idx.msk [tilespmem:v0+s18+$0xFFFFFFD9 ss:$0x1], $0xffff;
	_ =	sdelay $0x5  }
0x223: {  	[tilespmem:s17+$0x1D0] =	vst v1  }
0x224: {  	v1 =	vld.idx.msk [tilespmem:v0+s18+$0xFFFFFFE9 ss:$0x1], $0xffff;
	_ =	sdelay $0x5  }
0x225: {  	[tilespmem:s17+$0x1E0] =	vst v1  }
0x226: {  	v1 =	vld.idx.msk [tilespmem:v0+s18+$0xFFFFFFF9 ss:$0x1], $0xffff;
	_ =	sdelay $0x1  }
.Ltmp1:
0x227: {  	(pc) =	sbr.rel @p1 .LBB2_5-.Ltmp1, $2  }
0x228: {  	_ =	sdelay $0x2  }
0x229: {  	s18 =	sshra.s32 s19, $0x2;
	s19 =	sadd.s32 $0x200, s19;
	[tilespmem:s17+$0x1F0] =	vst v1  }
0x22a: {  	_ =	sdelay $0x3  }
0x22b: {  	v1 =	vld.idx.msk [tilespmem:v0+s18+$0xFFFFFF90 ss:$0x1], $0xffff;
	_ =	sdelay $0x3  }
0x22c: {  	s0 =	sadd.s32 $0x400, s17  }
0x22d: {  	[tilespmem:s0+$0xFFFFFE00] =	vst v1  }
0x22e: {  	v1 =	vld.idx.msk [tilespmem:v0+s18+$0xFFFFFFA0 ss:$0x1], $0xffff;
	_ =	sdelay $0x4  }
0x22f: {  	[tilespmem:s0+$0xFFFFFE10] =	vst v1  }
0x230: {  	v1 =	vld.idx.msk [tilespmem:v0+s18+$0xFFFFFFB0 ss:$0x1], $0xffff;
	_ =	sdelay $0x4  }
0x231: {  	[tilespmem:s0+$0xFFFFFE20] =	vst v1  }
0x232: {  	v1 =	vld.idx.msk [tilespmem:v0+s18+$0xFFFFFFC0 ss:$0x1], $0xffff;
	_ =	sdelay $0x4  }
0x233: {  	[tilespmem:s0+$0xFFFFFE30] =	vst v1  }
0x234: {  	v1 =	vld.idx.msk [tilespmem:v0+s18+$0xFFFFFFD0 ss:$0x1], $0xffff;
	_ =	sdelay $0x4  }
0x235: {  	[tilespmem:s0+$0xFFFFFE40] =	vst v1  }
0x236: {  	v1 =	vld.idx.msk [tilespmem:v0+s18+$0xFFFFFFE0 ss:$0x1], $0xffff;
	_ =	sdelay $0x4  }
0x237: {  	[tilespmem:s0+$0xFFFFFE50] =	vst v1  }
0x238: {  	v1 =	vld.idx.msk [tilespmem:v0+s18+$0xFFFFFFF0 ss:$0x1], $0xffff;
	_ =	sdelay $0x4  }
0x239: {  	[tilespmem:s0+$0xFFFFFE60] =	vst v1  }
0x23a: {  	v1 =	vld.idx.msk [tilespmem:v0+s18+$0x0 ss:$0x1], $0xffff;
	_ =	sdelay $0x4  }
0x23b: {  	[tilespmem:s0+$0xFFFFFE70] =	vst v1  }
0x23c: {  	v1 =	vld.idx.msk [tilespmem:v0+s18+$0xFFFFFF8F ss:$0x1], $0xffff;
	_ =	sdelay $0x4  }
0x23d: {  	[tilespmem:s0+$0xFFFFFE80] =	vst v1  }
0x23e: {  	v1 =	vld.idx.msk [tilespmem:v0+s18+$0xFFFFFF9F ss:$0x1], $0xffff;
	_ =	sdelay $0x4  }
0x23f: {  	[tilespmem:s0+$0xFFFFFE90] =	vst v1  }
0x240: {  	v1 =	vld.idx.msk [tilespmem:v0+s18+$0xFFFFFFAF ss:$0x1], $0xffff;
	_ =	sdelay $0x4  }
0x241: {  	[tilespmem:s0+$0xFFFFFEA0] =	vst v1  }
0x242: {  	v1 =	vld.idx.msk [tilespmem:v0+s18+$0xFFFFFFBF ss:$0x1], $0xffff;
	_ =	sdelay $0x4  }
0x243: {  	[tilespmem:s0+$0xFFFFFEB0] =	vst v1  }
0x244: {  	v1 =	vld.idx.msk [tilespmem:v0+s18+$0xFFFFFFCF ss:$0x1], $0xffff;
	_ =	sdelay $0x4  }
0x245: {  	[tilespmem:s0+$0xFFFFFEC0] =	vst v1  }
0x246: {  	v1 =	vld.idx.msk [tilespmem:v0+s18+$0xFFFFFFDF ss:$0x1], $0xffff;
	_ =	sdelay $0x4  }
0x247: {  	[tilespmem:s0+$0xFFFFFED0] =	vst v1  }
0x248: {  	v1 =	vld.idx.msk [tilespmem:v0+s18+$0xFFFFFFEF ss:$0x1], $0xffff;
	_ =	sdelay $0x4  }
0x249: {  	[tilespmem:s0+$0xFFFFFEE0] =	vst v1  }
0x24a: {  	v1 =	vld.idx.msk [tilespmem:v0+s18+$0xFFFFFFFF ss:$0x1], $0xffff;
	_ =	sdelay $0x4  }
0x24b: {  	[tilespmem:s0+$0xFFFFFEF0] =	vst v1  }
0x24c: {  	v1 =	vld.idx.msk [tilespmem:v0+s18+$0xFFFFFF8E ss:$0x1], $0xffff;
	_ =	sdelay $0x4  }
0x24d: {  	[tilespmem:s0+$0xFFFFFF00] =	vst v1  }
0x24e: {  	v1 =	vld.idx.msk [tilespmem:v0+s18+$0xFFFFFF9E ss:$0x1], $0xffff;
	_ =	sdelay $0x4  }
0x24f: {  	[tilespmem:s0+$0xFFFFFF10] =	vst v1  }
0x250: {  	v1 =	vld.idx.msk [tilespmem:v0+s18+$0xFFFFFFAE ss:$0x1], $0xffff;
	_ =	sdelay $0x4  }
0x251: {  	[tilespmem:s0+$0xFFFFFF20] =	vst v1  }
0x252: {  	v1 =	vld.idx.msk [tilespmem:v0+s18+$0xFFFFFFBE ss:$0x1], $0xffff;
	_ =	sdelay $0x4  }
0x253: {  	[tilespmem:s0+$0xFFFFFF30] =	vst v1  }
0x254: {  	v1 =	vld.idx.msk [tilespmem:v0+s18+$0xFFFFFFCE ss:$0x1], $0xffff;
	_ =	sdelay $0x4  }
0x255: {  	[tilespmem:s0+$0xFFFFFF40] =	vst v1  }
0x256: {  	v1 =	vld.idx.msk [tilespmem:v0+s18+$0xFFFFFFDE ss:$0x1], $0xffff;
	_ =	sdelay $0x4  }
0x257: {  	[tilespmem:s0+$0xFFFFFF50] =	vst v1  }
0x258: {  	v1 =	vld.idx.msk [tilespmem:v0+s18+$0xFFFFFFEE ss:$0x1], $0xffff;
	_ =	sdelay $0x4  }
0x259: {  	[tilespmem:s0+$0xFFFFFF60] =	vst v1  }
0x25a: {  	v1 =	vld.idx.msk [tilespmem:v0+s18+$0xFFFFFFFE ss:$0x1], $0xffff;
	_ =	sdelay $0x4  }
0x25b: {  	[tilespmem:s0+$0xFFFFFF70] =	vst v1  }
0x25c: {  	v1 =	vld.idx.msk [tilespmem:v0+s18+$0xFFFFFF8D ss:$0x1], $0xffff;
	_ =	sdelay $0x4  }
0x25d: {  	[tilespmem:s0+$0xFFFFFF80] =	vst v1  }
0x25e: {  	v1 =	vld.idx.msk [tilespmem:v0+s18+$0xFFFFFF9D ss:$0x1], $0xffff;
	_ =	sdelay $0x4  }
0x25f: {  	[tilespmem:s0+$0xFFFFFF90] =	vst v1  }
0x260: {  	v1 =	vld.idx.msk [tilespmem:v0+s18+$0xFFFFFFAD ss:$0x1], $0xffff;
	_ =	sdelay $0x4  }
0x261: {  	[tilespmem:s0+$0xFFFFFFA0] =	vst v1  }
0x262: {  	v1 =	vld.idx.msk [tilespmem:v0+s18+$0xFFFFFFBD ss:$0x1], $0xffff;
	_ =	sdelay $0x4  }
0x263: {  	[tilespmem:s0+$0xFFFFFFB0] =	vst v1  }
0x264: {  	v1 =	vld.idx.msk [tilespmem:v0+s18+$0xFFFFFFCD ss:$0x1], $0xffff;
	_ =	sdelay $0x4  }
0x265: {  	[tilespmem:s0+$0xFFFFFFC0] =	vst v1  }
0x266: {  	v1 =	vld.idx.msk [tilespmem:v0+s18+$0xFFFFFFDD ss:$0x1], $0xffff;
	_ =	sdelay $0x4  }
0x267: {  	[tilespmem:s0+$0xFFFFFFD0] =	vst v1  }
0x268: {  	v1 =	vld.idx.msk [tilespmem:v0+s18+$0xFFFFFFED ss:$0x1], $0xffff;
	_ =	sdelay $0x4  }
0x269: {  	[tilespmem:s0+$0xFFFFFFE0] =	vst v1  }
0x26a: {  	v1 =	vld.idx.msk [tilespmem:v0+s18+$0xFFFFFFFD ss:$0x1], $0xffff;
	_ =	sdelay $0x4  }
0x26b: {  	[tilespmem:s0+$0xFFFFFFF0] =	vst v1  }
0x26c: {  	v1 =	vld.idx.msk [tilespmem:v0+s18+$0xFFFFFF8C ss:$0x1], $0xffff;
	_ =	sdelay $0x4  }
0x26d: {  	[tilespmem:s0+$0x0] =	vst v1  }
0x26e: {  	v1 =	vld.idx.msk [tilespmem:v0+s18+$0xFFFFFF9C ss:$0x1], $0xffff;
	_ =	sdelay $0x4  }
0x26f: {  	[tilespmem:s0+$0x10] =	vst v1  }
0x270: {  	v1 =	vld.idx.msk [tilespmem:v0+s18+$0xFFFFFFAC ss:$0x1], $0xffff;
	_ =	sdelay $0x4  }
0x271: {  	[tilespmem:s0+$0x20] =	vst v1  }
0x272: {  	v1 =	vld.idx.msk [tilespmem:v0+s18+$0xFFFFFFBC ss:$0x1], $0xffff;
	_ =	sdelay $0x4  }
0x273: {  	[tilespmem:s0+$0x30] =	vst v1  }
0x274: {  	v1 =	vld.idx.msk [tilespmem:v0+s18+$0xFFFFFFCC ss:$0x1], $0xffff;
	_ =	sdelay $0x4  }
0x275: {  	[tilespmem:s0+$0x40] =	vst v1  }
0x276: {  	v1 =	vld.idx.msk [tilespmem:v0+s18+$0xFFFFFFDC ss:$0x1], $0xffff;
	_ =	sdelay $0x4  }
0x277: {  	[tilespmem:s0+$0x50] =	vst v1  }
0x278: {  	v1 =	vld.idx.msk [tilespmem:v0+s18+$0xFFFFFFEC ss:$0x1], $0xffff;
	_ =	sdelay $0x4  }
0x279: {  	[tilespmem:s0+$0x60] =	vst v1  }
0x27a: {  	v1 =	vld.idx.msk [tilespmem:v0+s18+$0xFFFFFFFC ss:$0x1], $0xffff;
	_ =	sdelay $0x4  }
0x27b: {  	[tilespmem:s0+$0x70] =	vst v1  }
0x27c: {  	v1 =	vld.idx.msk [tilespmem:v0+s18+$0xFFFFFF8B ss:$0x1], $0xffff;
	_ =	sdelay $0x4  }
0x27d: {  	[tilespmem:s0+$0x80] =	vst v1  }
0x27e: {  	v1 =	vld.idx.msk [tilespmem:v0+s18+$0xFFFFFF9B ss:$0x1], $0xffff;
	_ =	sdelay $0x4  }
0x27f: {  	[tilespmem:s0+$0x90] =	vst v1  }
0x280: {  	v1 =	vld.idx.msk [tilespmem:v0+s18+$0xFFFFFFAB ss:$0x1], $0xffff;
	_ =	sdelay $0x4  }
0x281: {  	[tilespmem:s0+$0xA0] =	vst v1  }
0x282: {  	v1 =	vld.idx.msk [tilespmem:v0+s18+$0xFFFFFFBB ss:$0x1], $0xffff;
	_ =	sdelay $0x4  }
0x283: {  	[tilespmem:s0+$0xB0] =	vst v1  }
0x284: {  	v1 =	vld.idx.msk [tilespmem:v0+s18+$0xFFFFFFCB ss:$0x1], $0xffff;
	_ =	sdelay $0x4  }
0x285: {  	[tilespmem:s0+$0xC0] =	vst v1  }
0x286: {  	v1 =	vld.idx.msk [tilespmem:v0+s18+$0xFFFFFFDB ss:$0x1], $0xffff;
	_ =	sdelay $0x4  }
0x287: {  	[tilespmem:s0+$0xD0] =	vst v1  }
0x288: {  	v1 =	vld.idx.msk [tilespmem:v0+s18+$0xFFFFFFEB ss:$0x1], $0xffff;
	_ =	sdelay $0x4  }
0x289: {  	[tilespmem:s0+$0xE0] =	vst v1  }
0x28a: {  	v1 =	vld.idx.msk [tilespmem:v0+s18+$0xFFFFFFFB ss:$0x1], $0xffff;
	_ =	sdelay $0x4  }
0x28b: {  	[tilespmem:s0+$0xF0] =	vst v1  }
0x28c: {  	v1 =	vld.idx.msk [tilespmem:v0+s18+$0xFFFFFF8A ss:$0x1], $0xffff;
	_ =	sdelay $0x4  }
0x28d: {  	[tilespmem:s0+$0x100] =	vst v1  }
0x28e: {  	v1 =	vld.idx.msk [tilespmem:v0+s18+$0xFFFFFF9A ss:$0x1], $0xffff;
	_ =	sdelay $0x4  }
0x28f: {  	[tilespmem:s0+$0x110] =	vst v1  }
0x290: {  	v1 =	vld.idx.msk [tilespmem:v0+s18+$0xFFFFFFAA ss:$0x1], $0xffff;
	_ =	sdelay $0x4  }
0x291: {  	[tilespmem:s0+$0x120] =	vst v1  }
0x292: {  	v1 =	vld.idx.msk [tilespmem:v0+s18+$0xFFFFFFBA ss:$0x1], $0xffff;
	_ =	sdelay $0x4  }
0x293: {  	[tilespmem:s0+$0x130] =	vst v1  }
0x294: {  	v1 =	vld.idx.msk [tilespmem:v0+s18+$0xFFFFFFCA ss:$0x1], $0xffff;
	_ =	sdelay $0x4  }
0x295: {  	[tilespmem:s0+$0x140] =	vst v1  }
0x296: {  	v1 =	vld.idx.msk [tilespmem:v0+s18+$0xFFFFFFDA ss:$0x1], $0xffff;
	_ =	sdelay $0x4  }
0x297: {  	[tilespmem:s0+$0x150] =	vst v1  }
0x298: {  	v1 =	vld.idx.msk [tilespmem:v0+s18+$0xFFFFFFEA ss:$0x1], $0xffff;
	_ =	sdelay $0x4  }
0x299: {  	[tilespmem:s0+$0x160] =	vst v1  }
0x29a: {  	v1 =	vld.idx.msk [tilespmem:v0+s18+$0xFFFFFFFA ss:$0x1], $0xffff;
	_ =	sdelay $0x4  }
0x29b: {  	[tilespmem:s0+$0x170] =	vst v1  }
0x29c: {  	v1 =	vld.idx.msk [tilespmem:v0+s18+$0xFFFFFF89 ss:$0x1], $0xffff;
	_ =	sdelay $0x4  }
0x29d: {  	[tilespmem:s0+$0x180] =	vst v1  }
0x29e: {  	v1 =	vld.idx.msk [tilespmem:v0+s18+$0xFFFFFF99 ss:$0x1], $0xffff;
	_ =	sdelay $0x4  }
0x29f: {  	[tilespmem:s0+$0x190] =	vst v1  }
0x2a0: {  	v1 =	vld.idx.msk [tilespmem:v0+s18+$0xFFFFFFA9 ss:$0x1], $0xffff;
	_ =	sdelay $0x4  }
0x2a1: {  	[tilespmem:s0+$0x1A0] =	vst v1  }
0x2a2: {  	v1 =	vld.idx.msk [tilespmem:v0+s18+$0xFFFFFFB9 ss:$0x1], $0xffff;
	_ =	sdelay $0x4  }
0x2a3: {  	[tilespmem:s0+$0x1B0] =	vst v1  }
0x2a4: {  	v1 =	vld.idx.msk [tilespmem:v0+s18+$0xFFFFFFC9 ss:$0x1], $0xffff;
	_ =	sdelay $0x4  }
0x2a5: {  	[tilespmem:s0+$0x1C0] =	vst v1  }
0x2a6: {  	v1 =	vld.idx.msk [tilespmem:v0+s18+$0xFFFFFFD9 ss:$0x1], $0xffff;
	_ =	sdelay $0x4  }
0x2a7: {  	[tilespmem:s0+$0x1D0] =	vst v1  }
0x2a8: {  	v1 =	vld.idx.msk [tilespmem:v0+s18+$0xFFFFFFE9 ss:$0x1], $0xffff;
	_ =	sdelay $0x4  }
0x2a9: {  	[tilespmem:s0+$0x1E0] =	vst v1  }
0x2aa: {  	v63 =	vld.idx.msk [tilespmem:v0+s18+$0xFFFFFFF9 ss:$0x1], $0xffff;
	_ =	sdelay $0x3  }
0x2ab: {  	s3 =	sshrl.u32 s14, $0x3;
	s31 =	sadd.s32 $0x3C00, s16  }
0x2ac: {  	s30 =	sadd.s32 s1, s3;
	s3 =	smov.u32 s14;
	[tilespmem:s0+$0x1F0] =	vst v63;
	s0 =	simm.s32 $0xE000  }
0x2ad: {  	[hbm4b:s30+s2] =	stream.linear.scatter [tilespmem:s31], [sflag:$0x1], $0x4000, $0x38;
	[tilespmem:$0x11080] =	vst v63  }
.LBB2_7:
0x2ae: {  	p1 =	sne.s32 s0, $0x0  }
.Ltmp2:
0x2af: {  	_ = 	snop;
	(pc) =	sbr.rel @p1 .LBB2_7-.Ltmp2, $4  }
0x2b0: {  	s3 =	sadd.s32 $0x40000, s3  }
0x2b1: {  	s5 =	sshra.s32 s0, $0x2;
	s6 =	sshrl.u32 s3, $0x3  }
0x2b2: {  	s0 =	sadd.s32 $0xFFFFF000, s0;
	s5 =	sadd.s32 s5, s16;
	s6 =	sadd.s32 s1, s6  }
0x2b3: {  	[hbm4b:s6+s2] =	stream.linear.scatter [tilespmem:s5], [sflag:$0x1], $0x4000, $0x38;
	[tilespmem:$0x11080] =	vst v63  }
0x2b4: {  	_ =	swait.ge [sflag:s4], $0x4000  }
0x2b5: {  	[sflag:s4] =	ssyncset.done $0x0  }
0x2b6: {  	[sflag:s4] =	ssyncadd.s32 $0xFFFFC000  }
0x2b7: {  	_ =	swait.ge [sflag:s4], $0x4000  }
0x2b8: {  	[sflag:s4] =	ssyncset.done $0x0  }
0x2b9: {  	[sflag:s4] =	ssyncadd.s32 $0xFFFFC000  }
0x2ba: {  	_ =	swait.ge [sflag:s4], $0x4000  }
0x2bb: {  	[sflag:s4] =	ssyncset.done $0x0  }
0x2bc: {  	[sflag:s4] =	ssyncadd.s32 $0xFFFFC000  }
0x2bd: {  	_ =	swait.ge [sflag:s4], $0x4000  }
0x2be: {  	[sflag:s4] =	ssyncset.done $0x0  }
0x2bf: {  	[sflag:s4] =	ssyncadd.s32 $0xFFFFC000  }
0x2c0: {  	_ =	swait.ge [sflag:s4], $0x4000  }
0x2c1: {  	[sflag:s4] =	ssyncset.done $0x0  }
0x2c2: {  	[sflag:s4] =	ssyncadd.s32 $0xFFFFC000  }
0x2c3: {  	_ =	swait.ge [sflag:s4], $0x4000  }
0x2c4: {  	[sflag:s4] =	ssyncset.done $0x0  }
0x2c5: {  	[sflag:s4] =	ssyncadd.s32 $0xFFFFC000  }
0x2c6: {  	_ =	swait.ge [sflag:s4], $0x4000  }
0x2c7: {  	[sflag:s4] =	ssyncset.done $0x0  }
0x2c8: {  	[sflag:s4] =	ssyncadd.s32 $0xFFFFC000  }
0x2c9: {  	_ =	swait.ge [sflag:s4], $0x4000  }
0x2ca: {  	[sflag:s4] =	ssyncset.done $0x0  }
0x2cb: {  	[sflag:s4] =	ssyncadd.s32 $0xFFFFC000  }
0x2cc: {  	_ =	swait.ge [sflag:s4], $0x4000  }
0x2cd: {  	[sflag:s4] =	ssyncset.done $0x0  }
0x2ce: {  	[sflag:s4] =	ssyncadd.s32 $0xFFFFC000  }
0x2cf: {  	_ =	swait.ge [sflag:s4], $0x4000  }
0x2d0: {  	[sflag:s4] =	ssyncset.done $0x0  }
0x2d1: {  	[sflag:s4] =	ssyncadd.s32 $0xFFFFC000  }
0x2d2: {  	_ =	swait.ge [sflag:s4], $0x4000  }
0x2d3: {  	[sflag:s4] =	ssyncset.done $0x0  }
0x2d4: {  	[sflag:s4] =	ssyncadd.s32 $0xFFFFC000  }
0x2d5: {  	_ =	swait.ge [sflag:s4], $0x4000  }
0x2d6: {  	[sflag:s4] =	ssyncset.done $0x0  }
0x2d7: {  	[sflag:s4] =	ssyncadd.s32 $0xFFFFC000  }
0x2d8: {  	_ =	swait.ge [sflag:s4], $0x4000  }
0x2d9: {  	[sflag:s4] =	ssyncset.done $0x0  }
0x2da: {  	[sflag:s4] =	ssyncadd.s32 $0xFFFFC000  }
0x2db: {  	_ =	swait.ge [sflag:s4], $0x4000  }
0x2dc: {  	[sflag:s4] =	ssyncset.done $0x0  }
0x2dd: {  	s13 =	sadd.s32 $0x1, s13;
	[sflag:s4] =	ssyncadd.s32 $0xFFFFC000  }
0x2de: {  	p1 =	sne.s32 s13, $0x8;
	_ =	swait.ge [sflag:s4], $0x4000  }
.Ltmp3:
0x2df: {  	[sflag:s4] =	ssyncset.done $0x0;
	(pc) =	sbr.rel @p1 .LBB2_4-.Ltmp3, $4  }
0x2e0: {  	[sflag:s4] =	ssyncadd.s32 $0xFFFFC000  }
0x2e1: {  	_ =	swait.ge [sflag:s4], $0x4000  }
0x2e2: {  	p0 =	por !p0, !p0;
	[sflag:s4] =	ssyncset.done $0x0  }
0x2e3: {  	s15 =	sadd.s32 $0x10, s15;
	s14 =	sadd.s32 $0xFFFF8000, s14;
	[sflag:s4] =	ssyncadd.s32 $0xFFFFC000  }
0x2e4: {  	_ =	swait.ge [sflag:s4], $0x4000  }
0x2e5: {  	[sflag:s4] =	ssyncset.done $0x0  }
0x2e6: {  	[sflag:s4] =	ssyncadd.s32 $0xFFFFC000  }
0x2e7: {  	_ =	swait.ge [sflag:s4], $0x4000  }
0x2e8: {  	[sflag:s4] =	ssyncset.done $0x0  }
0x2e9: {  	[sflag:s4] =	ssyncadd.s32 $0xFFFFC000  }
0x2ea: {  	_ =	swait.ge [sflag:s4], $0x4000  }
0x2eb: {  	[sflag:s4] =	ssyncset.done $0x0  }
0x2ec: {  	[sflag:s4] =	ssyncadd.s32 $0xFFFFC000  }
0x2ed: {  	_ =	swait.ge [sflag:s4], $0x4000  }
0x2ee: {  	[sflag:s4] =	ssyncset.done $0x0  }
0x2ef: {  	[sflag:s4] =	ssyncadd.s32 $0xFFFFC000  }
0x2f0: {  	_ =	swait.ge [sflag:s4], $0x4000  }
0x2f1: {  	[sflag:s4] =	ssyncset.done $0x0  }
0x2f2: {  	[sflag:s4] =	ssyncadd.s32 $0xFFFFC000  }
0x2f3: {  	_ =	swait.ge [sflag:s4], $0x4000  }
0x2f4: {  	[sflag:s4] =	ssyncset.done $0x0  }
0x2f5: {  	[sflag:s4] =	ssyncadd.s32 $0xFFFFC000  }
0x2f6: {  	_ =	swait.ge [sflag:s4], $0x4000  }
0x2f7: {  	[sflag:s4] =	ssyncset.done $0x0  }
0x2f8: {  	[sflag:s4] =	ssyncadd.s32 $0xFFFFC000  }
0x2f9: {  	_ =	swait.ge [sflag:s4], $0x4000  }
0x2fa: {  	[sflag:s4] =	ssyncset.done $0x0  }
0x2fb: {  	[sflag:s4] =	ssyncadd.s32 $0xFFFFC000  }
0x2fc: {  	_ =	swait.ge [sflag:s4], $0x4000  }
0x2fd: {  	[sflag:s4] =	ssyncset.done $0x0  }
0x2fe: {  	[sflag:s4] =	ssyncadd.s32 $0xFFFFC000  }
0x2ff: {  	_ =	swait.ge [sflag:s4], $0x4000  }
0x300: {  	[sflag:s4] =	ssyncset.done $0x0  }
0x301: {  	[sflag:s4] =	ssyncadd.s32 $0xFFFFC000  }
0x302: {  	_ =	swait.ge [sflag:s4], $0x4000  }
0x303: {  	[sflag:s4] =	ssyncset.done $0x0  }
0x304: {  	[sflag:s4] =	ssyncadd.s32 $0xFFFFC000  }
0x305: {  	_ =	swait.ge [sflag:s4], $0x4000  }
0x306: {  	[sflag:s4] =	ssyncset.done $0x0  }
0x307: {  	[sflag:s4] =	ssyncadd.s32 $0xFFFFC000  }
0x308: {  	_ =	swait.ge [sflag:s4], $0x4000  }
0x309: {  	[sflag:s4] =	ssyncset.done $0x0  }
0x30a: {  	[sflag:s4] =	ssyncadd.s32 $0xFFFFC000  }
0x30b: {  	_ =	swait.ge [sflag:s4], $0x4000  }
0x30c: {  	[sflag:s4] =	ssyncset.done $0x0  }
0x30d: {  	[sflag:s4] =	ssyncadd.s32 $0xFFFFC000  }
0x30e: {  	_ =	swait.ge [sflag:s4], $0x4000  }
0x30f: {  	[sflag:s4] =	ssyncset.done $0x0  }
0x310: {  	[sflag:s4] =	ssyncadd.s32 $0xFFFFC000  }
0x311: {  	_ =	swait.ge [sflag:s4], $0x4000  }
0x312: {  	s0 =	sld [smem:$0x7F9];
	_ =	sdelay $0x1  }
0x313: {  	s12 =	sadd.s32 $0x1, s12  }
0x314: {  	p0 =	sne.s32 s12, s0  }
.Ltmp4:
0x315: {  	_ = 	snop;
	(pc) =	sbr.rel @p0 .LBB2_1-.Ltmp4, $3  }
0x316: {  	_ =	sdelay $0x1  }
0x317: {  	[sflag:s4] =	ssyncset.done $0x0  }
0x318: {  	[sflag:s4] =	ssyncadd.s32 $0xFFFFC000  }
0x319: {  	_ =	sfence.sel $0x180000  }
0x31a: {  	[bflag:$0x0] =	sbarrier.arrive $0xFFFF  }
0x31b: {  	_ =	strace $0x90000047  }
0x31c: {  	s0 =	stileid.u32;
	[bflag:$0x2] =	sbarrier.arrive $0xFFFF  }
0x31d: {  	p0 =	sne.s32 s0, $0x0;
	s0 =	rddreg [dreg:$0x2]  }
0x31e: {  	s0 =	sadd.s32 @!p0 $0x100000, s0  }
0x31f: {  	[sflag:s0] =	ssyncadd.tile.s32 @!p0 $0x1;
	_ =	shalt  }
.Lfunc_end2:
_tile_overlayer_lowered:
.L_overlay_start_2:
0x320: {  	(tag) =	ssettag $0x2  }
0x321: {  	s0 =	rddreg [dreg:$0x0];
	s2 =	stileid.u32  }
0x322: {  	s1 =	rddreg [dreg:$0x1];
	p0 =	sne.s32 s2, $0x0  }
0x323: {  	s3 =	rddreg [dreg:$0x2];
	[bflag:$0x3] =	sbarrier.arrive $0xFFFF;
	s2 =	simm.s32 @!p0 $0x1C02  }
0x324: {  	[timem:s3], [sflag:s2] =	dma.local @!p0 [hbm:s0], s1  }
0x325: {  	s0 =	simm.s32 @!p0 $0x2  }
0x326: {  	_ =	swait.ge @!p0 [sflag:s0], s1  }
0x327: {  	s1 =	ssub.s32 @!p0 $0x0, s1;
	[sflag:s0] =	ssyncset.done @!p0 $0x0  }
0x328: {  	[sflag:s0] =	ssyncadd.s32 @!p0 s1  }
0x329: {  	[bflag:$0x3] =	sbarrier.arrive $0xFFFF  }
0x32a: {  	_ =	shalt  }

</sc_bundles>
